<compile_context>
chip_gen: v7x
topology: tpu7x:2x2x1
jax: 0.10.2.dev20260603
libtpu: 0.0.44.dev20260713+nightly
codegen_flags: <defaults>
</compile_context>

<pallas_src>
import functools

import numpy as _np

import jax
import jax.numpy as jnp
from jax import lax
from jax.experimental import pallas as pl
from jax.experimental.pallas import tpu as pltpu
from jax.experimental.pallas import tpu_sc as plsc

NN = 10000
NP = 10240
EE = 320000
DD = 128
KP = 20
NC = 2
NS = 16
NW = NC * NS
EW = EE // NW
CH = 80
NCH = EW // CH
GS = 25
NG = NCH // GS
SLICE = NP // NS
BN = 1000
BE = 2560

_EPS = 1e-5


def _ln_lanes(y, g, b, n_lanes):
    mu = jnp.sum(y, axis=1, keepdims=True) / n_lanes
    diff = y - mu
    var = jnp.sum(diff * diff, axis=1, keepdims=True) / n_lanes
    return diff * lax.rsqrt(var + _EPS) * g + b


def _pre_body(x_ref, wpn_ref, bpn_ref, g1_ref, b1_ref, wan_ref, ban_ref,
              wped_ref, wpes_ref, bpe_ref, proj_ref, hv_ref, ld_ref, ls_ref):
    x = x_ref[...]
    p = jnp.dot(x, wpn_ref[...], preferred_element_type=jnp.float32) + bpn_ref[...]
    mask = lax.broadcasted_iota(jnp.int32, p.shape, 1) < KP
    mu = jnp.sum(p, axis=1, keepdims=True) / KP
    diff = jnp.where(mask, p - mu, 0.0)
    var = jnp.sum(diff * diff, axis=1, keepdims=True) / KP
    proj_ref[...] = jnp.maximum(diff * lax.rsqrt(var + _EPS) * g1_ref[...] + b1_ref[...],
                                0.0).astype(jnp.bfloat16)
    hv_ref[...] = jnp.dot(x, wan_ref[...], preferred_element_type=jnp.float32) + ban_ref[...]
    ld_ref[...] = jnp.sum(x * wped_ref[...], axis=1, keepdims=True) + bpe_ref[...]
    ls_ref[...] = jnp.sum(x * wpes_ref[...], axis=1, keepdims=True)


def _kron_body(ab_ref, ra_ref, rb_ref, w_ref, bpk_ref, g2_ref, b2_ref, ke_ref):
    ab = ab_ref[...]
    arep = jnp.dot(ab, ra_ref[...], preferred_element_type=jnp.float32)
    brep = jnp.dot(ab, rb_ref[...], preferred_element_type=jnp.float32)
    k3 = (arep * brep).astype(jnp.bfloat16)
    pre = jnp.dot(k3, w_ref[...], preferred_element_type=jnp.float32) + bpk_ref[...]
    ke_ref[...] = jnp.maximum(_ln_lanes(pre, g2_ref[...], b2_ref[...], DD), 0.0)


def _fin_body(x_ref, n0_ref, n1_ref, s0_ref, s1_ref, k0_ref, k1_ref, k2_ref, k3_ref,
              wih_ref, bih_ref, whh_ref, bhh_ref, g3_ref, b3_ref,
              wch_ref, wck_ref, bcp_ref, g4_ref, b4_ref, out_ref):
    x = x_ref[...]
    s = jnp.maximum(s0_ref[...] + s1_ref[...], 1e-12)
    ctx = jnp.maximum((n0_ref[...] + n1_ref[...]) / s, 0.0)
    nk = (k0_ref[...] + k1_ref[...]) + (k2_ref[...] + k3_ref[...])
    gi = jnp.dot(ctx, wih_ref[...], preferred_element_type=jnp.float32) + bih_ref[...]
    gh = jnp.dot(x, whh_ref[...], preferred_element_type=jnp.float32) + bhh_ref[...]
    r = jax.nn.sigmoid(gi[:, :DD] + gh[:, :DD])
    z = jax.nn.sigmoid(gi[:, DD:2 * DD] + gh[:, DD:2 * DD])
    nc = jnp.tanh(gi[:, 2 * DD:] + r * gh[:, 2 * DD:])
    h = jnp.maximum((1.0 - z) * nc + z * x, 0.0)
    h = _ln_lanes(h, g3_ref[...], b3_ref[...], DD)
    o = (jnp.dot(h, wch_ref[...], preferred_element_type=jnp.float32)
         + jnp.dot(nk, wck_ref[...], preferred_element_type=jnp.float32) + bcp_ref[...])
    out_ref[...] = jnp.maximum(_ln_lanes(o, g4_ref[...], b4_ref[...], DD), 0.0)


def _ab_sc_body(proj_hbm, src_hbm, dst_hbm, ab_hbm,
                idxs_v, idxd_v, ag_v, bg_v, sem_a, sem_b):
    c = lax.axis_index("c")
    sid = lax.axis_index("s")
    wid = sid * NC + c
    base_e = wid * EW
    gsz = GS * CH

    def group(gq, carry):
        pltpu.sync_copy(src_hbm.at[pl.ds(base_e + gq * gsz, gsz)], idxs_v)
        pltpu.sync_copy(dst_hbm.at[pl.ds(base_e + gq * gsz, gsz)], idxd_v)

        def fire(jj, carry2):
            pltpu.async_copy(proj_hbm.at[idxs_v.at[pl.ds(jj * CH, CH)]],
                             ag_v.at[pl.ds(jj * CH, CH)], sem_a)
            pltpu.async_copy(proj_hbm.at[idxd_v.at[pl.ds(jj * CH, CH)]],
                             bg_v.at[pl.ds(jj * CH, CH)], sem_b)
            return carry2

        lax.fori_loop(0, GS, fire, 0, unroll=False)
        dst_a = ab_hbm.at[pl.ds(base_e + gq * gsz, gsz), pl.ds(0, 32)]
        dst_b = ab_hbm.at[pl.ds(base_e + gq * gsz, gsz), pl.ds(32, 32)]
        pltpu.make_async_copy(dst_a, ag_v, sem_a).wait()
        pltpu.make_async_copy(dst_b, bg_v, sem_b).wait()
        pltpu.sync_copy(ag_v, dst_a)
        pltpu.sync_copy(bg_v, dst_b)
        return carry

    lax.fori_loop(0, NG, group, 0, unroll=False)


def _att_sc_body(hv_hbm, ld_hbm, ls_hbm, src_hbm, dst_hbm, zero_hbm,
                 num_hbm, s_hbm,
                 ld_v, ls_v, idxs_v, idxd_v, idxd2_v, e_v, hs_v, sem_h,
                 num_sh, s_sh):
    c = lax.axis_index("c")
    sid = lax.axis_index("s")
    wid = sid * NC + c
    base_e = wid * EW
    base_n = sid * SLICE

    pltpu.sync_copy(zero_hbm.at[pl.ds(base_n, SLICE)], num_sh.at[pl.ds(base_n, SLICE)])
    pltpu.sync_copy(zero_hbm.at[0, pl.ds(0, SLICE)], s_sh.at[pl.ds(base_n, SLICE)])

    pltpu.sync_copy(ld_hbm, ld_v)
    pltpu.sync_copy(ls_hbm, ls_v)
    plsc.subcore_barrier()

    def group(gq, carry):
        gsz = GS * CH
        pltpu.sync_copy(src_hbm.at[pl.ds(base_e + gq * gsz, gsz)], idxs_v)
        pltpu.sync_copy(dst_hbm.at[pl.ds(base_e + gq * gsz, gsz)], idxd_v)

        def mk2d(jj, carry2):
            for g in range(CH // 16):
                idxd2_v[jj, pl.ds(g * 16, 16)] = idxd_v[pl.ds(jj * CH + g * 16, 16)]
            return carry2

        lax.fori_loop(0, GS, mk2d, 0, unroll=False)
        pltpu.async_copy(hv_hbm.at[idxs_v.at[pl.ds(0, CH)]], hs_v.at[0], sem_h)

        def chunk(jj, carry2):
            p = jax.lax.rem(jj, 2)
            idx_d = idxd2_v.at[jj]
            pltpu.make_async_copy(hv_hbm.at[idxs_v.at[pl.ds(jj * CH, CH)]],
                                  hs_v.at[p], sem_h).wait()

            @pl.when(jj + 1 < GS)
            def _prefetch():
                pltpu.async_copy(hv_hbm.at[idxs_v.at[pl.ds((jj + 1) * CH, CH)]],
                                 hs_v.at[1 - p], sem_h)

            for g in range(CH // 16):
                ids = idxs_v[pl.ds(jj * CH + g * 16, 16)]
                idd = idxd_v[pl.ds(jj * CH + g * 16, 16)]
                lsg = plsc.load_gather(ls_v, [ids])
                ldg = plsc.load_gather(ld_v, [idd])
                e_v[pl.ds(g * 16, 16)] = jnp.exp(jnp.maximum(ldg + lsg, 0.0))

            def scale_row(r, carry3):
                w16 = plsc.load_gather(e_v, [jnp.full((16,), r, jnp.int32)])
                for q in range(DD // 16):
                    hs_v[p, r, pl.ds(q * 16, 16)] = hs_v[p, r, pl.ds(q * 16, 16)] * w16
                return carry3

            lax.fori_loop(0, CH, scale_row, 0, unroll=False)
            pltpu.sync_copy(hs_v.at[p], num_sh.at[idx_d], add=True)
            pltpu.sync_copy(e_v, s_sh.at[idx_d], add=True)
            return carry2

        lax.fori_loop(0, GS, chunk, 0, unroll=False)
        return carry

    lax.fori_loop(0, NG, group, 0, unroll=False)
    plsc.subcore_barrier()
    pltpu.sync_copy(num_sh.at[pl.ds(base_n, SLICE)], num_hbm.at[c, pl.ds(base_n, SLICE)])
    pltpu.sync_copy(s_sh.at[pl.ds(base_n, SLICE)], s_hbm.at[c, pl.ds(base_n, SLICE)])


def _mk_nk_body(ew, nch):
    def _nk_sc_body(ke_hbm, dst_hbm, zero_hbm, nk_hbm, idxd_v, idxd2_v, ke_v, sem_k, nk_sh):
        c = lax.axis_index("c")
        sid = lax.axis_index("s")
        wid = sid * NC + c
        base_e = wid * ew
        base_n = sid * SLICE

        pltpu.sync_copy(zero_hbm.at[pl.ds(base_n, SLICE)], nk_sh.at[pl.ds(base_n, SLICE)])
        pltpu.sync_copy(dst_hbm.at[pl.ds(base_e, ew)], idxd_v)

        def mk2d(jj, carry2):
            for g in range(CH // 16):
                idxd2_v[jj, pl.ds(g * 16, 16)] = idxd_v[pl.ds(jj * CH + g * 16, 16)]
            return carry2

        lax.fori_loop(0, nch, mk2d, 0, unroll=False)
        plsc.subcore_barrier()
        pltpu.async_copy(ke_hbm.at[pl.ds(base_e, CH)], ke_v.at[0], sem_k)

        def chunk(j, carry):
            p = jax.lax.rem(j, 2)
            pltpu.make_async_copy(ke_hbm.at[pl.ds(base_e + j * CH, CH)], ke_v.at[p], sem_k).wait()

            @pl.when(j + 1 < nch)
            def _prefetch():
                pltpu.async_copy(ke_hbm.at[pl.ds(base_e + (j + 1) * CH, CH)], ke_v.at[1 - p],
                                 sem_k)

            pltpu.sync_copy(ke_v.at[p], nk_sh.at[idxd2_v.at[j]], add=True)
            return carry

        lax.fori_loop(0, nch, chunk, 0, unroll=False)
        plsc.subcore_barrier()
        pltpu.sync_copy(nk_sh.at[pl.ds(base_n, SLICE)], nk_hbm.at[c, pl.ds(base_n, SLICE)])
    return _nk_sc_body


_SC_MESH = plsc.VectorSubcoreMesh(core_axis_name="c", subcore_axis_name="s",
                                  num_cores=NC, num_subcores=NS)
_SC_PARAMS = pltpu.CompilerParams(use_tc_tiling_on_sc=False,
                                  needs_layout_passes=False)


def _make_ab_sc():
    f32 = jnp.float32
    return functools.partial(
        pl.kernel, mesh=_SC_MESH, compiler_params=_SC_PARAMS,
        out_type=jax.ShapeDtypeStruct((EE, 64), jnp.bfloat16),
        scratch_types=[pltpu.VMEM((GS * CH,), jnp.int32), pltpu.VMEM((GS * CH,), jnp.int32),
                       pltpu.VMEM((GS * CH, 32), jnp.bfloat16),
                       pltpu.VMEM((GS * CH, 32), jnp.bfloat16),
                       pltpu.SemaphoreType.DMA, pltpu.SemaphoreType.DMA],
    )(_ab_sc_body)


def _make_att_sc():
    f32 = jnp.float32
    return functools.partial(
        pl.kernel, mesh=_SC_MESH, compiler_params=_SC_PARAMS,
        out_type=(jax.ShapeDtypeStruct((NC, NP, DD), f32),
                  jax.ShapeDtypeStruct((NC, NP), f32)),
        scratch_types=[pltpu.VMEM((NN,), f32), pltpu.VMEM((NN,), f32),
                       pltpu.VMEM((GS * CH,), jnp.int32), pltpu.VMEM((GS * CH,), jnp.int32),
                       pltpu.VMEM((GS, CH), jnp.int32),
                       pltpu.VMEM((CH,), f32), pltpu.VMEM((2, CH, DD), f32),
                       pltpu.SemaphoreType.DMA,
                       pltpu.VMEM_SHARED((NP, DD), f32), pltpu.VMEM_SHARED((NP,), f32)],
    )(_att_sc_body)


def _make_nk_sc(ew, nch):
    f32 = jnp.float32
    return functools.partial(
        pl.kernel, mesh=_SC_MESH, compiler_params=_SC_PARAMS,
        out_type=jax.ShapeDtypeStruct((NC, NP, DD), f32),
        scratch_types=[pltpu.VMEM((ew,), jnp.int32), pltpu.VMEM((nch, CH), jnp.int32),
                       pltpu.VMEM((2, CH, DD), f32),
                       pltpu.SemaphoreType.DMA,
                       pltpu.VMEM_SHARED((NP, DD), f32)],
    )(_mk_nk_body(ew, nch))


def kernel(x, edge_index, W_pn, b_pn, ln1_g, ln1_b, W_pk, b_pk, ln2_g, ln2_b,
           W_pe, b_pe, W_an, b_an, W_ih, b_ih, W_hh, b_hh, ln3_g, ln3_b,
           W_cp, b_cp, ln4_g, ln4_b):
    f32 = jnp.float32
    wpn32 = jnp.pad(W_pn, ((0, 0), (0, 12)))
    bpn32 = jnp.pad(b_pn, (0, 12)).reshape(1, 32)
    g1 = jnp.pad(ln1_g, (0, 12)).reshape(1, 32)
    b1 = jnp.pad(ln1_b, (0, 12)).reshape(1, 32)
    w640 = jnp.pad(W_pk.reshape(KP, KP, DD), ((0, 0), (0, 12), (0, 0))).reshape(640, DD).astype(jnp.bfloat16)
    wped = W_pe[:DD].reshape(1, DD)
    wpes = W_pe[DD:].reshape(1, DD)
    bpe = b_pe.reshape(1, 1)
    src1 = edge_index[0]
    dst1 = edge_index[1]
    zero_np = jnp.zeros((NP, DD), f32)
    ra = _np.zeros((64, 640), _np.float32)
    rb = _np.zeros((64, 640), _np.float32)
    for _i in range(KP):
        for _k in range(32):
            ra[_i, _i * 32 + _k] = 1.0
            rb[32 + _k, _i * 32 + _k] = 1.0
    ra = jnp.asarray(ra, dtype=jnp.bfloat16)
    rb = jnp.asarray(rb, dtype=jnp.bfloat16)

    full2 = lambda shp: pl.BlockSpec(shp, lambda i: (0, 0))

    proj, hv, ld, ls = pl.pallas_call(
        _pre_body,
        grid=(NN // BN,),
        in_specs=[pl.BlockSpec((BN, DD), lambda i: (i, 0)),
                  full2((DD, 32)), full2((1, 32)), full2((1, 32)), full2((1, 32)),
                  full2((DD, DD)), full2((1, DD)), full2((1, DD)), full2((1, DD)),
                  full2((1, 1))],
        out_specs=[pl.BlockSpec((BN, 32), lambda i: (i, 0)),
                   pl.BlockSpec((BN, DD), lambda i: (i, 0)),
                   pl.BlockSpec((BN, 1), lambda i: (i, 0)),
                   pl.BlockSpec((BN, 1), lambda i: (i, 0))],
        out_shape=[jax.ShapeDtypeStruct((NN, 32), jnp.bfloat16),
                   jax.ShapeDtypeStruct((NN, DD), f32),
                   jax.ShapeDtypeStruct((NN, 1), f32),
                   jax.ShapeDtypeStruct((NN, 1), f32)],
    )(x, wpn32, bpn32, g1, b1, W_an, b_an.reshape(1, DD), wped, wpes, bpe)

    ld1 = ld.reshape(NN)
    ls1 = ls.reshape(NN)

    ab_arr = _make_ab_sc()(proj, src1, dst1)
    num_p, s_p = _make_att_sc()(hv, ld1, ls1, src1, dst1, zero_np)

    EA = 192000
    nblk_a = EA // BE

    def kron_call(nblk, blk_off, row_off):
        return pl.pallas_call(
            _kron_body,
            grid=(nblk,),
            in_specs=[pl.BlockSpec((BE, 64), lambda i: (i + blk_off, 0)),
                      full2((64, 640)), full2((64, 640)),
                      full2((640, DD)), full2((1, DD)), full2((1, DD)), full2((1, DD))],
            out_specs=pl.BlockSpec((BE, DD), lambda i: (i, 0)),
            out_shape=jax.ShapeDtypeStruct((nblk * BE, DD), f32),
        )(ab_arr, ra, rb, w640, b_pk.reshape(1, DD), ln2_g.reshape(1, DD),
          ln2_b.reshape(1, DD))

    ke_a = kron_call(nblk_a, 0, 0)
    nk_pa = _make_nk_sc(EA // NW, EA // NW // CH)(ke_a, dst1[:EA], zero_np)
    ke_b = kron_call(EE // BE - nblk_a, nblk_a, EA)
    nk_pb = _make_nk_sc((EE - EA) // NW, (EE - EA) // NW // CH)(ke_b, dst1[EA:], zero_np)

    out = pl.pallas_call(
        _fin_body,
        grid=(NN // BN,),
        in_specs=[pl.BlockSpec((BN, DD), lambda i: (i, 0)),
                  pl.BlockSpec((BN, DD), lambda i: (i, 0)),
                  pl.BlockSpec((BN, DD), lambda i: (i, 0)),
                  pl.BlockSpec((BN, 1), lambda i: (i, 0)),
                  pl.BlockSpec((BN, 1), lambda i: (i, 0)),
                  pl.BlockSpec((BN, DD), lambda i: (i, 0)),
                  pl.BlockSpec((BN, DD), lambda i: (i, 0)),
                  pl.BlockSpec((BN, DD), lambda i: (i, 0)),
                  pl.BlockSpec((BN, DD), lambda i: (i, 0)),
                  full2((DD, 3 * DD)), full2((1, 3 * DD)),
                  full2((DD, 3 * DD)), full2((1, 3 * DD)),
                  full2((1, DD)), full2((1, DD)),
                  full2((DD, DD)), full2((DD, DD)), full2((1, DD)),
                  full2((1, DD)), full2((1, DD))],
        out_specs=pl.BlockSpec((BN, DD), lambda i: (i, 0)),
        out_shape=jax.ShapeDtypeStruct((NN, DD), f32),
    )(x, num_p[0, :NN], num_p[1, :NN], s_p[0, :NN].reshape(NN, 1), s_p[1, :NN].reshape(NN, 1),
      nk_pa[0, :NN], nk_pa[1, :NN], nk_pb[0, :NN], nk_pb[1, :NN],
      W_ih.T, b_ih.reshape(1, 3 * DD), W_hh.T, b_hh.reshape(1, 3 * DD),
      ln3_g.reshape(1, DD), ln3_b.reshape(1, DD),
      W_cp[:DD], W_cp[DD:], b_cp.reshape(1, DD),
      ln4_g.reshape(1, DD), ln4_b.reshape(1, DD))
    return out

# --- scband reference (transcript-rebuilt; emitter-appended) ---
"""Pipeline reference for scband-gnnlayer-kafp-76871324663923 (READ-ONLY COPY).

The authoritative reference and input builder live on the scoring server;
editing this copy changes nothing except your own understanding.
"""

import jax, jax.numpy as jnp
import numpy as np

N = 10000
E = 320000
D = 128
G = 128
OUT = 128
KP = 20

def _ln(x, g, b, eps=1e-5):
    mu = jnp.mean(x, axis=-1, keepdims=True)
    var = jnp.mean((x - mu) ** 2, axis=-1, keepdims=True)
    return (x - mu) / jnp.sqrt(var + eps) * g + b

def setup_inputs(seed: int = 0) -> dict:
    key = jax.random.key(seed)
    ks = jax.random.split(key, 16)
    def u(k, shape, fan):
        return jax.random.uniform(k, shape, jnp.float32, -1.0, 1.0) / np.sqrt(fan)
    inp = {}
    inp['x'] = jax.random.normal(ks[0], (N, D), jnp.float32)
    inp['edge_index'] = jax.random.randint(ks[1], (2, E), 0, N, jnp.int32)
    inp['W_pn'] = u(ks[2], (D, KP), D); inp['b_pn'] = jnp.zeros((KP,), jnp.float32)
    inp['ln1_g'] = jnp.ones((KP,), jnp.float32); inp['ln1_b'] = jnp.zeros((KP,), jnp.float32)
    inp['W_pk'] = u(ks[3], (KP * KP, OUT), KP * KP); inp['b_pk'] = jnp.zeros((OUT,), jnp.float32)
    inp['ln2_g'] = jnp.ones((OUT,), jnp.float32); inp['ln2_b'] = jnp.zeros((OUT,), jnp.float32)
    inp['W_pe'] = u(ks[4], (2 * D, 1), 2 * D); inp['b_pe'] = jnp.zeros((1,), jnp.float32)
    inp['W_an'] = u(ks[5], (D, G), D); inp['b_an'] = jnp.zeros((G,), jnp.float32)
    inp['W_ih'] = u(ks[6], (3 * D, G), G); inp['b_ih'] = u(ks[7], (3 * D,), D)
    inp['W_hh'] = u(ks[8], (3 * D, D), D); inp['b_hh'] = u(ks[9], (3 * D,), D)
    inp['ln3_g'] = jnp.ones((D,), jnp.float32); inp['ln3_b'] = jnp.zeros((D,), jnp.float32)
    inp['W_cp'] = u(ks[10], (G + OUT, G), G + OUT); inp['b_cp'] = jnp.zeros((G,), jnp.float32)
    inp['ln4_g'] = jnp.ones((G,), jnp.float32); inp['ln4_b'] = jnp.zeros((G,), jnp.float32)
    return inp

def reference(x, edge_index, W_pn, b_pn, ln1_g, ln1_b, W_pk, b_pk, ln2_g, ln2_b, W_pe, b_pe, W_an, b_an, W_ih, b_ih, W_hh, b_hh, ln3_g, ln3_b, W_cp, b_cp, ln4_g, ln4_b):
    src = edge_index[0]
    dst = edge_index[1]
    n = x.shape[0]
    # KroneckerMessage
    proj = jax.nn.relu(_ln(x @ W_pn + b_pn, ln1_g, ln1_b))  # (N, 20)
    A = proj[src]
    B = proj[dst]
    kron = jnp.einsum('ba,bk->bak', A, B).reshape(A.shape[0], -1)  # (E, 400)
    kron = jax.nn.relu(_ln(kron @ W_pk + b_pk, ln2_g, ln2_b))  # (E, OUT)
    node_kron = jax.ops.segment_sum(kron, dst, num_segments=n)  # (N, OUT)
    # project_edge: he = cat([dst_hv, src_hv])
    he = jnp.concatenate([x[dst], x[src]], axis=1)  # (E, 2D)
    logits = jax.nn.relu(he @ W_pe + b_pe)  # (E, 1)
    # edge_softmax over incoming edges per dst node
    m = jax.ops.segment_max(logits, dst, num_segments=n)
    e = jnp.exp(logits - m[dst])
    s = jax.ops.segment_sum(e, dst, num_segments=n)
    att = e / jnp.maximum(s[dst], 1e-12)
    # AttentiveGRU2
    hv = x @ W_an + b_an  # (N, G)
    msg = hv[src] * att
    ctx = jax.nn.relu(jax.ops.segment_sum(msg, dst, num_segments=n))  # (N, G)
    gi = ctx @ W_ih.T + b_ih
    gh = x @ W_hh.T + b_hh
    H = x.shape[1]
    r = jax.nn.sigmoid(gi[:, :H] + gh[:, :H])
    z = jax.nn.sigmoid(gi[:, H:2 * H] + gh[:, H:2 * H])
    ncand = jnp.tanh(gi[:, 2 * H:] + r * gh[:, 2 * H:])
    h = (1.0 - z) * ncand + z * x
    h = jax.nn.relu(h)
    h = _ln(h, ln3_g, ln3_b)
    out = jnp.concatenate([h, node_kron], axis=1)
    out = jax.nn.relu(_ln(out @ W_cp + b_cp, ln4_g, ln4_b))
    return out

if __name__ == "__main__":
    import jax
    _d = setup_inputs()
    print(jax.jit(kernel)(*tuple(_d.values())))

</pallas_src>

<mosaic_0001>
#map = affine_map<(d0, d1) -> (0, 0)>
#map1 = affine_map<(d0, d1) -> (0)>
module attributes {stable_mosaic.version = 14 : i64} {
  func.func @_ab_sc_body(%arg0: i32, %arg1: i32, %arg2: memref<10000x32xbf16, #tpu.memory_space<hbm>>, %arg3: memref<320000xi32, #tpu.memory_space<hbm>>, %arg4: memref<320000xi32, #tpu.memory_space<hbm>>, %arg5: memref<320000x64xbf16, #tpu.memory_space<hbm>>, %arg6: memref<2000xi32, #tpu.memory_space<vmem>>, %arg7: memref<2000xi32, #tpu.memory_space<vmem>>, %arg8: memref<2000x32xbf16, #tpu.memory_space<vmem>>, %arg9: memref<2000x32xbf16, #tpu.memory_space<vmem>>, %arg10: memref<!tpu.dma_semaphore, #tpu.memory_space<semaphore_mem>>, %arg11: memref<!tpu.dma_semaphore, #tpu.memory_space<semaphore_mem>>) attributes {dimension_semantics = [#tpu.dimension_semantics<core_parallel>, #tpu.dimension_semantics<subcore_parallel>], iteration_bounds = array<i64: 2, 16>, scalar_prefetch = 0 : i64, scratch_operands = 6 : i64, tpu.core_type = #tpu.core_type<sc_vector_subcore>, window_params = [{transform_indices = #map}, {transform_indices = #map1}, {transform_indices = #map1}, {transform_indices = #map}]} {
    %mul3A = arith.constant 2 : i32
    %mul3A_0 = arith.muli %arg1, %mul3A : i32
    %add3A = arith.addi %mul3A_0, %arg0 : i32
    %mul3A_1 = arith.constant 10000 : i32
    %mul3A_2 = arith.muli %add3A, %mul3A_1 : i32
    %scan3A = arith.constant 0 : i32
    %scan3A_3 = arith.constant 0 : i32
    %scan3A_4 = arith.constant 5 : i32
    %scan3A_5 = arith.addi %scan3A_3, %scan3A_4 : i32
    %scan3A_6 = arith.constant 1 : i32
    scf.for %scan3A_8 = %scan3A_3 to %scan3A_5 step %scan3A_6  : i32 {
      %mul3A_9 = arith.constant 2000 : i32
      %mul3A_10 = arith.muli %scan3A_8, %mul3A_9 : i32
      %add3A_11 = arith.addi %mul3A_2, %mul3A_10 : i32
      "tpu.region"() ({
        %run_scoped3A = tpu.sem_alloc : memref<!tpu.dma_semaphore, #tpu.memory_space<semaphore_mem>>
        %dma_start3A = tpu.memref_slice %arg3[%add3A_11] : memref<320000xi32, #tpu.memory_space<hbm>> -> memref<2000xi32, #tpu.memory_space<hbm>>
        %dma_start3A_34 = tpu.memref_slice %arg3[%add3A_11] : memref<320000xi32, #tpu.memory_space<hbm>> -> memref<2000xi32, #tpu.memory_space<hbm>>
        tpu.enqueue_dma source(%dma_start3A_34 : memref<2000xi32, #tpu.memory_space<hbm>>) target(%arg6 : memref<2000xi32, #tpu.memory_space<vmem>>) target_semaphore(%run_scoped3A : memref<!tpu.dma_semaphore, #tpu.memory_space<semaphore_mem>>)
        %dma_wait3A_35 = tpu.memref_slice %arg3[%add3A_11] : memref<320000xi32, #tpu.memory_space<hbm>> -> memref<2000xi32, #tpu.memory_space<hbm>>
        %dma_wait3A_36 = tpu.memref_slice %arg3[%add3A_11] : memref<320000xi32, #tpu.memory_space<hbm>> -> memref<2000xi32, #tpu.memory_space<hbm>>
        tpu.wait_dma2 semaphore(%run_scoped3A : memref<!tpu.dma_semaphore, #tpu.memory_space<semaphore_mem>>) src(%dma_wait3A_36 : memref<2000xi32, #tpu.memory_space<hbm>>) dst(%arg6 : memref<2000xi32, #tpu.memory_space<vmem>>)
        tpu.yield
      }) : () -> ()
      %mul3A_12 = arith.constant 2000 : i32
      %mul3A_13 = arith.muli %scan3A_8, %mul3A_12 : i32
      %add3A_14 = arith.addi %mul3A_2, %mul3A_13 : i32
      "tpu.region"() ({
        %run_scoped3A = tpu.sem_alloc : memref<!tpu.dma_semaphore, #tpu.memory_space<semaphore_mem>>
        %dma_start3A = tpu.memref_slice %arg4[%add3A_14] : memref<320000xi32, #tpu.memory_space<hbm>> -> memref<2000xi32, #tpu.memory_space<hbm>>
        %dma_start3A_34 = tpu.memref_slice %arg4[%add3A_14] : memref<320000xi32, #tpu.memory_space<hbm>> -> memref<2000xi32, #tpu.memory_space<hbm>>
        tpu.enqueue_dma source(%dma_start3A_34 : memref<2000xi32, #tpu.memory_space<hbm>>) target(%arg7 : memref<2000xi32, #tpu.memory_space<vmem>>) target_semaphore(%run_scoped3A : memref<!tpu.dma_semaphore, #tpu.memory_space<semaphore_mem>>)
        %dma_wait3A_35 = tpu.memref_slice %arg4[%add3A_14] : memref<320000xi32, #tpu.memory_space<hbm>> -> memref<2000xi32, #tpu.memory_space<hbm>>
        %dma_wait3A_36 = tpu.memref_slice %arg4[%add3A_14] : memref<320000xi32, #tpu.memory_space<hbm>> -> memref<2000xi32, #tpu.memory_space<hbm>>
        tpu.wait_dma2 semaphore(%run_scoped3A : memref<!tpu.dma_semaphore, #tpu.memory_space<semaphore_mem>>) src(%dma_wait3A_36 : memref<2000xi32, #tpu.memory_space<hbm>>) dst(%arg7 : memref<2000xi32, #tpu.memory_space<vmem>>)
        tpu.yield
      }) : () -> ()
      %scan3A_15 = arith.constant 0 : i32
      %scan3A_16 = arith.constant 0 : i32
      %scan3A_17 = arith.constant 25 : i32
      %scan3A_18 = arith.addi %scan3A_16, %scan3A_17 : i32
      %scan3A_19 = arith.constant 1 : i32
      scf.for %scan3A_34 = %scan3A_16 to %scan3A_18 step %scan3A_19  : i32 {
        %mul3A_35 = arith.constant 80 : i32
        %mul3A_36 = arith.muli %scan3A_34, %mul3A_35 : i32
        %mul3A_37 = arith.constant 80 : i32
        %mul3A_38 = arith.muli %scan3A_34, %mul3A_37 : i32
        %dma_start3A = arith.constant 0 : i32
        %dma_start3A_39 = tpu.memref_slice %arg8[%mul3A_38, %dma_start3A] : memref<2000x32xbf16, #tpu.memory_space<vmem>> -> memref<80x32xbf16, #tpu.memory_space<vmem>>
        %dma_start3A_40 = tpu.memref_slice %arg6[%mul3A_36] : memref<2000xi32, #tpu.memory_space<vmem>> -> memref<80xi32, #tpu.memory_space<vmem>>
        %dma_start3A_41 = arith.constant 0 : i32
        %dma_start3A_42 = arith.constant 0 : i32
        %dma_start3A_43 = tpu.memref_slice %arg2[%dma_start3A_41, %dma_start3A_42] : memref<10000x32xbf16, #tpu.memory_space<hbm>> -> memref<10000x32xbf16, #tpu.memory_space<hbm>>
        tpu.enqueue_indirect_dma source(%dma_start3A_43 : memref<10000x32xbf16, #tpu.memory_space<hbm>>) target(%dma_start3A_39 : memref<80x32xbf16, #tpu.memory_space<vmem>>) offsets(%dma_start3A_40 : memref<80xi32, #tpu.memory_space<vmem>>) semaphore(%arg10 : memref<!tpu.dma_semaphore, #tpu.memory_space<semaphore_mem>>)
        %mul3A_44 = arith.constant 80 : i32
        %mul3A_45 = arith.muli %scan3A_34, %mul3A_44 : i32
        %mul3A_46 = arith.constant 80 : i32
        %mul3A_47 = arith.muli %scan3A_34, %mul3A_46 : i32
        %dma_start3A_48 = arith.constant 0 : i32
        %dma_start3A_49 = tpu.memref_slice %arg9[%mul3A_47, %dma_start3A_48] : memref<2000x32xbf16, #tpu.memory_space<vmem>> -> memref<80x32xbf16, #tpu.memory_space<vmem>>
        %dma_start3A_50 = tpu.memref_slice %arg7[%mul3A_45] : memref<2000xi32, #tpu.memory_space<vmem>> -> memref<80xi32, #tpu.memory_space<vmem>>
        %dma_start3A_51 = arith.constant 0 : i32
        %dma_start3A_52 = arith.constant 0 : i32
        %dma_start3A_53 = tpu.memref_slice %arg2[%dma_start3A_51, %dma_start3A_52] : memref<10000x32xbf16, #tpu.memory_space<hbm>> -> memref<10000x32xbf16, #tpu.memory_space<hbm>>
        tpu.enqueue_indirect_dma source(%dma_start3A_53 : memref<10000x32xbf16, #tpu.memory_space<hbm>>) target(%dma_start3A_49 : memref<80x32xbf16, #tpu.memory_space<vmem>>) offsets(%dma_start3A_50 : memref<80xi32, #tpu.memory_space<vmem>>) semaphore(%arg11 : memref<!tpu.dma_semaphore, #tpu.memory_space<semaphore_mem>>)
      }
      %scan3A_20 = arith.constant 25 : i32
      %mul3A_21 = arith.constant 2000 : i32
      %mul3A_22 = arith.muli %scan3A_8, %mul3A_21 : i32
      %add3A_23 = arith.addi %mul3A_2, %mul3A_22 : i32
      %mul3A_24 = arith.constant 2000 : i32
      %mul3A_25 = arith.muli %scan3A_8, %mul3A_24 : i32
      %add3A_26 = arith.addi %mul3A_2, %mul3A_25 : i32
      %dma_wait3A = arith.constant 0 : i32
      %dma_wait3A_27 = tpu.memref_slice %arg5[%add3A_23, %dma_wait3A] : memref<320000x64xbf16, #tpu.memory_space<hbm>> -> memref<2000x32xbf16, #tpu.memory_space<hbm>>
      %dma_wait3A_28 = arith.constant 0 : i32
      %dma_wait3A_29 = tpu.memref_slice %arg5[%add3A_23, %dma_wait3A_28] : memref<320000x64xbf16, #tpu.memory_space<hbm>> -> memref<2000x32xbf16, #tpu.memory_space<hbm>>
      tpu.wait_dma2 semaphore(%arg10 : memref<!tpu.dma_semaphore, #tpu.memory_space<semaphore_mem>>) src(%dma_wait3A_29 : memref<2000x32xbf16, #tpu.memory_space<hbm>>) dst(%arg8 : memref<2000x32xbf16, #tpu.memory_space<vmem>>)
      %dma_wait3A_30 = arith.constant 32 : i32
      %dma_wait3A_31 = tpu.memref_slice %arg5[%add3A_26, %dma_wait3A_30] : memref<320000x64xbf16, #tpu.memory_space<hbm>> -> memref<2000x32xbf16, #tpu.memory_space<hbm>>
      %dma_wait3A_32 = arith.constant 32 : i32
      %dma_wait3A_33 = tpu.memref_slice %arg5[%add3A_26, %dma_wait3A_32] : memref<320000x64xbf16, #tpu.memory_space<hbm>> -> memref<2000x32xbf16, #tpu.memory_space<hbm>>
      tpu.wait_dma2 semaphore(%arg11 : memref<!tpu.dma_semaphore, #tpu.memory_space<semaphore_mem>>) src(%dma_wait3A_33 : memref<2000x32xbf16, #tpu.memory_space<hbm>>) dst(%arg9 : memref<2000x32xbf16, #tpu.memory_space<vmem>>)
      "tpu.region"() ({
        %run_scoped3A = tpu.sem_alloc : memref<!tpu.dma_semaphore, #tpu.memory_space<semaphore_mem>>
        %dma_start3A = arith.constant 0 : i32
        %dma_start3A_34 = tpu.memref_slice %arg5[%add3A_23, %dma_start3A] : memref<320000x64xbf16, #tpu.memory_space<hbm>> -> memref<2000x32xbf16, #tpu.memory_space<hbm>>
        %dma_start3A_35 = arith.constant 0 : i32
        %dma_start3A_36 = tpu.memref_slice %arg5[%add3A_23, %dma_start3A_35] : memref<320000x64xbf16, #tpu.memory_space<hbm>> -> memref<2000x32xbf16, #tpu.memory_space<hbm>>
        tpu.enqueue_dma source(%arg8 : memref<2000x32xbf16, #tpu.memory_space<vmem>>) target(%dma_start3A_36 : memref<2000x32xbf16, #tpu.memory_space<hbm>>) target_semaphore(%run_scoped3A : memref<!tpu.dma_semaphore, #tpu.memory_space<semaphore_mem>>)
        %dma_wait3A_37 = arith.constant 0 : i32
        %dma_wait3A_38 = tpu.memref_slice %arg5[%add3A_23, %dma_wait3A_37] : memref<320000x64xbf16, #tpu.memory_space<hbm>> -> memref<2000x32xbf16, #tpu.memory_space<hbm>>
        %dma_wait3A_39 = arith.constant 0 : i32
        %dma_wait3A_40 = tpu.memref_slice %arg5[%add3A_23, %dma_wait3A_39] : memref<320000x64xbf16, #tpu.memory_space<hbm>> -> memref<2000x32xbf16, #tpu.memory_space<hbm>>
        tpu.wait_dma2 semaphore(%run_scoped3A : memref<!tpu.dma_semaphore, #tpu.memory_space<semaphore_mem>>) src(%arg8 : memref<2000x32xbf16, #tpu.memory_space<vmem>>) dst(%dma_wait3A_40 : memref<2000x32xbf16, #tpu.memory_space<hbm>>)
        tpu.yield
      }) : () -> ()
      "tpu.region"() ({
        %run_scoped3A = tpu.sem_alloc : memref<!tpu.dma_semaphore, #tpu.memory_space<semaphore_mem>>
        %dma_start3A = arith.constant 32 : i32
        %dma_start3A_34 = tpu.memref_slice %arg5[%add3A_26, %dma_start3A] : memref<320000x64xbf16, #tpu.memory_space<hbm>> -> memref<2000x32xbf16, #tpu.memory_space<hbm>>
        %dma_start3A_35 = arith.constant 32 : i32
        %dma_start3A_36 = tpu.memref_slice %arg5[%add3A_26, %dma_start3A_35] : memref<320000x64xbf16, #tpu.memory_space<hbm>> -> memref<2000x32xbf16, #tpu.memory_space<hbm>>
        tpu.enqueue_dma source(%arg9 : memref<2000x32xbf16, #tpu.memory_space<vmem>>) target(%dma_start3A_36 : memref<2000x32xbf16, #tpu.memory_space<hbm>>) target_semaphore(%run_scoped3A : memref<!tpu.dma_semaphore, #tpu.memory_space<semaphore_mem>>)
        %dma_wait3A_37 = arith.constant 32 : i32
        %dma_wait3A_38 = tpu.memref_slice %arg5[%add3A_26, %dma_wait3A_37] : memref<320000x64xbf16, #tpu.memory_space<hbm>> -> memref<2000x32xbf16, #tpu.memory_space<hbm>>
        %dma_wait3A_39 = arith.constant 32 : i32
        %dma_wait3A_40 = tpu.memref_slice %arg5[%add3A_26, %dma_wait3A_39] : memref<320000x64xbf16, #tpu.memory_space<hbm>> -> memref<2000x32xbf16, #tpu.memory_space<hbm>>
        tpu.wait_dma2 semaphore(%run_scoped3A : memref<!tpu.dma_semaphore, #tpu.memory_space<semaphore_mem>>) src(%arg9 : memref<2000x32xbf16, #tpu.memory_space<vmem>>) dst(%dma_wait3A_40 : memref<2000x32xbf16, #tpu.memory_space<hbm>>)
        tpu.yield
      }) : () -> ()
    }
    %scan3A_7 = arith.constant 5 : i32
    return
  }
}

#map = affine_map<(d0, d1) -> (0, 0)>
#map1 = affine_map<(d0, d1) -> (0)>
#map2 = affine_map<(d0, d1) -> (0, 0, 0)>
module attributes {stable_mosaic.version = 14 : i64} {
  func.func @_nk_sc_body(%arg0: i32, %arg1: i32, %arg2: memref<128000x128xf32, #tpu.memory_space<hbm>>, %arg3: memref<128000xi32, #tpu.memory_space<hbm>>, %arg4: memref<10240x128xf32, #tpu.memory_space<hbm>>, %arg5: memref<2x10240x128xf32, #tpu.memory_space<hbm>>, %arg6: memref<4000xi32, #tpu.memory_space<vmem>>, %arg7: memref<50x80xi32, #tpu.memory_space<vmem>>, %arg8: memref<2x80x128xf32, #tpu.memory_space<vmem>>, %arg9: memref<!tpu.dma_semaphore, #tpu.memory_space<semaphore_mem>>, %arg10: memref<10240x128xf32, #tpu.memory_space<vmem_shared>>) attributes {dimension_semantics = [#tpu.dimension_semantics<core_parallel>, #tpu.dimension_semantics<subcore_parallel>], iteration_bounds = array<i64: 2, 16>, scalar_prefetch = 0 : i64, scratch_operands = 5 : i64, tpu.core_type = #tpu.core_type<sc_vector_subcore>, window_params = [{transform_indices = #map}, {transform_indices = #map1}, {transform_indices = #map}, {transform_indices = #map2}]} {
    %mul3A = arith.constant 2 : i32
    %mul3A_0 = arith.muli %arg1, %mul3A : i32
    %add3A = arith.addi %mul3A_0, %arg0 : i32
    %mul3A_1 = arith.constant 4000 : i32
    %mul3A_2 = arith.muli %add3A, %mul3A_1 : i32
    %mul3A_3 = arith.constant 640 : i32
    %mul3A_4 = arith.muli %arg1, %mul3A_3 : i32
    "tpu.region"() ({
      %run_scoped3A = tpu.sem_alloc : memref<!tpu.dma_semaphore, #tpu.memory_space<semaphore_mem>>
      %dma_start3A_29 = arith.constant 0 : i32
      %dma_start3A_30 = tpu.memref_slice %arg10[%mul3A_4, %dma_start3A_29] : memref<10240x128xf32, #tpu.memory_space<vmem_shared>> -> memref<640x128xf32, #tpu.memory_space<vmem_shared>>
      %dma_start3A_31 = arith.constant 0 : i32
      %dma_start3A_32 = tpu.memref_slice %arg4[%mul3A_4, %dma_start3A_31] : memref<10240x128xf32, #tpu.memory_space<hbm>> -> memref<640x128xf32, #tpu.memory_space<hbm>>
      tpu.enqueue_dma source(%dma_start3A_32 : memref<640x128xf32, #tpu.memory_space<hbm>>) target(%dma_start3A_30 : memref<640x128xf32, #tpu.memory_space<vmem_shared>>) target_semaphore(%run_scoped3A : memref<!tpu.dma_semaphore, #tpu.memory_space<semaphore_mem>>)
      %dma_wait3A = arith.constant 0 : i32
      %dma_wait3A_33 = tpu.memref_slice %arg10[%mul3A_4, %dma_wait3A] : memref<10240x128xf32, #tpu.memory_space<vmem_shared>> -> memref<640x128xf32, #tpu.memory_space<vmem_shared>>
      %dma_wait3A_34 = arith.constant 0 : i32
      %dma_wait3A_35 = tpu.memref_slice %arg4[%mul3A_4, %dma_wait3A_34] : memref<10240x128xf32, #tpu.memory_space<hbm>> -> memref<640x128xf32, #tpu.memory_space<hbm>>
      tpu.wait_dma2 semaphore(%run_scoped3A : memref<!tpu.dma_semaphore, #tpu.memory_space<semaphore_mem>>) src(%dma_wait3A_35 : memref<640x128xf32, #tpu.memory_space<hbm>>) dst(%dma_wait3A_33 : memref<640x128xf32, #tpu.memory_space<vmem_shared>>)
      tpu.yield
    }) : () -> ()
    "tpu.region"() ({
      %run_scoped3A = tpu.sem_alloc : memref<!tpu.dma_semaphore, #tpu.memory_space<semaphore_mem>>
      %dma_start3A_29 = tpu.memref_slice %arg3[%mul3A_2] : memref<128000xi32, #tpu.memory_space<hbm>> -> memref<4000xi32, #tpu.memory_space<hbm>>
      %dma_start3A_30 = tpu.memref_slice %arg3[%mul3A_2] : memref<128000xi32, #tpu.memory_space<hbm>> -> memref<4000xi32, #tpu.memory_space<hbm>>
      tpu.enqueue_dma source(%dma_start3A_30 : memref<4000xi32, #tpu.memory_space<hbm>>) target(%arg6 : memref<4000xi32, #tpu.memory_space<vmem>>) target_semaphore(%run_scoped3A : memref<!tpu.dma_semaphore, #tpu.memory_space<semaphore_mem>>)
      %dma_wait3A = tpu.memref_slice %arg3[%mul3A_2] : memref<128000xi32, #tpu.memory_space<hbm>> -> memref<4000xi32, #tpu.memory_space<hbm>>
      %dma_wait3A_31 = tpu.memref_slice %arg3[%mul3A_2] : memref<128000xi32, #tpu.memory_space<hbm>> -> memref<4000xi32, #tpu.memory_space<hbm>>
      tpu.wait_dma2 semaphore(%run_scoped3A : memref<!tpu.dma_semaphore, #tpu.memory_space<semaphore_mem>>) src(%dma_wait3A_31 : memref<4000xi32, #tpu.memory_space<hbm>>) dst(%arg6 : memref<4000xi32, #tpu.memory_space<vmem>>)
      tpu.yield
    }) : () -> ()
    %scan3A = arith.constant 0 : i32
    %scan3A_5 = arith.constant 0 : i32
    %scan3A_6 = arith.constant 50 : i32
    %scan3A_7 = arith.addi %scan3A_5, %scan3A_6 : i32
    %scan3A_8 = arith.constant 1 : i32
    scf.for %scan3A_29 = %scan3A_5 to %scan3A_7 step %scan3A_8  : i32 {
      %mul3A_30 = arith.constant 80 : i32
      %mul3A_31 = arith.muli %scan3A_29, %mul3A_30 : i32
      %add3A_32 = arith.constant 0 : i32
      %add3A_33 = arith.addi %mul3A_31, %add3A_32 : i32
      %get3A = arith.index_cast %add3A_33 : i32 to index
      %get3A_34 = tpu.vector_load %arg6[%get3A] {strides = array<i32>} : memref<4000xi32, #tpu.memory_space<vmem>>, vector<16xi32>,
      %swap3A = arith.index_cast %scan3A_29 : i32 to index
      %swap3A_35 = arith.constant 0 : index
      %swap3A_36 = tpu.vector_load %arg7[%swap3A, %swap3A_35] {strides = array<i32>} : memref<50x80xi32, #tpu.memory_space<vmem>>, vector<16xi32>,
      tpu.vector_store %arg7[%swap3A, %swap3A_35], %get3A_34 {strides = array<i32>} : memref<50x80xi32, #tpu.memory_space<vmem>>, vector<16xi32>,
      %mul3A_37 = arith.constant 80 : i32
      %mul3A_38 = arith.muli %scan3A_29, %mul3A_37 : i32
      %add3A_39 = arith.constant 16 : i32
      %add3A_40 = arith.addi %mul3A_38, %add3A_39 : i32
      %get3A_41 = arith.index_cast %add3A_40 : i32 to index
      %get3A_42 = tpu.vector_load %arg6[%get3A_41] {strides = array<i32>} : memref<4000xi32, #tpu.memory_space<vmem>>, vector<16xi32>,
      %swap3A_43 = arith.index_cast %scan3A_29 : i32 to index
      %swap3A_44 = arith.constant 16 : index
      %swap3A_45 = tpu.vector_load %arg7[%swap3A_43, %swap3A_44] {strides = array<i32>} : memref<50x80xi32, #tpu.memory_space<vmem>>, vector<16xi32>,
      tpu.vector_store %arg7[%swap3A_43, %swap3A_44], %get3A_42 {strides = array<i32>} : memref<50x80xi32, #tpu.memory_space<vmem>>, vector<16xi32>,
      %mul3A_46 = arith.constant 80 : i32
      %mul3A_47 = arith.muli %scan3A_29, %mul3A_46 : i32
      %add3A_48 = arith.constant 32 : i32
      %add3A_49 = arith.addi %mul3A_47, %add3A_48 : i32
      %get3A_50 = arith.index_cast %add3A_49 : i32 to index
      %get3A_51 = tpu.vector_load %arg6[%get3A_50] {strides = array<i32>} : memref<4000xi32, #tpu.memory_space<vmem>>, vector<16xi32>,
      %swap3A_52 = arith.index_cast %scan3A_29 : i32 to index
      %swap3A_53 = arith.constant 32 : index
      %swap3A_54 = tpu.vector_load %arg7[%swap3A_52, %swap3A_53] {strides = array<i32>} : memref<50x80xi32, #tpu.memory_space<vmem>>, vector<16xi32>,
      tpu.vector_store %arg7[%swap3A_52, %swap3A_53], %get3A_51 {strides = array<i32>} : memref<50x80xi32, #tpu.memory_space<vmem>>, vector<16xi32>,
      %mul3A_55 = arith.constant 80 : i32
      %mul3A_56 = arith.muli %scan3A_29, %mul3A_55 : i32
      %add3A_57 = arith.constant 48 : i32
      %add3A_58 = arith.addi %mul3A_56, %add3A_57 : i32
      %get3A_59 = arith.index_cast %add3A_58 : i32 to index
      %get3A_60 = tpu.vector_load %arg6[%get3A_59] {strides = array<i32>} : memref<4000xi32, #tpu.memory_space<vmem>>, vector<16xi32>,
      %swap3A_61 = arith.index_cast %scan3A_29 : i32 to index
      %swap3A_62 = arith.constant 48 : index
      %swap3A_63 = tpu.vector_load %arg7[%swap3A_61, %swap3A_62] {strides = array<i32>} : memref<50x80xi32, #tpu.memory_space<vmem>>, vector<16xi32>,
      tpu.vector_store %arg7[%swap3A_61, %swap3A_62], %get3A_60 {strides = array<i32>} : memref<50x80xi32, #tpu.memory_space<vmem>>, vector<16xi32>,
      %mul3A_64 = arith.constant 80 : i32
      %mul3A_65 = arith.muli %scan3A_29, %mul3A_64 : i32
      %add3A_66 = arith.constant 64 : i32
      %add3A_67 = arith.addi %mul3A_65, %add3A_66 : i32
      %get3A_68 = arith.index_cast %add3A_67 : i32 to index
      %get3A_69 = tpu.vector_load %arg6[%get3A_68] {strides = array<i32>} : memref<4000xi32, #tpu.memory_space<vmem>>, vector<16xi32>,
      %swap3A_70 = arith.index_cast %scan3A_29 : i32 to index
      %swap3A_71 = arith.constant 64 : index
      %swap3A_72 = tpu.vector_load %arg7[%swap3A_70, %swap3A_71] {strides = array<i32>} : memref<50x80xi32, #tpu.memory_space<vmem>>, vector<16xi32>,
      tpu.vector_store %arg7[%swap3A_70, %swap3A_71], %get3A_69 {strides = array<i32>} : memref<50x80xi32, #tpu.memory_space<vmem>>, vector<16xi32>,
    }
    %scan3A_9 = arith.constant 50 : i32
    %barrier3A = arith.constant 0 : index
    tpu.barrier barrier_id(%barrier3A)
    %dma_start3A = arith.constant 0 : i32
    %dma_start3A_10 = arith.constant 0 : i32
    %dma_start3A_11 = arith.constant 0 : i32
    %dma_start3A_12 = tpu.memref_slice %arg8[%dma_start3A, %dma_start3A_10, %dma_start3A_11] : memref<2x80x128xf32, #tpu.memory_space<vmem>> -> memref<1x80x128xf32, #tpu.memory_space<vmem>>
    %dma_start3A_13 = tpu.memref_squeeze %dma_start3A_12 : memref<1x80x128xf32, #tpu.memory_space<vmem>> -> memref<80x128xf32, #tpu.memory_space<vmem>>
    %dma_start3A_14 = arith.constant 0 : i32
    %dma_start3A_15 = tpu.memref_slice %arg2[%mul3A_2, %dma_start3A_14] : memref<128000x128xf32, #tpu.memory_space<hbm>> -> memref<80x128xf32, #tpu.memory_space<hbm>>
    %dma_start3A_16 = arith.constant 0 : i32
    %dma_start3A_17 = arith.constant 0 : i32
    %dma_start3A_18 = tpu.memref_slice %arg8[%dma_start3A, %dma_start3A_16, %dma_start3A_17] : memref<2x80x128xf32, #tpu.memory_space<vmem>> -> memref<1x80x128xf32, #tpu.memory_space<vmem>>
    %dma_start3A_19 = tpu.memref_squeeze %dma_start3A_18 : memref<1x80x128xf32, #tpu.memory_space<vmem>> -> memref<80x128xf32, #tpu.memory_space<vmem>>
    %dma_start3A_20 = arith.constant 0 : i32
    %dma_start3A_21 = tpu.memref_slice %arg2[%mul3A_2, %dma_start3A_20] : memref<128000x128xf32, #tpu.memory_space<hbm>> -> memref<80x128xf32, #tpu.memory_space<hbm>>
    tpu.enqueue_dma source(%dma_start3A_21 : memref<80x128xf32, #tpu.memory_space<hbm>>) target(%dma_start3A_19 : memref<80x128xf32, #tpu.memory_space<vmem>>) target_semaphore(%arg9 : memref<!tpu.dma_semaphore, #tpu.memory_space<semaphore_mem>>)
    %scan3A_22 = arith.constant 0 : i32
    %scan3A_23 = arith.constant 0 : i32
    %scan3A_24 = arith.constant 50 : i32
    %scan3A_25 = arith.addi %scan3A_23, %scan3A_24 : i32
    %scan3A_26 = arith.constant 1 : i32
    scf.for %scan3A_29 = %scan3A_23 to %scan3A_25 step %scan3A_26  : i32 {
      %rem3A = arith.constant 2 : i32
      %rem3A_30 = arith.remsi %scan3A_29, %rem3A : i32
      %mul3A_31 = arith.constant 80 : i32
      %mul3A_32 = arith.muli %scan3A_29, %mul3A_31 : i32
      %add3A_33 = arith.addi %mul3A_2, %mul3A_32 : i32
      %dma_wait3A = arith.constant 0 : i32
      %dma_wait3A_34 = arith.constant 0 : i32
      %dma_wait3A_35 = tpu.memref_slice %arg8[%rem3A_30, %dma_wait3A, %dma_wait3A_34] : memref<2x80x128xf32, #tpu.memory_space<vmem>> -> memref<1x80x128xf32, #tpu.memory_space<vmem>>
      %dma_wait3A_36 = tpu.memref_squeeze %dma_wait3A_35 : memref<1x80x128xf32, #tpu.memory_space<vmem>> -> memref<80x128xf32, #tpu.memory_space<vmem>>
      %dma_wait3A_37 = arith.constant 0 : i32
      %dma_wait3A_38 = tpu.memref_slice %arg2[%add3A_33, %dma_wait3A_37] : memref<128000x128xf32, #tpu.memory_space<hbm>> -> memref<80x128xf32, #tpu.memory_space<hbm>>
      %dma_wait3A_39 = arith.constant 0 : i32
      %dma_wait3A_40 = arith.constant 0 : i32
      %dma_wait3A_41 = tpu.memref_slice %arg8[%rem3A_30, %dma_wait3A_39, %dma_wait3A_40] : memref<2x80x128xf32, #tpu.memory_space<vmem>> -> memref<1x80x128xf32, #tpu.memory_space<vmem>>
      %dma_wait3A_42 = tpu.memref_squeeze %dma_wait3A_41 : memref<1x80x128xf32, #tpu.memory_space<vmem>> -> memref<80x128xf32, #tpu.memory_space<vmem>>
      %dma_wait3A_43 = arith.constant 0 : i32
      %dma_wait3A_44 = tpu.memref_slice %arg2[%add3A_33, %dma_wait3A_43] : memref<128000x128xf32, #tpu.memory_space<hbm>> -> memref<80x128xf32, #tpu.memory_space<hbm>>
      tpu.wait_dma2 semaphore(%arg9 : memref<!tpu.dma_semaphore, #tpu.memory_space<semaphore_mem>>) src(%dma_wait3A_44 : memref<80x128xf32, #tpu.memory_space<hbm>>) dst(%dma_wait3A_42 : memref<80x128xf32, #tpu.memory_space<vmem>>)
      %add3A_45 = arith.constant 1 : i32
      %add3A_46 = arith.addi %scan3A_29, %add3A_45 : i32
      %lt3A = arith.constant 50 : i32
      %lt3A_47 = arith.cmpi slt, %add3A_46, %lt3A : i32
      %convert_element_type3A = arith.extui %lt3A_47 : i1 to i32
      %cond3A = arith.constant 0 : i32
      %cond3A_48 = arith.cmpi ne, %convert_element_type3A, %cond3A : i32
      scf.if %cond3A_48 {
        %add3A_49 = arith.constant 1 : i32
        %add3A_50 = arith.addi %scan3A_29, %add3A_49 : i32
        %mul3A_51 = arith.constant 80 : i32
        %mul3A_52 = arith.muli %add3A_50, %mul3A_51 : i32
        %add3A_53 = arith.addi %mul3A_2, %mul3A_52 : i32
        %sub3A = arith.constant 1 : i32
        %sub3A_54 = arith.subi %sub3A, %rem3A_30 : i32
        %dma_start3A_55 = arith.constant 0 : i32
        %dma_start3A_56 = arith.constant 0 : i32
        %dma_start3A_57 = tpu.memref_slice %arg8[%sub3A_54, %dma_start3A_55, %dma_start3A_56] : memref<2x80x128xf32, #tpu.memory_space<vmem>> -> memref<1x80x128xf32, #tpu.memory_space<vmem>>
        %dma_start3A_58 = tpu.memref_squeeze %dma_start3A_57 : memref<1x80x128xf32, #tpu.memory_space<vmem>> -> memref<80x128xf32, #tpu.memory_space<vmem>>
        %dma_start3A_59 = arith.constant 0 : i32
        %dma_start3A_60 = tpu.memref_slice %arg2[%add3A_53, %dma_start3A_59] : memref<128000x128xf32, #tpu.memory_space<hbm>> -> memref<80x128xf32, #tpu.memory_space<hbm>>
        %dma_start3A_61 = arith.constant 0 : i32
        %dma_start3A_62 = arith.constant 0 : i32
        %dma_start3A_63 = tpu.memref_slice %arg8[%sub3A_54, %dma_start3A_61, %dma_start3A_62] : memref<2x80x128xf32, #tpu.memory_space<vmem>> -> memref<1x80x128xf32, #tpu.memory_space<vmem>>
        %dma_start3A_64 = tpu.memref_squeeze %dma_start3A_63 : memref<1x80x128xf32, #tpu.memory_space<vmem>> -> memref<80x128xf32, #tpu.memory_space<vmem>>
        %dma_start3A_65 = arith.constant 0 : i32
        %dma_start3A_66 = tpu.memref_slice %arg2[%add3A_53, %dma_start3A_65] : memref<128000x128xf32, #tpu.memory_space<hbm>> -> memref<80x128xf32, #tpu.memory_space<hbm>>
        tpu.enqueue_dma source(%dma_start3A_66 : memref<80x128xf32, #tpu.memory_space<hbm>>) target(%dma_start3A_64 : memref<80x128xf32, #tpu.memory_space<vmem>>) target_semaphore(%arg9 : memref<!tpu.dma_semaphore, #tpu.memory_space<semaphore_mem>>)
      } else {
      }
      "tpu.region"() ({
        %run_scoped3A = tpu.sem_alloc : memref<!tpu.dma_semaphore, #tpu.memory_space<semaphore_mem>>
        %dma_start3A_49 = arith.constant 0 : i32
        %dma_start3A_50 = arith.constant 0 : i32
        %dma_start3A_51 = tpu.memref_slice %arg8[%rem3A_30, %dma_start3A_49, %dma_start3A_50] : memref<2x80x128xf32, #tpu.memory_space<vmem>> -> memref<1x80x128xf32, #tpu.memory_space<vmem>>
        %dma_start3A_52 = tpu.memref_squeeze %dma_start3A_51 : memref<1x80x128xf32, #tpu.memory_space<vmem>> -> memref<80x128xf32, #tpu.memory_space<vmem>>
        %dma_start3A_53 = arith.constant 0 : i32
        %dma_start3A_54 = tpu.memref_slice %arg7[%scan3A_29, %dma_start3A_53] : memref<50x80xi32, #tpu.memory_space<vmem>> -> memref<1x80xi32, #tpu.memory_space<vmem>>
        %dma_start3A_55 = tpu.memref_squeeze %dma_start3A_54 : memref<1x80xi32, #tpu.memory_space<vmem>> -> memref<80xi32, #tpu.memory_space<vmem>>
        %dma_start3A_56 = arith.constant 0 : i32
        %dma_start3A_57 = arith.constant 0 : i32
        %dma_start3A_58 = tpu.memref_slice %arg10[%dma_start3A_56, %dma_start3A_57] : memref<10240x128xf32, #tpu.memory_space<vmem_shared>> -> memref<10240x128xf32, #tpu.memory_space<vmem_shared>>
        tpu.enqueue_indirect_dma source(%dma_start3A_52 : memref<80x128xf32, #tpu.memory_space<vmem>>) target(%dma_start3A_58 : memref<10240x128xf32, #tpu.memory_space<vmem_shared>>) offsets(%dma_start3A_55 : memref<80xi32, #tpu.memory_space<vmem>>) semaphore(%run_scoped3A : memref<!tpu.dma_semaphore, #tpu.memory_space<semaphore_mem>>) {add = true}
        %dma_wait3A_59 = arith.constant 0 : i32
        %dma_wait3A_60 = arith.constant 0 : i32
        %dma_wait3A_61 = tpu.memref_slice %arg8[%rem3A_30, %dma_wait3A_59, %dma_wait3A_60] : memref<2x80x128xf32, #tpu.memory_space<vmem>> -> memref<1x80x128xf32, #tpu.memory_space<vmem>>
        %dma_wait3A_62 = tpu.memref_squeeze %dma_wait3A_61 : memref<1x80x128xf32, #tpu.memory_space<vmem>> -> memref<80x128xf32, #tpu.memory_space<vmem>>
        %dma_wait3A_63 = arith.constant 0 : i32
        %dma_wait3A_64 = tpu.memref_slice %arg7[%scan3A_29, %dma_wait3A_63] : memref<50x80xi32, #tpu.memory_space<vmem>> -> memref<1x80xi32, #tpu.memory_space<vmem>>
        %dma_wait3A_65 = tpu.memref_squeeze %dma_wait3A_64 : memref<1x80xi32, #tpu.memory_space<vmem>> -> memref<80xi32, #tpu.memory_space<vmem>>
        %dma_wait3A_66 = arith.constant 0 : i32
        %dma_wait3A_67 = arith.constant 0 : i32
        %dma_wait3A_68 = tpu.memref_slice %arg10[%dma_wait3A_66, %dma_wait3A_67] : memref<10240x128xf32, #tpu.memory_space<vmem_shared>> -> memref<10240x128xf32, #tpu.memory_space<vmem_shared>>
        tpu.wait_indirect_dma semaphore(%run_scoped3A : memref<!tpu.dma_semaphore, #tpu.memory_space<semaphore_mem>>) src(%dma_wait3A_62 : memref<80x128xf32, #tpu.memory_space<vmem>>) dst(%dma_wait3A_68 : memref<10240x128xf32, #tpu.memory_space<vmem_shared>>)
        tpu.yield
      }) : () -> ()
    }
    %scan3A_27 = arith.constant 50 : i32
    %barrier3A_28 = arith.constant 0 : index
    tpu.barrier barrier_id(%barrier3A_28)
    "tpu.region"() ({
      %run_scoped3A = tpu.sem_alloc : memref<!tpu.dma_semaphore, #tpu.memory_space<semaphore_mem>>
      %dma_start3A_29 = arith.constant 0 : i32
      %dma_start3A_30 = tpu.memref_slice %arg5[%arg0, %mul3A_4, %dma_start3A_29] : memref<2x10240x128xf32, #tpu.memory_space<hbm>> -> memref<1x640x128xf32, #tpu.memory_space<hbm>>
      %dma_start3A_31 = tpu.memref_squeeze %dma_start3A_30 : memref<1x640x128xf32, #tpu.memory_space<hbm>> -> memref<640x128xf32, #tpu.memory_space<hbm>>
      %dma_start3A_32 = arith.constant 0 : i32
      %dma_start3A_33 = tpu.memref_slice %arg10[%mul3A_4, %dma_start3A_32] : memref<10240x128xf32, #tpu.memory_space<vmem_shared>> -> memref<640x128xf32, #tpu.memory_space<vmem_shared>>
      tpu.enqueue_dma source(%dma_start3A_33 : memref<640x128xf32, #tpu.memory_space<vmem_shared>>) target(%dma_start3A_31 : memref<640x128xf32, #tpu.memory_space<hbm>>) target_semaphore(%run_scoped3A : memref<!tpu.dma_semaphore, #tpu.memory_space<semaphore_mem>>)
      %dma_wait3A = arith.constant 0 : i32
      %dma_wait3A_34 = tpu.memref_slice %arg5[%arg0, %mul3A_4, %dma_wait3A] : memref<2x10240x128xf32, #tpu.memory_space<hbm>> -> memref<1x640x128xf32, #tpu.memory_space<hbm>>
      %dma_wait3A_35 = tpu.memref_squeeze %dma_wait3A_34 : memref<1x640x128xf32, #tpu.memory_space<hbm>> -> memref<640x128xf32, #tpu.memory_space<hbm>>
      %dma_wait3A_36 = arith.constant 0 : i32
      %dma_wait3A_37 = tpu.memref_slice %arg10[%mul3A_4, %dma_wait3A_36] : memref<10240x128xf32, #tpu.memory_space<vmem_shared>> -> memref<640x128xf32, #tpu.memory_space<vmem_shared>>
      tpu.wait_dma2 semaphore(%run_scoped3A : memref<!tpu.dma_semaphore, #tpu.memory_space<semaphore_mem>>) src(%dma_wait3A_37 : memref<640x128xf32, #tpu.memory_space<vmem_shared>>) dst(%dma_wait3A_35 : memref<640x128xf32, #tpu.memory_space<hbm>>)
      tpu.yield
    }) : () -> ()
    return
  }
}

#map = affine_map<(d0, d1) -> (0, 0)>
#map1 = affine_map<(d0, d1) -> (0)>
#map2 = affine_map<(d0, d1) -> (0, 0, 0)>
module attributes {stable_mosaic.version = 14 : i64} {
  func.func @_att_sc_body(%arg0: i32, %arg1: i32, %arg2: memref<10000x128xf32, #tpu.memory_space<hbm>>, %arg3: memref<10000xf32, #tpu.memory_space<hbm>>, %arg4: memref<10000xf32, #tpu.memory_space<hbm>>, %arg5: memref<320000xi32, #tpu.memory_space<hbm>>, %arg6: memref<320000xi32, #tpu.memory_space<hbm>>, %arg7: memref<10240x128xf32, #tpu.memory_space<hbm>>, %arg8: memref<2x10240x128xf32, #tpu.memory_space<hbm>>, %arg9: memref<2x10240xf32, #tpu.memory_space<hbm>>, %arg10: memref<10000xf32, #tpu.memory_space<vmem>>, %arg11: memref<10000xf32, #tpu.memory_space<vmem>>, %arg12: memref<2000xi32, #tpu.memory_space<vmem>>, %arg13: memref<2000xi32, #tpu.memory_space<vmem>>, %arg14: memref<25x80xi32, #tpu.memory_space<vmem>>, %arg15: memref<80xf32, #tpu.memory_space<vmem>>, %arg16: memref<2x80x128xf32, #tpu.memory_space<vmem>>, %arg17: memref<!tpu.dma_semaphore, #tpu.memory_space<semaphore_mem>>, %arg18: memref<10240x128xf32, #tpu.memory_space<vmem_shared>>, %arg19: memref<10240xf32, #tpu.memory_space<vmem_shared>>) attributes {dimension_semantics = [#tpu.dimension_semantics<core_parallel>, #tpu.dimension_semantics<subcore_parallel>], iteration_bounds = array<i64: 2, 16>, scalar_prefetch = 0 : i64, scratch_operands = 10 : i64, tpu.core_type = #tpu.core_type<sc_vector_subcore>, window_params = [{transform_indices = #map}, {transform_indices = #map1}, {transform_indices = #map1}, {transform_indices = #map1}, {transform_indices = #map1}, {transform_indices = #map}, {transform_indices = #map2}, {transform_indices = #map}]} {
    %mul3A = arith.constant 2 : i32
    %mul3A_0 = arith.muli %arg1, %mul3A : i32
    %add3A = arith.addi %mul3A_0, %arg0 : i32
    %mul3A_1 = arith.constant 10000 : i32
    %mul3A_2 = arith.muli %add3A, %mul3A_1 : i32
    %mul3A_3 = arith.constant 640 : i32
    %mul3A_4 = arith.muli %arg1, %mul3A_3 : i32
    "tpu.region"() ({
      %run_scoped3A_11 = tpu.sem_alloc : memref<!tpu.dma_semaphore, #tpu.memory_space<semaphore_mem>>
      %dma_start3A = arith.constant 0 : i32
      %dma_start3A_12 = tpu.memref_slice %arg18[%mul3A_4, %dma_start3A] : memref<10240x128xf32, #tpu.memory_space<vmem_shared>> -> memref<640x128xf32, #tpu.memory_space<vmem_shared>>
      %dma_start3A_13 = arith.constant 0 : i32
      %dma_start3A_14 = tpu.memref_slice %arg7[%mul3A_4, %dma_start3A_13] : memref<10240x128xf32, #tpu.memory_space<hbm>> -> memref<640x128xf32, #tpu.memory_space<hbm>>
      tpu.enqueue_dma source(%dma_start3A_14 : memref<640x128xf32, #tpu.memory_space<hbm>>) target(%dma_start3A_12 : memref<640x128xf32, #tpu.memory_space<vmem_shared>>) target_semaphore(%run_scoped3A_11 : memref<!tpu.dma_semaphore, #tpu.memory_space<semaphore_mem>>)
      %dma_wait3A = arith.constant 0 : i32
      %dma_wait3A_15 = tpu.memref_slice %arg18[%mul3A_4, %dma_wait3A] : memref<10240x128xf32, #tpu.memory_space<vmem_shared>> -> memref<640x128xf32, #tpu.memory_space<vmem_shared>>
      %dma_wait3A_16 = arith.constant 0 : i32
      %dma_wait3A_17 = tpu.memref_slice %arg7[%mul3A_4, %dma_wait3A_16] : memref<10240x128xf32, #tpu.memory_space<hbm>> -> memref<640x128xf32, #tpu.memory_space<hbm>>
      tpu.wait_dma2 semaphore(%run_scoped3A_11 : memref<!tpu.dma_semaphore, #tpu.memory_space<semaphore_mem>>) src(%dma_wait3A_17 : memref<640x128xf32, #tpu.memory_space<hbm>>) dst(%dma_wait3A_15 : memref<640x128xf32, #tpu.memory_space<vmem_shared>>)
      tpu.yield
    }) : () -> ()
    %run_scoped3A = arith.constant 0 : i32
    "tpu.region"() ({
      %run_scoped3A_11 = tpu.sem_alloc : memref<!tpu.dma_semaphore, #tpu.memory_space<semaphore_mem>>
      %dma_start3A = tpu.memref_slice %arg19[%mul3A_4] : memref<10240xf32, #tpu.memory_space<vmem_shared>> -> memref<640xf32, #tpu.memory_space<vmem_shared>>
      %dma_start3A_12 = arith.constant 0 : i32
      %dma_start3A_13 = tpu.memref_slice %arg7[%run_scoped3A, %dma_start3A_12] : memref<10240x128xf32, #tpu.memory_space<hbm>> -> memref<1x640xf32, #tpu.memory_space<hbm>>
      %dma_start3A_14 = tpu.memref_squeeze %dma_start3A_13 : memref<1x640xf32, #tpu.memory_space<hbm>> -> memref<640xf32, #tpu.memory_space<hbm>>
      tpu.enqueue_dma source(%dma_start3A_14 : memref<640xf32, #tpu.memory_space<hbm>>) target(%dma_start3A : memref<640xf32, #tpu.memory_space<vmem_shared>>) target_semaphore(%run_scoped3A_11 : memref<!tpu.dma_semaphore, #tpu.memory_space<semaphore_mem>>)
      %dma_wait3A = tpu.memref_slice %arg19[%mul3A_4] : memref<10240xf32, #tpu.memory_space<vmem_shared>> -> memref<640xf32, #tpu.memory_space<vmem_shared>>
      %dma_wait3A_15 = arith.constant 0 : i32
      %dma_wait3A_16 = tpu.memref_slice %arg7[%run_scoped3A, %dma_wait3A_15] : memref<10240x128xf32, #tpu.memory_space<hbm>> -> memref<1x640xf32, #tpu.memory_space<hbm>>
      %dma_wait3A_17 = tpu.memref_squeeze %dma_wait3A_16 : memref<1x640xf32, #tpu.memory_space<hbm>> -> memref<640xf32, #tpu.memory_space<hbm>>
      tpu.wait_dma2 semaphore(%run_scoped3A_11 : memref<!tpu.dma_semaphore, #tpu.memory_space<semaphore_mem>>) src(%dma_wait3A_17 : memref<640xf32, #tpu.memory_space<hbm>>) dst(%dma_wait3A : memref<640xf32, #tpu.memory_space<vmem_shared>>)
      tpu.yield
    }) : () -> ()
    "tpu.region"() ({
      %run_scoped3A_11 = tpu.sem_alloc : memref<!tpu.dma_semaphore, #tpu.memory_space<semaphore_mem>>
      tpu.enqueue_dma source(%arg3 : memref<10000xf32, #tpu.memory_space<hbm>>) target(%arg10 : memref<10000xf32, #tpu.memory_space<vmem>>) target_semaphore(%run_scoped3A_11 : memref<!tpu.dma_semaphore, #tpu.memory_space<semaphore_mem>>)
      tpu.wait_dma2 semaphore(%run_scoped3A_11 : memref<!tpu.dma_semaphore, #tpu.memory_space<semaphore_mem>>) src(%arg3 : memref<10000xf32, #tpu.memory_space<hbm>>) dst(%arg10 : memref<10000xf32, #tpu.memory_space<vmem>>)
      tpu.yield
    }) : () -> ()
    "tpu.region"() ({
      %run_scoped3A_11 = tpu.sem_alloc : memref<!tpu.dma_semaphore, #tpu.memory_space<semaphore_mem>>
      tpu.enqueue_dma source(%arg4 : memref<10000xf32, #tpu.memory_space<hbm>>) target(%arg11 : memref<10000xf32, #tpu.memory_space<vmem>>) target_semaphore(%run_scoped3A_11 : memref<!tpu.dma_semaphore, #tpu.memory_space<semaphore_mem>>)
      tpu.wait_dma2 semaphore(%run_scoped3A_11 : memref<!tpu.dma_semaphore, #tpu.memory_space<semaphore_mem>>) src(%arg4 : memref<10000xf32, #tpu.memory_space<hbm>>) dst(%arg11 : memref<10000xf32, #tpu.memory_space<vmem>>)
      tpu.yield
    }) : () -> ()
    %barrier3A = arith.constant 0 : index
    tpu.barrier barrier_id(%barrier3A)
    %scan3A = arith.constant 0 : i32
    %scan3A_5 = arith.constant 0 : i32
    %scan3A_6 = arith.constant 5 : i32
    %scan3A_7 = arith.addi %scan3A_5, %scan3A_6 : i32
    %scan3A_8 = arith.constant 1 : i32
    scf.for %scan3A_11 = %scan3A_5 to %scan3A_7 step %scan3A_8  : i32 {
      %mul3A_12 = arith.constant 2000 : i32
      %mul3A_13 = arith.muli %scan3A_11, %mul3A_12 : i32
      %add3A_14 = arith.addi %mul3A_2, %mul3A_13 : i32
      "tpu.region"() ({
        %run_scoped3A_39 = tpu.sem_alloc : memref<!tpu.dma_semaphore, #tpu.memory_space<semaphore_mem>>
        %dma_start3A_40 = tpu.memref_slice %arg5[%add3A_14] : memref<320000xi32, #tpu.memory_space<hbm>> -> memref<2000xi32, #tpu.memory_space<hbm>>
        %dma_start3A_41 = tpu.memref_slice %arg5[%add3A_14] : memref<320000xi32, #tpu.memory_space<hbm>> -> memref<2000xi32, #tpu.memory_space<hbm>>
        tpu.enqueue_dma source(%dma_start3A_41 : memref<2000xi32, #tpu.memory_space<hbm>>) target(%arg12 : memref<2000xi32, #tpu.memory_space<vmem>>) target_semaphore(%run_scoped3A_39 : memref<!tpu.dma_semaphore, #tpu.memory_space<semaphore_mem>>)
        %dma_wait3A = tpu.memref_slice %arg5[%add3A_14] : memref<320000xi32, #tpu.memory_space<hbm>> -> memref<2000xi32, #tpu.memory_space<hbm>>
        %dma_wait3A_42 = tpu.memref_slice %arg5[%add3A_14] : memref<320000xi32, #tpu.memory_space<hbm>> -> memref<2000xi32, #tpu.memory_space<hbm>>
        tpu.wait_dma2 semaphore(%run_scoped3A_39 : memref<!tpu.dma_semaphore, #tpu.memory_space<semaphore_mem>>) src(%dma_wait3A_42 : memref<2000xi32, #tpu.memory_space<hbm>>) dst(%arg12 : memref<2000xi32, #tpu.memory_space<vmem>>)
        tpu.yield
      }) : () -> ()
      %mul3A_15 = arith.constant 2000 : i32
      %mul3A_16 = arith.muli %scan3A_11, %mul3A_15 : i32
      %add3A_17 = arith.addi %mul3A_2, %mul3A_16 : i32
      "tpu.region"() ({
        %run_scoped3A_39 = tpu.sem_alloc : memref<!tpu.dma_semaphore, #tpu.memory_space<semaphore_mem>>
        %dma_start3A_40 = tpu.memref_slice %arg6[%add3A_17] : memref<320000xi32, #tpu.memory_space<hbm>> -> memref<2000xi32, #tpu.memory_space<hbm>>
        %dma_start3A_41 = tpu.memref_slice %arg6[%add3A_17] : memref<320000xi32, #tpu.memory_space<hbm>> -> memref<2000xi32, #tpu.memory_space<hbm>>
        tpu.enqueue_dma source(%dma_start3A_41 : memref<2000xi32, #tpu.memory_space<hbm>>) target(%arg13 : memref<2000xi32, #tpu.memory_space<vmem>>) target_semaphore(%run_scoped3A_39 : memref<!tpu.dma_semaphore, #tpu.memory_space<semaphore_mem>>)
        %dma_wait3A = tpu.memref_slice %arg6[%add3A_17] : memref<320000xi32, #tpu.memory_space<hbm>> -> memref<2000xi32, #tpu.memory_space<hbm>>
        %dma_wait3A_42 = tpu.memref_slice %arg6[%add3A_17] : memref<320000xi32, #tpu.memory_space<hbm>> -> memref<2000xi32, #tpu.memory_space<hbm>>
        tpu.wait_dma2 semaphore(%run_scoped3A_39 : memref<!tpu.dma_semaphore, #tpu.memory_space<semaphore_mem>>) src(%dma_wait3A_42 : memref<2000xi32, #tpu.memory_space<hbm>>) dst(%arg13 : memref<2000xi32, #tpu.memory_space<vmem>>)
        tpu.yield
      }) : () -> ()
      %scan3A_18 = arith.constant 0 : i32
      %scan3A_19 = arith.constant 0 : i32
      %scan3A_20 = arith.constant 25 : i32
      %scan3A_21 = arith.addi %scan3A_19, %scan3A_20 : i32
      %scan3A_22 = arith.constant 1 : i32
      scf.for %scan3A_39 = %scan3A_19 to %scan3A_21 step %scan3A_22  : i32 {
        %mul3A_40 = arith.constant 80 : i32
        %mul3A_41 = arith.muli %scan3A_39, %mul3A_40 : i32
        %add3A_42 = arith.constant 0 : i32
        %add3A_43 = arith.addi %mul3A_41, %add3A_42 : i32
        %get3A = arith.index_cast %add3A_43 : i32 to index
        %get3A_44 = tpu.vector_load %arg13[%get3A] {strides = array<i32>} : memref<2000xi32, #tpu.memory_space<vmem>>, vector<16xi32>,
        %swap3A = arith.index_cast %scan3A_39 : i32 to index
        %swap3A_45 = arith.constant 0 : index
        %swap3A_46 = tpu.vector_load %arg14[%swap3A, %swap3A_45] {strides = array<i32>} : memref<25x80xi32, #tpu.memory_space<vmem>>, vector<16xi32>,
        tpu.vector_store %arg14[%swap3A, %swap3A_45], %get3A_44 {strides = array<i32>} : memref<25x80xi32, #tpu.memory_space<vmem>>, vector<16xi32>,
        %mul3A_47 = arith.constant 80 : i32
        %mul3A_48 = arith.muli %scan3A_39, %mul3A_47 : i32
        %add3A_49 = arith.constant 16 : i32
        %add3A_50 = arith.addi %mul3A_48, %add3A_49 : i32
        %get3A_51 = arith.index_cast %add3A_50 : i32 to index
        %get3A_52 = tpu.vector_load %arg13[%get3A_51] {strides = array<i32>} : memref<2000xi32, #tpu.memory_space<vmem>>, vector<16xi32>,
        %swap3A_53 = arith.index_cast %scan3A_39 : i32 to index
        %swap3A_54 = arith.constant 16 : index
        %swap3A_55 = tpu.vector_load %arg14[%swap3A_53, %swap3A_54] {strides = array<i32>} : memref<25x80xi32, #tpu.memory_space<vmem>>, vector<16xi32>,
        tpu.vector_store %arg14[%swap3A_53, %swap3A_54], %get3A_52 {strides = array<i32>} : memref<25x80xi32, #tpu.memory_space<vmem>>, vector<16xi32>,
        %mul3A_56 = arith.constant 80 : i32
        %mul3A_57 = arith.muli %scan3A_39, %mul3A_56 : i32
        %add3A_58 = arith.constant 32 : i32
        %add3A_59 = arith.addi %mul3A_57, %add3A_58 : i32
        %get3A_60 = arith.index_cast %add3A_59 : i32 to index
        %get3A_61 = tpu.vector_load %arg13[%get3A_60] {strides = array<i32>} : memref<2000xi32, #tpu.memory_space<vmem>>, vector<16xi32>,
        %swap3A_62 = arith.index_cast %scan3A_39 : i32 to index
        %swap3A_63 = arith.constant 32 : index
        %swap3A_64 = tpu.vector_load %arg14[%swap3A_62, %swap3A_63] {strides = array<i32>} : memref<25x80xi32, #tpu.memory_space<vmem>>, vector<16xi32>,
        tpu.vector_store %arg14[%swap3A_62, %swap3A_63], %get3A_61 {strides = array<i32>} : memref<25x80xi32, #tpu.memory_space<vmem>>, vector<16xi32>,
        %mul3A_65 = arith.constant 80 : i32
        %mul3A_66 = arith.muli %scan3A_39, %mul3A_65 : i32
        %add3A_67 = arith.constant 48 : i32
        %add3A_68 = arith.addi %mul3A_66, %add3A_67 : i32
        %get3A_69 = arith.index_cast %add3A_68 : i32 to index
        %get3A_70 = tpu.vector_load %arg13[%get3A_69] {strides = array<i32>} : memref<2000xi32, #tpu.memory_space<vmem>>, vector<16xi32>,
        %swap3A_71 = arith.index_cast %scan3A_39 : i32 to index
        %swap3A_72 = arith.constant 48 : index
        %swap3A_73 = tpu.vector_load %arg14[%swap3A_71, %swap3A_72] {strides = array<i32>} : memref<25x80xi32, #tpu.memory_space<vmem>>, vector<16xi32>,
        tpu.vector_store %arg14[%swap3A_71, %swap3A_72], %get3A_70 {strides = array<i32>} : memref<25x80xi32, #tpu.memory_space<vmem>>, vector<16xi32>,
        %mul3A_74 = arith.constant 80 : i32
        %mul3A_75 = arith.muli %scan3A_39, %mul3A_74 : i32
        %add3A_76 = arith.constant 64 : i32
        %add3A_77 = arith.addi %mul3A_75, %add3A_76 : i32
        %get3A_78 = arith.index_cast %add3A_77 : i32 to index
        %get3A_79 = tpu.vector_load %arg13[%get3A_78] {strides = array<i32>} : memref<2000xi32, #tpu.memory_space<vmem>>, vector<16xi32>,
        %swap3A_80 = arith.index_cast %scan3A_39 : i32 to index
        %swap3A_81 = arith.constant 64 : index
        %swap3A_82 = tpu.vector_load %arg14[%swap3A_80, %swap3A_81] {strides = array<i32>} : memref<25x80xi32, #tpu.memory_space<vmem>>, vector<16xi32>,
        tpu.vector_store %arg14[%swap3A_80, %swap3A_81], %get3A_79 {strides = array<i32>} : memref<25x80xi32, #tpu.memory_space<vmem>>, vector<16xi32>,
      }
      %scan3A_23 = arith.constant 25 : i32
      %dma_start3A = arith.constant 0 : i32
      %dma_start3A_24 = arith.constant 0 : i32
      %dma_start3A_25 = arith.constant 0 : i32
      %dma_start3A_26 = tpu.memref_slice %arg16[%dma_start3A, %dma_start3A_24, %dma_start3A_25] : memref<2x80x128xf32, #tpu.memory_space<vmem>> -> memref<1x80x128xf32, #tpu.memory_space<vmem>>
      %dma_start3A_27 = tpu.memref_squeeze %dma_start3A_26 : memref<1x80x128xf32, #tpu.memory_space<vmem>> -> memref<80x128xf32, #tpu.memory_space<vmem>>
      %dma_start3A_28 = arith.constant 0 : i32
      %dma_start3A_29 = tpu.memref_slice %arg12[%dma_start3A_28] : memref<2000xi32, #tpu.memory_space<vmem>> -> memref<80xi32, #tpu.memory_space<vmem>>
      %dma_start3A_30 = arith.constant 0 : i32
      %dma_start3A_31 = arith.constant 0 : i32
      %dma_start3A_32 = tpu.memref_slice %arg2[%dma_start3A_30, %dma_start3A_31] : memref<10000x128xf32, #tpu.memory_space<hbm>> -> memref<10000x128xf32, #tpu.memory_space<hbm>>
      tpu.enqueue_indirect_dma source(%dma_start3A_32 : memref<10000x128xf32, #tpu.memory_space<hbm>>) target(%dma_start3A_27 : memref<80x128xf32, #tpu.memory_space<vmem>>) offsets(%dma_start3A_29 : memref<80xi32, #tpu.memory_space<vmem>>) semaphore(%arg17 : memref<!tpu.dma_semaphore, #tpu.memory_space<semaphore_mem>>)
      %scan3A_33 = arith.constant 0 : i32
      %scan3A_34 = arith.constant 0 : i32
      %scan3A_35 = arith.constant 25 : i32
      %scan3A_36 = arith.addi %scan3A_34, %scan3A_35 : i32
      %scan3A_37 = arith.constant 1 : i32
      scf.for %scan3A_39 = %scan3A_34 to %scan3A_36 step %scan3A_37  : i32 {
        %rem3A = arith.constant 2 : i32
        %rem3A_40 = arith.remsi %scan3A_39, %rem3A : i32
        %mul3A_41 = arith.constant 80 : i32
        %mul3A_42 = arith.muli %scan3A_39, %mul3A_41 : i32
        %dma_wait3A = arith.constant 0 : i32
        %dma_wait3A_43 = arith.constant 0 : i32
        %dma_wait3A_44 = tpu.memref_slice %arg16[%rem3A_40, %dma_wait3A, %dma_wait3A_43] : memref<2x80x128xf32, #tpu.memory_space<vmem>> -> memref<1x80x128xf32, #tpu.memory_space<vmem>>
        %dma_wait3A_45 = tpu.memref_squeeze %dma_wait3A_44 : memref<1x80x128xf32, #tpu.memory_space<vmem>> -> memref<80x128xf32, #tpu.memory_space<vmem>>
        %dma_wait3A_46 = tpu.memref_slice %arg12[%mul3A_42] : memref<2000xi32, #tpu.memory_space<vmem>> -> memref<80xi32, #tpu.memory_space<vmem>>
        %dma_wait3A_47 = arith.constant 0 : i32
        %dma_wait3A_48 = arith.constant 0 : i32
        %dma_wait3A_49 = tpu.memref_slice %arg2[%dma_wait3A_47, %dma_wait3A_48] : memref<10000x128xf32, #tpu.memory_space<hbm>> -> memref<10000x128xf32, #tpu.memory_space<hbm>>
        tpu.wait_indirect_dma semaphore(%arg17 : memref<!tpu.dma_semaphore, #tpu.memory_space<semaphore_mem>>) src(%dma_wait3A_49 : memref<10000x128xf32, #tpu.memory_space<hbm>>) dst(%dma_wait3A_45 : memref<80x128xf32, #tpu.memory_space<vmem>>)
        %add3A_50 = arith.constant 1 : i32
        %add3A_51 = arith.addi %scan3A_39, %add3A_50 : i32
        %lt3A = arith.constant 25 : i32
        %lt3A_52 = arith.cmpi slt, %add3A_51, %lt3A : i32
        %convert_element_type3A = arith.extui %lt3A_52 : i1 to i32
        %cond3A = arith.constant 0 : i32
        %cond3A_53 = arith.cmpi ne, %convert_element_type3A, %cond3A : i32
        scf.if %cond3A_53 {
          %add3A_160 = arith.constant 1 : i32
          %add3A_161 = arith.addi %scan3A_39, %add3A_160 : i32
          %mul3A_162 = arith.constant 80 : i32
          %mul3A_163 = arith.muli %add3A_161, %mul3A_162 : i32
          %sub3A = arith.constant 1 : i32
          %sub3A_164 = arith.subi %sub3A, %rem3A_40 : i32
          %dma_start3A_165 = arith.constant 0 : i32
          %dma_start3A_166 = arith.constant 0 : i32
          %dma_start3A_167 = tpu.memref_slice %arg16[%sub3A_164, %dma_start3A_165, %dma_start3A_166] : memref<2x80x128xf32, #tpu.memory_space<vmem>> -> memref<1x80x128xf32, #tpu.memory_space<vmem>>
          %dma_start3A_168 = tpu.memref_squeeze %dma_start3A_167 : memref<1x80x128xf32, #tpu.memory_space<vmem>> -> memref<80x128xf32, #tpu.memory_space<vmem>>
          %dma_start3A_169 = tpu.memref_slice %arg12[%mul3A_163] : memref<2000xi32, #tpu.memory_space<vmem>> -> memref<80xi32, #tpu.memory_space<vmem>>
          %dma_start3A_170 = arith.constant 0 : i32
          %dma_start3A_171 = arith.constant 0 : i32
          %dma_start3A_172 = tpu.memref_slice %arg2[%dma_start3A_170, %dma_start3A_171] : memref<10000x128xf32, #tpu.memory_space<hbm>> -> memref<10000x128xf32, #tpu.memory_space<hbm>>
          tpu.enqueue_indirect_dma source(%dma_start3A_172 : memref<10000x128xf32, #tpu.memory_space<hbm>>) target(%dma_start3A_168 : memref<80x128xf32, #tpu.memory_space<vmem>>) offsets(%dma_start3A_169 : memref<80xi32, #tpu.memory_space<vmem>>) semaphore(%arg17 : memref<!tpu.dma_semaphore, #tpu.memory_space<semaphore_mem>>)
        } else {
        }
        %mul3A_54 = arith.constant 80 : i32
        %mul3A_55 = arith.muli %scan3A_39, %mul3A_54 : i32
        %add3A_56 = arith.constant 0 : i32
        %add3A_57 = arith.addi %mul3A_55, %add3A_56 : i32
        %get3A = arith.index_cast %add3A_57 : i32 to index
        %get3A_58 = tpu.vector_load %arg12[%get3A] {strides = array<i32>} : memref<2000xi32, #tpu.memory_space<vmem>>, vector<16xi32>,
        %mul3A_59 = arith.constant 80 : i32
        %mul3A_60 = arith.muli %scan3A_39, %mul3A_59 : i32
        %add3A_61 = arith.constant 0 : i32
        %add3A_62 = arith.addi %mul3A_60, %add3A_61 : i32
        %get3A_63 = arith.index_cast %add3A_62 : i32 to index
        %get3A_64 = tpu.vector_load %arg13[%get3A_63] {strides = array<i32>} : memref<2000xi32, #tpu.memory_space<vmem>>, vector<16xi32>,
        %gather3A = tpu.vector_load_idx %arg11[%get3A_58] : memref<10000xf32, #tpu.memory_space<vmem>>[vector<16xi32>], vector<16xf32>,
        %gather3A_65 = tpu.vector_load_idx %arg10[%get3A_64] : memref<10000xf32, #tpu.memory_space<vmem>>[vector<16xi32>], vector<16xf32>,
        %add3A_66 = arith.addf %gather3A_65, %gather3A : vector<16xf32>
        %max3A = arith.constant 0.000000e+00 : f32
        %max3A_67 = vector.broadcast %max3A : f32 to vector<16xf32>
        %max3A_68 = arith.maximumf %add3A_66, %max3A_67 : vector<16xf32>
        %exp3A = math.exp %max3A_68 : vector<16xf32>
        %swap3A = arith.constant 0 : index
        %swap3A_69 = tpu.vector_load %arg15[%swap3A] {strides = array<i32>} : memref<80xf32, #tpu.memory_space<vmem>>, vector<16xf32>,
        tpu.vector_store %arg15[%swap3A], %exp3A {strides = array<i32>} : memref<80xf32, #tpu.memory_space<vmem>>, vector<16xf32>,
        %mul3A_70 = arith.constant 80 : i32
        %mul3A_71 = arith.muli %scan3A_39, %mul3A_70 : i32
        %add3A_72 = arith.constant 16 : i32
        %add3A_73 = arith.addi %mul3A_71, %add3A_72 : i32
        %get3A_74 = arith.index_cast %add3A_73 : i32 to index
        %get3A_75 = tpu.vector_load %arg12[%get3A_74] {strides = array<i32>} : memref<2000xi32, #tpu.memory_space<vmem>>, vector<16xi32>,
        %mul3A_76 = arith.constant 80 : i32
        %mul3A_77 = arith.muli %scan3A_39, %mul3A_76 : i32
        %add3A_78 = arith.constant 16 : i32
        %add3A_79 = arith.addi %mul3A_77, %add3A_78 : i32
        %get3A_80 = arith.index_cast %add3A_79 : i32 to index
        %get3A_81 = tpu.vector_load %arg13[%get3A_80] {strides = array<i32>} : memref<2000xi32, #tpu.memory_space<vmem>>, vector<16xi32>,
        %gather3A_82 = tpu.vector_load_idx %arg11[%get3A_75] : memref<10000xf32, #tpu.memory_space<vmem>>[vector<16xi32>], vector<16xf32>,
        %gather3A_83 = tpu.vector_load_idx %arg10[%get3A_81] : memref<10000xf32, #tpu.memory_space<vmem>>[vector<16xi32>], vector<16xf32>,
        %add3A_84 = arith.addf %gather3A_83, %gather3A_82 : vector<16xf32>
        %max3A_85 = arith.constant 0.000000e+00 : f32
        %max3A_86 = vector.broadcast %max3A_85 : f32 to vector<16xf32>
        %max3A_87 = arith.maximumf %add3A_84, %max3A_86 : vector<16xf32>
        %exp3A_88 = math.exp %max3A_87 : vector<16xf32>
        %swap3A_89 = arith.constant 16 : index
        %swap3A_90 = tpu.vector_load %arg15[%swap3A_89] {strides = array<i32>} : memref<80xf32, #tpu.memory_space<vmem>>, vector<16xf32>,
        tpu.vector_store %arg15[%swap3A_89], %exp3A_88 {strides = array<i32>} : memref<80xf32, #tpu.memory_space<vmem>>, vector<16xf32>,
        %mul3A_91 = arith.constant 80 : i32
        %mul3A_92 = arith.muli %scan3A_39, %mul3A_91 : i32
        %add3A_93 = arith.constant 32 : i32
        %add3A_94 = arith.addi %mul3A_92, %add3A_93 : i32
        %get3A_95 = arith.index_cast %add3A_94 : i32 to index
        %get3A_96 = tpu.vector_load %arg12[%get3A_95] {strides = array<i32>} : memref<2000xi32, #tpu.memory_space<vmem>>, vector<16xi32>,
        %mul3A_97 = arith.constant 80 : i32
        %mul3A_98 = arith.muli %scan3A_39, %mul3A_97 : i32
        %add3A_99 = arith.constant 32 : i32
        %add3A_100 = arith.addi %mul3A_98, %add3A_99 : i32
        %get3A_101 = arith.index_cast %add3A_100 : i32 to index
        %get3A_102 = tpu.vector_load %arg13[%get3A_101] {strides = array<i32>} : memref<2000xi32, #tpu.memory_space<vmem>>, vector<16xi32>,
        %gather3A_103 = tpu.vector_load_idx %arg11[%get3A_96] : memref<10000xf32, #tpu.memory_space<vmem>>[vector<16xi32>], vector<16xf32>,
        %gather3A_104 = tpu.vector_load_idx %arg10[%get3A_102] : memref<10000xf32, #tpu.memory_space<vmem>>[vector<16xi32>], vector<16xf32>,
        %add3A_105 = arith.addf %gather3A_104, %gather3A_103 : vector<16xf32>
        %max3A_106 = arith.constant 0.000000e+00 : f32
        %max3A_107 = vector.broadcast %max3A_106 : f32 to vector<16xf32>
        %max3A_108 = arith.maximumf %add3A_105, %max3A_107 : vector<16xf32>
        %exp3A_109 = math.exp %max3A_108 : vector<16xf32>
        %swap3A_110 = arith.constant 32 : index
        %swap3A_111 = tpu.vector_load %arg15[%swap3A_110] {strides = array<i32>} : memref<80xf32, #tpu.memory_space<vmem>>, vector<16xf32>,
        tpu.vector_store %arg15[%swap3A_110], %exp3A_109 {strides = array<i32>} : memref<80xf32, #tpu.memory_space<vmem>>, vector<16xf32>,
        %mul3A_112 = arith.constant 80 : i32
        %mul3A_113 = arith.muli %scan3A_39, %mul3A_112 : i32
        %add3A_114 = arith.constant 48 : i32
        %add3A_115 = arith.addi %mul3A_113, %add3A_114 : i32
        %get3A_116 = arith.index_cast %add3A_115 : i32 to index
        %get3A_117 = tpu.vector_load %arg12[%get3A_116] {strides = array<i32>} : memref<2000xi32, #tpu.memory_space<vmem>>, vector<16xi32>,
        %mul3A_118 = arith.constant 80 : i32
        %mul3A_119 = arith.muli %scan3A_39, %mul3A_118 : i32
        %add3A_120 = arith.constant 48 : i32
        %add3A_121 = arith.addi %mul3A_119, %add3A_120 : i32
        %get3A_122 = arith.index_cast %add3A_121 : i32 to index
        %get3A_123 = tpu.vector_load %arg13[%get3A_122] {strides = array<i32>} : memref<2000xi32, #tpu.memory_space<vmem>>, vector<16xi32>,
        %gather3A_124 = tpu.vector_load_idx %arg11[%get3A_117] : memref<10000xf32, #tpu.memory_space<vmem>>[vector<16xi32>], vector<16xf32>,
        %gather3A_125 = tpu.vector_load_idx %arg10[%get3A_123] : memref<10000xf32, #tpu.memory_space<vmem>>[vector<16xi32>], vector<16xf32>,
        %add3A_126 = arith.addf %gather3A_125, %gather3A_124 : vector<16xf32>
        %max3A_127 = arith.constant 0.000000e+00 : f32
        %max3A_128 = vector.broadcast %max3A_127 : f32 to vector<16xf32>
        %max3A_129 = arith.maximumf %add3A_126, %max3A_128 : vector<16xf32>
        %exp3A_130 = math.exp %max3A_129 : vector<16xf32>
        %swap3A_131 = arith.constant 48 : index
        %swap3A_132 = tpu.vector_load %arg15[%swap3A_131] {strides = array<i32>} : memref<80xf32, #tpu.memory_space<vmem>>, vector<16xf32>,
        tpu.vector_store %arg15[%swap3A_131], %exp3A_130 {strides = array<i32>} : memref<80xf32, #tpu.memory_space<vmem>>, vector<16xf32>,
        %mul3A_133 = arith.constant 80 : i32
        %mul3A_134 = arith.muli %scan3A_39, %mul3A_133 : i32
        %add3A_135 = arith.constant 64 : i32
        %add3A_136 = arith.addi %mul3A_134, %add3A_135 : i32
        %get3A_137 = arith.index_cast %add3A_136 : i32 to index
        %get3A_138 = tpu.vector_load %arg12[%get3A_137] {strides = array<i32>} : memref<2000xi32, #tpu.memory_space<vmem>>, vector<16xi32>,
        %mul3A_139 = arith.constant 80 : i32
        %mul3A_140 = arith.muli %scan3A_39, %mul3A_139 : i32
        %add3A_141 = arith.constant 64 : i32
        %add3A_142 = arith.addi %mul3A_140, %add3A_141 : i32
        %get3A_143 = arith.index_cast %add3A_142 : i32 to index
        %get3A_144 = tpu.vector_load %arg13[%get3A_143] {strides = array<i32>} : memref<2000xi32, #tpu.memory_space<vmem>>, vector<16xi32>,
        %gather3A_145 = tpu.vector_load_idx %arg11[%get3A_138] : memref<10000xf32, #tpu.memory_space<vmem>>[vector<16xi32>], vector<16xf32>,
        %gather3A_146 = tpu.vector_load_idx %arg10[%get3A_144] : memref<10000xf32, #tpu.memory_space<vmem>>[vector<16xi32>], vector<16xf32>,
        %add3A_147 = arith.addf %gather3A_146, %gather3A_145 : vector<16xf32>
        %max3A_148 = arith.constant 0.000000e+00 : f32
        %max3A_149 = vector.broadcast %max3A_148 : f32 to vector<16xf32>
        %max3A_150 = arith.maximumf %add3A_147, %max3A_149 : vector<16xf32>
        %exp3A_151 = math.exp %max3A_150 : vector<16xf32>
        %swap3A_152 = arith.constant 64 : index
        %swap3A_153 = tpu.vector_load %arg15[%swap3A_152] {strides = array<i32>} : memref<80xf32, #tpu.memory_space<vmem>>, vector<16xf32>,
        tpu.vector_store %arg15[%swap3A_152], %exp3A_151 {strides = array<i32>} : memref<80xf32, #tpu.memory_space<vmem>>, vector<16xf32>,
        %scan3A_154 = arith.constant 0 : i32
        %scan3A_155 = arith.constant 0 : i32
        %scan3A_156 = arith.constant 80 : i32
        %scan3A_157 = arith.addi %scan3A_155, %scan3A_156 : i32
        %scan3A_158 = arith.constant 1 : i32
        scf.for %scan3A_160 = %scan3A_155 to %scan3A_157 step %scan3A_158  : i32 {
          %broadcast_in_dim3A = vector.broadcast %scan3A_160 : i32 to vector<16xi32>
          %gather3A_161 = tpu.vector_load_idx %arg15[%broadcast_in_dim3A] : memref<80xf32, #tpu.memory_space<vmem>>[vector<16xi32>], vector<16xf32>,
          %get3A_162 = arith.index_cast %rem3A_40 : i32 to index
          %get3A_163 = arith.index_cast %scan3A_160 : i32 to index
          %get3A_164 = arith.constant 0 : index
          %get3A_165 = tpu.vector_load %arg16[%get3A_162, %get3A_163, %get3A_164] {strides = array<i32>} : memref<2x80x128xf32, #tpu.memory_space<vmem>>, vector<16xf32>,
          %mul3A_166 = arith.mulf %get3A_165, %gather3A_161 : vector<16xf32>
          %swap3A_167 = arith.index_cast %rem3A_40 : i32 to index
          %swap3A_168 = arith.index_cast %scan3A_160 : i32 to index
          %swap3A_169 = arith.constant 0 : index
          %swap3A_170 = tpu.vector_load %arg16[%swap3A_167, %swap3A_168, %swap3A_169] {strides = array<i32>} : memref<2x80x128xf32, #tpu.memory_space<vmem>>, vector<16xf32>,
          tpu.vector_store %arg16[%swap3A_167, %swap3A_168, %swap3A_169], %mul3A_166 {strides = array<i32>} : memref<2x80x128xf32, #tpu.memory_space<vmem>>, vector<16xf32>,
          %get3A_171 = arith.index_cast %rem3A_40 : i32 to index
          %get3A_172 = arith.index_cast %scan3A_160 : i32 to index
          %get3A_173 = arith.constant 16 : index
          %get3A_174 = tpu.vector_load %arg16[%get3A_171, %get3A_172, %get3A_173] {strides = array<i32>} : memref<2x80x128xf32, #tpu.memory_space<vmem>>, vector<16xf32>,
          %mul3A_175 = arith.mulf %get3A_174, %gather3A_161 : vector<16xf32>
          %swap3A_176 = arith.index_cast %rem3A_40 : i32 to index
          %swap3A_177 = arith.index_cast %scan3A_160 : i32 to index
          %swap3A_178 = arith.constant 16 : index
          %swap3A_179 = tpu.vector_load %arg16[%swap3A_176, %swap3A_177, %swap3A_178] {strides = array<i32>} : memref<2x80x128xf32, #tpu.memory_space<vmem>>, vector<16xf32>,
          tpu.vector_store %arg16[%swap3A_176, %swap3A_177, %swap3A_178], %mul3A_175 {strides = array<i32>} : memref<2x80x128xf32, #tpu.memory_space<vmem>>, vector<16xf32>,
          %get3A_180 = arith.index_cast %rem3A_40 : i32 to index
          %get3A_181 = arith.index_cast %scan3A_160 : i32 to index
          %get3A_182 = arith.constant 32 : index
          %get3A_183 = tpu.vector_load %arg16[%get3A_180, %get3A_181, %get3A_182] {strides = array<i32>} : memref<2x80x128xf32, #tpu.memory_space<vmem>>, vector<16xf32>,
          %mul3A_184 = arith.mulf %get3A_183, %gather3A_161 : vector<16xf32>
          %swap3A_185 = arith.index_cast %rem3A_40 : i32 to index
          %swap3A_186 = arith.index_cast %scan3A_160 : i32 to index
          %swap3A_187 = arith.constant 32 : index
          %swap3A_188 = tpu.vector_load %arg16[%swap3A_185, %swap3A_186, %swap3A_187] {strides = array<i32>} : memref<2x80x128xf32, #tpu.memory_space<vmem>>, vector<16xf32>,
          tpu.vector_store %arg16[%swap3A_185, %swap3A_186, %swap3A_187], %mul3A_184 {strides = array<i32>} : memref<2x80x128xf32, #tpu.memory_space<vmem>>, vector<16xf32>,
          %get3A_189 = arith.index_cast %rem3A_40 : i32 to index
          %get3A_190 = arith.index_cast %scan3A_160 : i32 to index
          %get3A_191 = arith.constant 48 : index
          %get3A_192 = tpu.vector_load %arg16[%get3A_189, %get3A_190, %get3A_191] {strides = array<i32>} : memref<2x80x128xf32, #tpu.memory_space<vmem>>, vector<16xf32>,
          %mul3A_193 = arith.mulf %get3A_192, %gather3A_161 : vector<16xf32>
          %swap3A_194 = arith.index_cast %rem3A_40 : i32 to index
          %swap3A_195 = arith.index_cast %scan3A_160 : i32 to index
          %swap3A_196 = arith.constant 48 : index
          %swap3A_197 = tpu.vector_load %arg16[%swap3A_194, %swap3A_195, %swap3A_196] {strides = array<i32>} : memref<2x80x128xf32, #tpu.memory_space<vmem>>, vector<16xf32>,
          tpu.vector_store %arg16[%swap3A_194, %swap3A_195, %swap3A_196], %mul3A_193 {strides = array<i32>} : memref<2x80x128xf32, #tpu.memory_space<vmem>>, vector<16xf32>,
          %get3A_198 = arith.index_cast %rem3A_40 : i32 to index
          %get3A_199 = arith.index_cast %scan3A_160 : i32 to index
          %get3A_200 = arith.constant 64 : index
          %get3A_201 = tpu.vector_load %arg16[%get3A_198, %get3A_199, %get3A_200] {strides = array<i32>} : memref<2x80x128xf32, #tpu.memory_space<vmem>>, vector<16xf32>,
          %mul3A_202 = arith.mulf %get3A_201, %gather3A_161 : vector<16xf32>
          %swap3A_203 = arith.index_cast %rem3A_40 : i32 to index
          %swap3A_204 = arith.index_cast %scan3A_160 : i32 to index
          %swap3A_205 = arith.constant 64 : index
          %swap3A_206 = tpu.vector_load %arg16[%swap3A_203, %swap3A_204, %swap3A_205] {strides = array<i32>} : memref<2x80x128xf32, #tpu.memory_space<vmem>>, vector<16xf32>,
          tpu.vector_store %arg16[%swap3A_203, %swap3A_204, %swap3A_205], %mul3A_202 {strides = array<i32>} : memref<2x80x128xf32, #tpu.memory_space<vmem>>, vector<16xf32>,
          %get3A_207 = arith.index_cast %rem3A_40 : i32 to index
          %get3A_208 = arith.index_cast %scan3A_160 : i32 to index
          %get3A_209 = arith.constant 80 : index
          %get3A_210 = tpu.vector_load %arg16[%get3A_207, %get3A_208, %get3A_209] {strides = array<i32>} : memref<2x80x128xf32, #tpu.memory_space<vmem>>, vector<16xf32>,
          %mul3A_211 = arith.mulf %get3A_210, %gather3A_161 : vector<16xf32>
          %swap3A_212 = arith.index_cast %rem3A_40 : i32 to index
          %swap3A_213 = arith.index_cast %scan3A_160 : i32 to index
          %swap3A_214 = arith.constant 80 : index
          %swap3A_215 = tpu.vector_load %arg16[%swap3A_212, %swap3A_213, %swap3A_214] {strides = array<i32>} : memref<2x80x128xf32, #tpu.memory_space<vmem>>, vector<16xf32>,
          tpu.vector_store %arg16[%swap3A_212, %swap3A_213, %swap3A_214], %mul3A_211 {strides = array<i32>} : memref<2x80x128xf32, #tpu.memory_space<vmem>>, vector<16xf32>,
          %get3A_216 = arith.index_cast %rem3A_40 : i32 to index
          %get3A_217 = arith.index_cast %scan3A_160 : i32 to index
          %get3A_218 = arith.constant 96 : index
          %get3A_219 = tpu.vector_load %arg16[%get3A_216, %get3A_217, %get3A_218] {strides = array<i32>} : memref<2x80x128xf32, #tpu.memory_space<vmem>>, vector<16xf32>,
          %mul3A_220 = arith.mulf %get3A_219, %gather3A_161 : vector<16xf32>
          %swap3A_221 = arith.index_cast %rem3A_40 : i32 to index
          %swap3A_222 = arith.index_cast %scan3A_160 : i32 to index
          %swap3A_223 = arith.constant 96 : index
          %swap3A_224 = tpu.vector_load %arg16[%swap3A_221, %swap3A_222, %swap3A_223] {strides = array<i32>} : memref<2x80x128xf32, #tpu.memory_space<vmem>>, vector<16xf32>,
          tpu.vector_store %arg16[%swap3A_221, %swap3A_222, %swap3A_223], %mul3A_220 {strides = array<i32>} : memref<2x80x128xf32, #tpu.memory_space<vmem>>, vector<16xf32>,
          %get3A_225 = arith.index_cast %rem3A_40 : i32 to index
          %get3A_226 = arith.index_cast %scan3A_160 : i32 to index
          %get3A_227 = arith.constant 112 : index
          %get3A_228 = tpu.vector_load %arg16[%get3A_225, %get3A_226, %get3A_227] {strides = array<i32>} : memref<2x80x128xf32, #tpu.memory_space<vmem>>, vector<16xf32>,
          %mul3A_229 = arith.mulf %get3A_228, %gather3A_161 : vector<16xf32>
          %swap3A_230 = arith.index_cast %rem3A_40 : i32 to index
          %swap3A_231 = arith.index_cast %scan3A_160 : i32 to index
          %swap3A_232 = arith.constant 112 : index
          %swap3A_233 = tpu.vector_load %arg16[%swap3A_230, %swap3A_231, %swap3A_232] {strides = array<i32>} : memref<2x80x128xf32, #tpu.memory_space<vmem>>, vector<16xf32>,
          tpu.vector_store %arg16[%swap3A_230, %swap3A_231, %swap3A_232], %mul3A_229 {strides = array<i32>} : memref<2x80x128xf32, #tpu.memory_space<vmem>>, vector<16xf32>,
        }
        %scan3A_159 = arith.constant 80 : i32
        "tpu.region"() ({
          %run_scoped3A_160 = tpu.sem_alloc : memref<!tpu.dma_semaphore, #tpu.memory_space<semaphore_mem>>
          %dma_start3A_161 = arith.constant 0 : i32
          %dma_start3A_162 = arith.constant 0 : i32
          %dma_start3A_163 = tpu.memref_slice %arg16[%rem3A_40, %dma_start3A_161, %dma_start3A_162] : memref<2x80x128xf32, #tpu.memory_space<vmem>> -> memref<1x80x128xf32, #tpu.memory_space<vmem>>
          %dma_start3A_164 = tpu.memref_squeeze %dma_start3A_163 : memref<1x80x128xf32, #tpu.memory_space<vmem>> -> memref<80x128xf32, #tpu.memory_space<vmem>>
          %dma_start3A_165 = arith.constant 0 : i32
          %dma_start3A_166 = tpu.memref_slice %arg14[%scan3A_39, %dma_start3A_165] : memref<25x80xi32, #tpu.memory_space<vmem>> -> memref<1x80xi32, #tpu.memory_space<vmem>>
          %dma_start3A_167 = tpu.memref_squeeze %dma_start3A_166 : memref<1x80xi32, #tpu.memory_space<vmem>> -> memref<80xi32, #tpu.memory_space<vmem>>
          %dma_start3A_168 = arith.constant 0 : i32
          %dma_start3A_169 = arith.constant 0 : i32
          %dma_start3A_170 = tpu.memref_slice %arg18[%dma_start3A_168, %dma_start3A_169] : memref<10240x128xf32, #tpu.memory_space<vmem_shared>> -> memref<10240x128xf32, #tpu.memory_space<vmem_shared>>
          tpu.enqueue_indirect_dma source(%dma_start3A_164 : memref<80x128xf32, #tpu.memory_space<vmem>>) target(%dma_start3A_170 : memref<10240x128xf32, #tpu.memory_space<vmem_shared>>) offsets(%dma_start3A_167 : memref<80xi32, #tpu.memory_space<vmem>>) semaphore(%run_scoped3A_160 : memref<!tpu.dma_semaphore, #tpu.memory_space<semaphore_mem>>) {add = true}
          %dma_wait3A_171 = arith.constant 0 : i32
          %dma_wait3A_172 = arith.constant 0 : i32
          %dma_wait3A_173 = tpu.memref_slice %arg16[%rem3A_40, %dma_wait3A_171, %dma_wait3A_172] : memref<2x80x128xf32, #tpu.memory_space<vmem>> -> memref<1x80x128xf32, #tpu.memory_space<vmem>>
          %dma_wait3A_174 = tpu.memref_squeeze %dma_wait3A_173 : memref<1x80x128xf32, #tpu.memory_space<vmem>> -> memref<80x128xf32, #tpu.memory_space<vmem>>
          %dma_wait3A_175 = arith.constant 0 : i32
          %dma_wait3A_176 = tpu.memref_slice %arg14[%scan3A_39, %dma_wait3A_175] : memref<25x80xi32, #tpu.memory_space<vmem>> -> memref<1x80xi32, #tpu.memory_space<vmem>>
          %dma_wait3A_177 = tpu.memref_squeeze %dma_wait3A_176 : memref<1x80xi32, #tpu.memory_space<vmem>> -> memref<80xi32, #tpu.memory_space<vmem>>
          %dma_wait3A_178 = arith.constant 0 : i32
          %dma_wait3A_179 = arith.constant 0 : i32
          %dma_wait3A_180 = tpu.memref_slice %arg18[%dma_wait3A_178, %dma_wait3A_179] : memref<10240x128xf32, #tpu.memory_space<vmem_shared>> -> memref<10240x128xf32, #tpu.memory_space<vmem_shared>>
          tpu.wait_indirect_dma semaphore(%run_scoped3A_160 : memref<!tpu.dma_semaphore, #tpu.memory_space<semaphore_mem>>) src(%dma_wait3A_174 : memref<80x128xf32, #tpu.memory_space<vmem>>) dst(%dma_wait3A_180 : memref<10240x128xf32, #tpu.memory_space<vmem_shared>>)
          tpu.yield
        }) : () -> ()
        "tpu.region"() ({
          %run_scoped3A_160 = tpu.sem_alloc : memref<!tpu.dma_semaphore, #tpu.memory_space<semaphore_mem>>
          %dma_start3A_161 = arith.constant 0 : i32
          %dma_start3A_162 = tpu.memref_slice %arg14[%scan3A_39, %dma_start3A_161] : memref<25x80xi32, #tpu.memory_space<vmem>> -> memref<1x80xi32, #tpu.memory_space<vmem>>
          %dma_start3A_163 = tpu.memref_squeeze %dma_start3A_162 : memref<1x80xi32, #tpu.memory_space<vmem>> -> memref<80xi32, #tpu.memory_space<vmem>>
          %dma_start3A_164 = arith.constant 0 : i32
          %dma_start3A_165 = tpu.memref_slice %arg19[%dma_start3A_164] : memref<10240xf32, #tpu.memory_space<vmem_shared>> -> memref<10240xf32, #tpu.memory_space<vmem_shared>>
          tpu.enqueue_indirect_dma source(%arg15 : memref<80xf32, #tpu.memory_space<vmem>>) target(%dma_start3A_165 : memref<10240xf32, #tpu.memory_space<vmem_shared>>) offsets(%dma_start3A_163 : memref<80xi32, #tpu.memory_space<vmem>>) semaphore(%run_scoped3A_160 : memref<!tpu.dma_semaphore, #tpu.memory_space<semaphore_mem>>) {add = true}
          %dma_wait3A_166 = arith.constant 0 : i32
          %dma_wait3A_167 = tpu.memref_slice %arg14[%scan3A_39, %dma_wait3A_166] : memref<25x80xi32, #tpu.memory_space<vmem>> -> memref<1x80xi32, #tpu.memory_space<vmem>>
          %dma_wait3A_168 = tpu.memref_squeeze %dma_wait3A_167 : memref<1x80xi32, #tpu.memory_space<vmem>> -> memref<80xi32, #tpu.memory_space<vmem>>
          %dma_wait3A_169 = arith.constant 0 : i32
          %dma_wait3A_170 = tpu.memref_slice %arg19[%dma_wait3A_169] : memref<10240xf32, #tpu.memory_space<vmem_shared>> -> memref<10240xf32, #tpu.memory_space<vmem_shared>>
          tpu.wait_indirect_dma semaphore(%run_scoped3A_160 : memref<!tpu.dma_semaphore, #tpu.memory_space<semaphore_mem>>) src(%arg15 : memref<80xf32, #tpu.memory_space<vmem>>) dst(%dma_wait3A_170 : memref<10240xf32, #tpu.memory_space<vmem_shared>>)
          tpu.yield
        }) : () -> ()
      }
      %scan3A_38 = arith.constant 25 : i32
    }
    %scan3A_9 = arith.constant 5 : i32
    %barrier3A_10 = arith.constant 0 : index
    tpu.barrier barrier_id(%barrier3A_10)
    "tpu.region"() ({
      %run_scoped3A_11 = tpu.sem_alloc : memref<!tpu.dma_semaphore, #tpu.memory_space<semaphore_mem>>
      %dma_start3A = arith.constant 0 : i32
      %dma_start3A_12 = tpu.memref_slice %arg8[%arg0, %mul3A_4, %dma_start3A] : memref<2x10240x128xf32, #tpu.memory_space<hbm>> -> memref<1x640x128xf32, #tpu.memory_space<hbm>>
      %dma_start3A_13 = tpu.memref_squeeze %dma_start3A_12 : memref<1x640x128xf32, #tpu.memory_space<hbm>> -> memref<640x128xf32, #tpu.memory_space<hbm>>
      %dma_start3A_14 = arith.constant 0 : i32
      %dma_start3A_15 = tpu.memref_slice %arg18[%mul3A_4, %dma_start3A_14] : memref<10240x128xf32, #tpu.memory_space<vmem_shared>> -> memref<640x128xf32, #tpu.memory_space<vmem_shared>>
      tpu.enqueue_dma source(%dma_start3A_15 : memref<640x128xf32, #tpu.memory_space<vmem_shared>>) target(%dma_start3A_13 : memref<640x128xf32, #tpu.memory_space<hbm>>) target_semaphore(%run_scoped3A_11 : memref<!tpu.dma_semaphore, #tpu.memory_space<semaphore_mem>>)
      %dma_wait3A = arith.constant 0 : i32
      %dma_wait3A_16 = tpu.memref_slice %arg8[%arg0, %mul3A_4, %dma_wait3A] : memref<2x10240x128xf32, #tpu.memory_space<hbm>> -> memref<1x640x128xf32, #tpu.memory_space<hbm>>
      %dma_wait3A_17 = tpu.memref_squeeze %dma_wait3A_16 : memref<1x640x128xf32, #tpu.memory_space<hbm>> -> memref<640x128xf32, #tpu.memory_space<hbm>>
      %dma_wait3A_18 = arith.constant 0 : i32
      %dma_wait3A_19 = tpu.memref_slice %arg18[%mul3A_4, %dma_wait3A_18] : memref<10240x128xf32, #tpu.memory_space<vmem_shared>> -> memref<640x128xf32, #tpu.memory_space<vmem_shared>>
      tpu.wait_dma2 semaphore(%run_scoped3A_11 : memref<!tpu.dma_semaphore, #tpu.memory_space<semaphore_mem>>) src(%dma_wait3A_19 : memref<640x128xf32, #tpu.memory_space<vmem_shared>>) dst(%dma_wait3A_17 : memref<640x128xf32, #tpu.memory_space<hbm>>)
      tpu.yield
    }) : () -> ()
    "tpu.region"() ({
      %run_scoped3A_11 = tpu.sem_alloc : memref<!tpu.dma_semaphore, #tpu.memory_space<semaphore_mem>>
      %dma_start3A = tpu.memref_slice %arg9[%arg0, %mul3A_4] : memref<2x10240xf32, #tpu.memory_space<hbm>> -> memref<1x640xf32, #tpu.memory_space<hbm>>
      %dma_start3A_12 = tpu.memref_squeeze %dma_start3A : memref<1x640xf32, #tpu.memory_space<hbm>> -> memref<640xf32, #tpu.memory_space<hbm>>
      %dma_start3A_13 = tpu.memref_slice %arg19[%mul3A_4] : memref<10240xf32, #tpu.memory_space<vmem_shared>> -> memref<640xf32, #tpu.memory_space<vmem_shared>>
      tpu.enqueue_dma source(%dma_start3A_13 : memref<640xf32, #tpu.memory_space<vmem_shared>>) target(%dma_start3A_12 : memref<640xf32, #tpu.memory_space<hbm>>) target_semaphore(%run_scoped3A_11 : memref<!tpu.dma_semaphore, #tpu.memory_space<semaphore_mem>>)
      %dma_wait3A = tpu.memref_slice %arg9[%arg0, %mul3A_4] : memref<2x10240xf32, #tpu.memory_space<hbm>> -> memref<1x640xf32, #tpu.memory_space<hbm>>
      %dma_wait3A_14 = tpu.memref_squeeze %dma_wait3A : memref<1x640xf32, #tpu.memory_space<hbm>> -> memref<640xf32, #tpu.memory_space<hbm>>
      %dma_wait3A_15 = tpu.memref_slice %arg19[%mul3A_4] : memref<10240xf32, #tpu.memory_space<vmem_shared>> -> memref<640xf32, #tpu.memory_space<vmem_shared>>
      tpu.wait_dma2 semaphore(%run_scoped3A_11 : memref<!tpu.dma_semaphore, #tpu.memory_space<semaphore_mem>>) src(%dma_wait3A_15 : memref<640xf32, #tpu.memory_space<vmem_shared>>) dst(%dma_wait3A_14 : memref<640xf32, #tpu.memory_space<hbm>>)
      tpu.yield
    }) : () -> ()
    return
  }
}

#map = affine_map<(d0, d1) -> (0, 0)>
#map1 = affine_map<(d0, d1) -> (0)>
#map2 = affine_map<(d0, d1) -> (0, 0, 0)>
module attributes {stable_mosaic.version = 14 : i64} {
  func.func @_nk_sc_body(%arg0: i32, %arg1: i32, %arg2: memref<192000x128xf32, #tpu.memory_space<hbm>>, %arg3: memref<192000xi32, #tpu.memory_space<hbm>>, %arg4: memref<10240x128xf32, #tpu.memory_space<hbm>>, %arg5: memref<2x10240x128xf32, #tpu.memory_space<hbm>>, %arg6: memref<6000xi32, #tpu.memory_space<vmem>>, %arg7: memref<75x80xi32, #tpu.memory_space<vmem>>, %arg8: memref<2x80x128xf32, #tpu.memory_space<vmem>>, %arg9: memref<!tpu.dma_semaphore, #tpu.memory_space<semaphore_mem>>, %arg10: memref<10240x128xf32, #tpu.memory_space<vmem_shared>>) attributes {dimension_semantics = [#tpu.dimension_semantics<core_parallel>, #tpu.dimension_semantics<subcore_parallel>], iteration_bounds = array<i64: 2, 16>, scalar_prefetch = 0 : i64, scratch_operands = 5 : i64, tpu.core_type = #tpu.core_type<sc_vector_subcore>, window_params = [{transform_indices = #map}, {transform_indices = #map1}, {transform_indices = #map}, {transform_indices = #map2}]} {
    %mul3A = arith.constant 2 : i32
    %mul3A_0 = arith.muli %arg1, %mul3A : i32
    %add3A = arith.addi %mul3A_0, %arg0 : i32
    %mul3A_1 = arith.constant 6000 : i32
    %mul3A_2 = arith.muli %add3A, %mul3A_1 : i32
    %mul3A_3 = arith.constant 640 : i32
    %mul3A_4 = arith.muli %arg1, %mul3A_3 : i32
    "tpu.region"() ({
      %run_scoped3A = tpu.sem_alloc : memref<!tpu.dma_semaphore, #tpu.memory_space<semaphore_mem>>
      %dma_start3A_29 = arith.constant 0 : i32
      %dma_start3A_30 = tpu.memref_slice %arg10[%mul3A_4, %dma_start3A_29] : memref<10240x128xf32, #tpu.memory_space<vmem_shared>> -> memref<640x128xf32, #tpu.memory_space<vmem_shared>>
      %dma_start3A_31 = arith.constant 0 : i32
      %dma_start3A_32 = tpu.memref_slice %arg4[%mul3A_4, %dma_start3A_31] : memref<10240x128xf32, #tpu.memory_space<hbm>> -> memref<640x128xf32, #tpu.memory_space<hbm>>
      tpu.enqueue_dma source(%dma_start3A_32 : memref<640x128xf32, #tpu.memory_space<hbm>>) target(%dma_start3A_30 : memref<640x128xf32, #tpu.memory_space<vmem_shared>>) target_semaphore(%run_scoped3A : memref<!tpu.dma_semaphore, #tpu.memory_space<semaphore_mem>>)
      %dma_wait3A = arith.constant 0 : i32
      %dma_wait3A_33 = tpu.memref_slice %arg10[%mul3A_4, %dma_wait3A] : memref<10240x128xf32, #tpu.memory_space<vmem_shared>> -> memref<640x128xf32, #tpu.memory_space<vmem_shared>>
      %dma_wait3A_34 = arith.constant 0 : i32
      %dma_wait3A_35 = tpu.memref_slice %arg4[%mul3A_4, %dma_wait3A_34] : memref<10240x128xf32, #tpu.memory_space<hbm>> -> memref<640x128xf32, #tpu.memory_space<hbm>>
      tpu.wait_dma2 semaphore(%run_scoped3A : memref<!tpu.dma_semaphore, #tpu.memory_space<semaphore_mem>>) src(%dma_wait3A_35 : memref<640x128xf32, #tpu.memory_space<hbm>>) dst(%dma_wait3A_33 : memref<640x128xf32, #tpu.memory_space<vmem_shared>>)
      tpu.yield
    }) : () -> ()
    "tpu.region"() ({
      %run_scoped3A = tpu.sem_alloc : memref<!tpu.dma_semaphore, #tpu.memory_space<semaphore_mem>>
      %dma_start3A_29 = tpu.memref_slice %arg3[%mul3A_2] : memref<192000xi32, #tpu.memory_space<hbm>> -> memref<6000xi32, #tpu.memory_space<hbm>>
      %dma_start3A_30 = tpu.memref_slice %arg3[%mul3A_2] : memref<192000xi32, #tpu.memory_space<hbm>> -> memref<6000xi32, #tpu.memory_space<hbm>>
      tpu.enqueue_dma source(%dma_start3A_30 : memref<6000xi32, #tpu.memory_space<hbm>>) target(%arg6 : memref<6000xi32, #tpu.memory_space<vmem>>) target_semaphore(%run_scoped3A : memref<!tpu.dma_semaphore, #tpu.memory_space<semaphore_mem>>)
      %dma_wait3A = tpu.memref_slice %arg3[%mul3A_2] : memref<192000xi32, #tpu.memory_space<hbm>> -> memref<6000xi32, #tpu.memory_space<hbm>>
      %dma_wait3A_31 = tpu.memref_slice %arg3[%mul3A_2] : memref<192000xi32, #tpu.memory_space<hbm>> -> memref<6000xi32, #tpu.memory_space<hbm>>
      tpu.wait_dma2 semaphore(%run_scoped3A : memref<!tpu.dma_semaphore, #tpu.memory_space<semaphore_mem>>) src(%dma_wait3A_31 : memref<6000xi32, #tpu.memory_space<hbm>>) dst(%arg6 : memref<6000xi32, #tpu.memory_space<vmem>>)
      tpu.yield
    }) : () -> ()
    %scan3A = arith.constant 0 : i32
    %scan3A_5 = arith.constant 0 : i32
    %scan3A_6 = arith.constant 75 : i32
    %scan3A_7 = arith.addi %scan3A_5, %scan3A_6 : i32
    %scan3A_8 = arith.constant 1 : i32
    scf.for %scan3A_29 = %scan3A_5 to %scan3A_7 step %scan3A_8  : i32 {
      %mul3A_30 = arith.constant 80 : i32
      %mul3A_31 = arith.muli %scan3A_29, %mul3A_30 : i32
      %add3A_32 = arith.constant 0 : i32
      %add3A_33 = arith.addi %mul3A_31, %add3A_32 : i32
      %get3A = arith.index_cast %add3A_33 : i32 to index
      %get3A_34 = tpu.vector_load %arg6[%get3A] {strides = array<i32>} : memref<6000xi32, #tpu.memory_space<vmem>>, vector<16xi32>,
      %swap3A = arith.index_cast %scan3A_29 : i32 to index
      %swap3A_35 = arith.constant 0 : index
      %swap3A_36 = tpu.vector_load %arg7[%swap3A, %swap3A_35] {strides = array<i32>} : memref<75x80xi32, #tpu.memory_space<vmem>>, vector<16xi32>,
      tpu.vector_store %arg7[%swap3A, %swap3A_35], %get3A_34 {strides = array<i32>} : memref<75x80xi32, #tpu.memory_space<vmem>>, vector<16xi32>,
      %mul3A_37 = arith.constant 80 : i32
      %mul3A_38 = arith.muli %scan3A_29, %mul3A_37 : i32
      %add3A_39 = arith.constant 16 : i32
      %add3A_40 = arith.addi %mul3A_38, %add3A_39 : i32
      %get3A_41 = arith.index_cast %add3A_40 : i32 to index
      %get3A_42 = tpu.vector_load %arg6[%get3A_41] {strides = array<i32>} : memref<6000xi32, #tpu.memory_space<vmem>>, vector<16xi32>,
      %swap3A_43 = arith.index_cast %scan3A_29 : i32 to index
      %swap3A_44 = arith.constant 16 : index
      %swap3A_45 = tpu.vector_load %arg7[%swap3A_43, %swap3A_44] {strides = array<i32>} : memref<75x80xi32, #tpu.memory_space<vmem>>, vector<16xi32>,
      tpu.vector_store %arg7[%swap3A_43, %swap3A_44], %get3A_42 {strides = array<i32>} : memref<75x80xi32, #tpu.memory_space<vmem>>, vector<16xi32>,
      %mul3A_46 = arith.constant 80 : i32
      %mul3A_47 = arith.muli %scan3A_29, %mul3A_46 : i32
      %add3A_48 = arith.constant 32 : i32
      %add3A_49 = arith.addi %mul3A_47, %add3A_48 : i32
      %get3A_50 = arith.index_cast %add3A_49 : i32 to index
      %get3A_51 = tpu.vector_load %arg6[%get3A_50] {strides = array<i32>} : memref<6000xi32, #tpu.memory_space<vmem>>, vector<16xi32>,
      %swap3A_52 = arith.index_cast %scan3A_29 : i32 to index
      %swap3A_53 = arith.constant 32 : index
      %swap3A_54 = tpu.vector_load %arg7[%swap3A_52, %swap3A_53] {strides = array<i32>} : memref<75x80xi32, #tpu.memory_space<vmem>>, vector<16xi32>,
      tpu.vector_store %arg7[%swap3A_52, %swap3A_53], %get3A_51 {strides = array<i32>} : memref<75x80xi32, #tpu.memory_space<vmem>>, vector<16xi32>,
      %mul3A_55 = arith.constant 80 : i32
      %mul3A_56 = arith.muli %scan3A_29, %mul3A_55 : i32
      %add3A_57 = arith.constant 48 : i32
      %add3A_58 = arith.addi %mul3A_56, %add3A_57 : i32
      %get3A_59 = arith.index_cast %add3A_58 : i32 to index
      %get3A_60 = tpu.vector_load %arg6[%get3A_59] {strides = array<i32>} : memref<6000xi32, #tpu.memory_space<vmem>>, vector<16xi32>,
      %swap3A_61 = arith.index_cast %scan3A_29 : i32 to index
      %swap3A_62 = arith.constant 48 : index
      %swap3A_63 = tpu.vector_load %arg7[%swap3A_61, %swap3A_62] {strides = array<i32>} : memref<75x80xi32, #tpu.memory_space<vmem>>, vector<16xi32>,
      tpu.vector_store %arg7[%swap3A_61, %swap3A_62], %get3A_60 {strides = array<i32>} : memref<75x80xi32, #tpu.memory_space<vmem>>, vector<16xi32>,
      %mul3A_64 = arith.constant 80 : i32
      %mul3A_65 = arith.muli %scan3A_29, %mul3A_64 : i32
      %add3A_66 = arith.constant 64 : i32
      %add3A_67 = arith.addi %mul3A_65, %add3A_66 : i32
      %get3A_68 = arith.index_cast %add3A_67 : i32 to index
      %get3A_69 = tpu.vector_load %arg6[%get3A_68] {strides = array<i32>} : memref<6000xi32, #tpu.memory_space<vmem>>, vector<16xi32>,
      %swap3A_70 = arith.index_cast %scan3A_29 : i32 to index
      %swap3A_71 = arith.constant 64 : index
      %swap3A_72 = tpu.vector_load %arg7[%swap3A_70, %swap3A_71] {strides = array<i32>} : memref<75x80xi32, #tpu.memory_space<vmem>>, vector<16xi32>,
      tpu.vector_store %arg7[%swap3A_70, %swap3A_71], %get3A_69 {strides = array<i32>} : memref<75x80xi32, #tpu.memory_space<vmem>>, vector<16xi32>,
    }
    %scan3A_9 = arith.constant 75 : i32
    %barrier3A = arith.constant 0 : index
    tpu.barrier barrier_id(%barrier3A)
    %dma_start3A = arith.constant 0 : i32
    %dma_start3A_10 = arith.constant 0 : i32
    %dma_start3A_11 = arith.constant 0 : i32
    %dma_start3A_12 = tpu.memref_slice %arg8[%dma_start3A, %dma_start3A_10, %dma_start3A_11] : memref<2x80x128xf32, #tpu.memory_space<vmem>> -> memref<1x80x128xf32, #tpu.memory_space<vmem>>
    %dma_start3A_13 = tpu.memref_squeeze %dma_start3A_12 : memref<1x80x128xf32, #tpu.memory_space<vmem>> -> memref<80x128xf32, #tpu.memory_space<vmem>>
    %dma_start3A_14 = arith.constant 0 : i32
    %dma_start3A_15 = tpu.memref_slice %arg2[%mul3A_2, %dma_start3A_14] : memref<192000x128xf32, #tpu.memory_space<hbm>> -> memref<80x128xf32, #tpu.memory_space<hbm>>
    %dma_start3A_16 = arith.constant 0 : i32
    %dma_start3A_17 = arith.constant 0 : i32
    %dma_start3A_18 = tpu.memref_slice %arg8[%dma_start3A, %dma_start3A_16, %dma_start3A_17] : memref<2x80x128xf32, #tpu.memory_space<vmem>> -> memref<1x80x128xf32, #tpu.memory_space<vmem>>
    %dma_start3A_19 = tpu.memref_squeeze %dma_start3A_18 : memref<1x80x128xf32, #tpu.memory_space<vmem>> -> memref<80x128xf32, #tpu.memory_space<vmem>>
    %dma_start3A_20 = arith.constant 0 : i32
    %dma_start3A_21 = tpu.memref_slice %arg2[%mul3A_2, %dma_start3A_20] : memref<192000x128xf32, #tpu.memory_space<hbm>> -> memref<80x128xf32, #tpu.memory_space<hbm>>
    tpu.enqueue_dma source(%dma_start3A_21 : memref<80x128xf32, #tpu.memory_space<hbm>>) target(%dma_start3A_19 : memref<80x128xf32, #tpu.memory_space<vmem>>) target_semaphore(%arg9 : memref<!tpu.dma_semaphore, #tpu.memory_space<semaphore_mem>>)
    %scan3A_22 = arith.constant 0 : i32
    %scan3A_23 = arith.constant 0 : i32
    %scan3A_24 = arith.constant 75 : i32
    %scan3A_25 = arith.addi %scan3A_23, %scan3A_24 : i32
    %scan3A_26 = arith.constant 1 : i32
    scf.for %scan3A_29 = %scan3A_23 to %scan3A_25 step %scan3A_26  : i32 {
      %rem3A = arith.constant 2 : i32
      %rem3A_30 = arith.remsi %scan3A_29, %rem3A : i32
      %mul3A_31 = arith.constant 80 : i32
      %mul3A_32 = arith.muli %scan3A_29, %mul3A_31 : i32
      %add3A_33 = arith.addi %mul3A_2, %mul3A_32 : i32
      %dma_wait3A = arith.constant 0 : i32
      %dma_wait3A_34 = arith.constant 0 : i32
      %dma_wait3A_35 = tpu.memref_slice %arg8[%rem3A_30, %dma_wait3A, %dma_wait3A_34] : memref<2x80x128xf32, #tpu.memory_space<vmem>> -> memref<1x80x128xf32, #tpu.memory_space<vmem>>
      %dma_wait3A_36 = tpu.memref_squeeze %dma_wait3A_35 : memref<1x80x128xf32, #tpu.memory_space<vmem>> -> memref<80x128xf32, #tpu.memory_space<vmem>>
      %dma_wait3A_37 = arith.constant 0 : i32
      %dma_wait3A_38 = tpu.memref_slice %arg2[%add3A_33, %dma_wait3A_37] : memref<192000x128xf32, #tpu.memory_space<hbm>> -> memref<80x128xf32, #tpu.memory_space<hbm>>
      %dma_wait3A_39 = arith.constant 0 : i32
      %dma_wait3A_40 = arith.constant 0 : i32
      %dma_wait3A_41 = tpu.memref_slice %arg8[%rem3A_30, %dma_wait3A_39, %dma_wait3A_40] : memref<2x80x128xf32, #tpu.memory_space<vmem>> -> memref<1x80x128xf32, #tpu.memory_space<vmem>>
      %dma_wait3A_42 = tpu.memref_squeeze %dma_wait3A_41 : memref<1x80x128xf32, #tpu.memory_space<vmem>> -> memref<80x128xf32, #tpu.memory_space<vmem>>
      %dma_wait3A_43 = arith.constant 0 : i32
      %dma_wait3A_44 = tpu.memref_slice %arg2[%add3A_33, %dma_wait3A_43] : memref<192000x128xf32, #tpu.memory_space<hbm>> -> memref<80x128xf32, #tpu.memory_space<hbm>>
      tpu.wait_dma2 semaphore(%arg9 : memref<!tpu.dma_semaphore, #tpu.memory_space<semaphore_mem>>) src(%dma_wait3A_44 : memref<80x128xf32, #tpu.memory_space<hbm>>) dst(%dma_wait3A_42 : memref<80x128xf32, #tpu.memory_space<vmem>>)
      %add3A_45 = arith.constant 1 : i32
      %add3A_46 = arith.addi %scan3A_29, %add3A_45 : i32
      %lt3A = arith.constant 75 : i32
      %lt3A_47 = arith.cmpi slt, %add3A_46, %lt3A : i32
      %convert_element_type3A = arith.extui %lt3A_47 : i1 to i32
      %cond3A = arith.constant 0 : i32
      %cond3A_48 = arith.cmpi ne, %convert_element_type3A, %cond3A : i32
      scf.if %cond3A_48 {
        %add3A_49 = arith.constant 1 : i32
        %add3A_50 = arith.addi %scan3A_29, %add3A_49 : i32
        %mul3A_51 = arith.constant 80 : i32
        %mul3A_52 = arith.muli %add3A_50, %mul3A_51 : i32
        %add3A_53 = arith.addi %mul3A_2, %mul3A_52 : i32
        %sub3A = arith.constant 1 : i32
        %sub3A_54 = arith.subi %sub3A, %rem3A_30 : i32
        %dma_start3A_55 = arith.constant 0 : i32
        %dma_start3A_56 = arith.constant 0 : i32
        %dma_start3A_57 = tpu.memref_slice %arg8[%sub3A_54, %dma_start3A_55, %dma_start3A_56] : memref<2x80x128xf32, #tpu.memory_space<vmem>> -> memref<1x80x128xf32, #tpu.memory_space<vmem>>
        %dma_start3A_58 = tpu.memref_squeeze %dma_start3A_57 : memref<1x80x128xf32, #tpu.memory_space<vmem>> -> memref<80x128xf32, #tpu.memory_space<vmem>>
        %dma_start3A_59 = arith.constant 0 : i32
        %dma_start3A_60 = tpu.memref_slice %arg2[%add3A_53, %dma_start3A_59] : memref<192000x128xf32, #tpu.memory_space<hbm>> -> memref<80x128xf32, #tpu.memory_space<hbm>>
        %dma_start3A_61 = arith.constant 0 : i32
        %dma_start3A_62 = arith.constant 0 : i32
        %dma_start3A_63 = tpu.memref_slice %arg8[%sub3A_54, %dma_start3A_61, %dma_start3A_62] : memref<2x80x128xf32, #tpu.memory_space<vmem>> -> memref<1x80x128xf32, #tpu.memory_space<vmem>>
        %dma_start3A_64 = tpu.memref_squeeze %dma_start3A_63 : memref<1x80x128xf32, #tpu.memory_space<vmem>> -> memref<80x128xf32, #tpu.memory_space<vmem>>
        %dma_start3A_65 = arith.constant 0 : i32
        %dma_start3A_66 = tpu.memref_slice %arg2[%add3A_53, %dma_start3A_65] : memref<192000x128xf32, #tpu.memory_space<hbm>> -> memref<80x128xf32, #tpu.memory_space<hbm>>
        tpu.enqueue_dma source(%dma_start3A_66 : memref<80x128xf32, #tpu.memory_space<hbm>>) target(%dma_start3A_64 : memref<80x128xf32, #tpu.memory_space<vmem>>) target_semaphore(%arg9 : memref<!tpu.dma_semaphore, #tpu.memory_space<semaphore_mem>>)
      } else {
      }
      "tpu.region"() ({
        %run_scoped3A = tpu.sem_alloc : memref<!tpu.dma_semaphore, #tpu.memory_space<semaphore_mem>>
        %dma_start3A_49 = arith.constant 0 : i32
        %dma_start3A_50 = arith.constant 0 : i32
        %dma_start3A_51 = tpu.memref_slice %arg8[%rem3A_30, %dma_start3A_49, %dma_start3A_50] : memref<2x80x128xf32, #tpu.memory_space<vmem>> -> memref<1x80x128xf32, #tpu.memory_space<vmem>>
        %dma_start3A_52 = tpu.memref_squeeze %dma_start3A_51 : memref<1x80x128xf32, #tpu.memory_space<vmem>> -> memref<80x128xf32, #tpu.memory_space<vmem>>
        %dma_start3A_53 = arith.constant 0 : i32
        %dma_start3A_54 = tpu.memref_slice %arg7[%scan3A_29, %dma_start3A_53] : memref<75x80xi32, #tpu.memory_space<vmem>> -> memref<1x80xi32, #tpu.memory_space<vmem>>
        %dma_start3A_55 = tpu.memref_squeeze %dma_start3A_54 : memref<1x80xi32, #tpu.memory_space<vmem>> -> memref<80xi32, #tpu.memory_space<vmem>>
        %dma_start3A_56 = arith.constant 0 : i32
        %dma_start3A_57 = arith.constant 0 : i32
        %dma_start3A_58 = tpu.memref_slice %arg10[%dma_start3A_56, %dma_start3A_57] : memref<10240x128xf32, #tpu.memory_space<vmem_shared>> -> memref<10240x128xf32, #tpu.memory_space<vmem_shared>>
        tpu.enqueue_indirect_dma source(%dma_start3A_52 : memref<80x128xf32, #tpu.memory_space<vmem>>) target(%dma_start3A_58 : memref<10240x128xf32, #tpu.memory_space<vmem_shared>>) offsets(%dma_start3A_55 : memref<80xi32, #tpu.memory_space<vmem>>) semaphore(%run_scoped3A : memref<!tpu.dma_semaphore, #tpu.memory_space<semaphore_mem>>) {add = true}
        %dma_wait3A_59 = arith.constant 0 : i32
        %dma_wait3A_60 = arith.constant 0 : i32
        %dma_wait3A_61 = tpu.memref_slice %arg8[%rem3A_30, %dma_wait3A_59, %dma_wait3A_60] : memref<2x80x128xf32, #tpu.memory_space<vmem>> -> memref<1x80x128xf32, #tpu.memory_space<vmem>>
        %dma_wait3A_62 = tpu.memref_squeeze %dma_wait3A_61 : memref<1x80x128xf32, #tpu.memory_space<vmem>> -> memref<80x128xf32, #tpu.memory_space<vmem>>
        %dma_wait3A_63 = arith.constant 0 : i32
        %dma_wait3A_64 = tpu.memref_slice %arg7[%scan3A_29, %dma_wait3A_63] : memref<75x80xi32, #tpu.memory_space<vmem>> -> memref<1x80xi32, #tpu.memory_space<vmem>>
        %dma_wait3A_65 = tpu.memref_squeeze %dma_wait3A_64 : memref<1x80xi32, #tpu.memory_space<vmem>> -> memref<80xi32, #tpu.memory_space<vmem>>
        %dma_wait3A_66 = arith.constant 0 : i32
        %dma_wait3A_67 = arith.constant 0 : i32
        %dma_wait3A_68 = tpu.memref_slice %arg10[%dma_wait3A_66, %dma_wait3A_67] : memref<10240x128xf32, #tpu.memory_space<vmem_shared>> -> memref<10240x128xf32, #tpu.memory_space<vmem_shared>>
        tpu.wait_indirect_dma semaphore(%run_scoped3A : memref<!tpu.dma_semaphore, #tpu.memory_space<semaphore_mem>>) src(%dma_wait3A_62 : memref<80x128xf32, #tpu.memory_space<vmem>>) dst(%dma_wait3A_68 : memref<10240x128xf32, #tpu.memory_space<vmem_shared>>)
        tpu.yield
      }) : () -> ()
    }
    %scan3A_27 = arith.constant 75 : i32
    %barrier3A_28 = arith.constant 0 : index
    tpu.barrier barrier_id(%barrier3A_28)
    "tpu.region"() ({
      %run_scoped3A = tpu.sem_alloc : memref<!tpu.dma_semaphore, #tpu.memory_space<semaphore_mem>>
      %dma_start3A_29 = arith.constant 0 : i32
      %dma_start3A_30 = tpu.memref_slice %arg5[%arg0, %mul3A_4, %dma_start3A_29] : memref<2x10240x128xf32, #tpu.memory_space<hbm>> -> memref<1x640x128xf32, #tpu.memory_space<hbm>>
      %dma_start3A_31 = tpu.memref_squeeze %dma_start3A_30 : memref<1x640x128xf32, #tpu.memory_space<hbm>> -> memref<640x128xf32, #tpu.memory_space<hbm>>
      %dma_start3A_32 = arith.constant 0 : i32
      %dma_start3A_33 = tpu.memref_slice %arg10[%mul3A_4, %dma_start3A_32] : memref<10240x128xf32, #tpu.memory_space<vmem_shared>> -> memref<640x128xf32, #tpu.memory_space<vmem_shared>>
      tpu.enqueue_dma source(%dma_start3A_33 : memref<640x128xf32, #tpu.memory_space<vmem_shared>>) target(%dma_start3A_31 : memref<640x128xf32, #tpu.memory_space<hbm>>) target_semaphore(%run_scoped3A : memref<!tpu.dma_semaphore, #tpu.memory_space<semaphore_mem>>)
      %dma_wait3A = arith.constant 0 : i32
      %dma_wait3A_34 = tpu.memref_slice %arg5[%arg0, %mul3A_4, %dma_wait3A] : memref<2x10240x128xf32, #tpu.memory_space<hbm>> -> memref<1x640x128xf32, #tpu.memory_space<hbm>>
      %dma_wait3A_35 = tpu.memref_squeeze %dma_wait3A_34 : memref<1x640x128xf32, #tpu.memory_space<hbm>> -> memref<640x128xf32, #tpu.memory_space<hbm>>
      %dma_wait3A_36 = arith.constant 0 : i32
      %dma_wait3A_37 = tpu.memref_slice %arg10[%mul3A_4, %dma_wait3A_36] : memref<10240x128xf32, #tpu.memory_space<vmem_shared>> -> memref<640x128xf32, #tpu.memory_space<vmem_shared>>
      tpu.wait_dma2 semaphore(%run_scoped3A : memref<!tpu.dma_semaphore, #tpu.memory_space<semaphore_mem>>) src(%dma_wait3A_37 : memref<640x128xf32, #tpu.memory_space<vmem_shared>>) dst(%dma_wait3A_35 : memref<640x128xf32, #tpu.memory_space<hbm>>)
      tpu.yield
    }) : () -> ()
    return
  }
}

module attributes {stable_mosaic.version = 14 : i64} {
  func.func @_pre_body(%arg0: i32, %arg1: memref<1000x128xf32, #tpu.memory_space<vmem>>, %arg2: memref<128x32xf32, #tpu.memory_space<vmem>>, %arg3: memref<1x32xf32, #tpu.memory_space<vmem>>, %arg4: memref<1x32xf32, #tpu.memory_space<vmem>>, %arg5: memref<1x32xf32, #tpu.memory_space<vmem>>, %arg6: memref<128x128xf32, #tpu.memory_space<vmem>>, %arg7: memref<1x128xf32, #tpu.memory_space<vmem>>, %arg8: memref<1x128xf32, #tpu.memory_space<vmem>>, %arg9: memref<1x128xf32, #tpu.memory_space<vmem>>, %arg10: memref<1x1xf32, #tpu.memory_space<vmem>>, %arg11: memref<1000x32xbf16, #tpu.memory_space<vmem>>, %arg12: memref<1000x128xf32, #tpu.memory_space<vmem>>, %arg13: memref<1000x1xf32, #tpu.memory_space<vmem>>, %arg14: memref<1000x1xf32, #tpu.memory_space<vmem>>) attributes {dimension_semantics = [#tpu.dimension_semantics<arbitrary>], iteration_bounds = array<i64: 10>, scalar_prefetch = 0 : i64, scratch_operands = 0 : i64, tpu.core_type = #tpu.core_type<tc>, window_params = [{transform_indices = @transform_0, window_bounds = array<i64: 1000, 128>}, {pipeline_mode = #tpu.pipeline_mode<synchronous>, transform_indices = @transform_1, window_bounds = array<i64: 128, 32>}, {pipeline_mode = #tpu.pipeline_mode<synchronous>, transform_indices = @transform_2, window_bounds = array<i64: 1, 32>}, {pipeline_mode = #tpu.pipeline_mode<synchronous>, transform_indices = @transform_3, window_bounds = array<i64: 1, 32>}, {pipeline_mode = #tpu.pipeline_mode<synchronous>, transform_indices = @transform_4, window_bounds = array<i64: 1, 32>}, {pipeline_mode = #tpu.pipeline_mode<synchronous>, transform_indices = @transform_5, window_bounds = array<i64: 128, 128>}, {pipeline_mode = #tpu.pipeline_mode<synchronous>, transform_indices = @transform_6, window_bounds = array<i64: 1, 128>}, {pipeline_mode = #tpu.pipeline_mode<synchronous>, transform_indices = @transform_7, window_bounds = array<i64: 1, 128>}, {pipeline_mode = #tpu.pipeline_mode<synchronous>, transform_indices = @transform_8, window_bounds = array<i64: 1, 128>}, {pipeline_mode = #tpu.pipeline_mode<synchronous>, transform_indices = @transform_9, window_bounds = array<i64: 1, 1>}, {transform_indices = @transform_10, window_bounds = array<i64: 1000, 32>}, {transform_indices = @transform_11, window_bounds = array<i64: 1000, 128>}, {transform_indices = @transform_12, window_bounds = array<i64: 1000, 1>}, {transform_indices = @transform_13, window_bounds = array<i64: 1000, 1>}]} {
    %get3A = arith.constant 0 : index
    %get3A_0 = arith.constant 0 : index
    %get3A_1 = vector.load %arg1[%get3A, %get3A_0] : memref<1000x128xf32, #tpu.memory_space<vmem>>, vector<1000x128xf32>
    %get3A_2 = arith.constant 0 : index
    %get3A_3 = arith.constant 0 : index
    %get3A_4 = vector.load %arg2[%get3A_2, %get3A_3] : memref<128x32xf32, #tpu.memory_space<vmem>>, vector<128x32xf32>
    %dot_general3A = arith.constant dense<0.000000e+00> : vector<1000x32xf32>
    %dot_general3A_5 = tpu.matmul %get3A_1, %get3A_4, %dot_general3A {dimension_numbers = #tpu.dot_dimension_numbers<[1], [0], [0], [1], [0, 0, 1, 1], [], []>, transpose_lhs_hint = false} : vector<1000x128xf32>, vector<128x32xf32>, vector<1000x32xf32> -> vector<1000x32xf32>
    %get3A_6 = arith.constant 0 : index
    %get3A_7 = arith.constant 0 : index
    %get3A_8 = vector.load %arg3[%get3A_6, %get3A_7] : memref<1x32xf32, #tpu.memory_space<vmem>>, vector<1x32xf32>
    %add3A = vector.broadcast %get3A_8 : vector<1x32xf32> to vector<1000x32xf32>
    %add3A_9 = arith.addf %dot_general3A_5, %add3A : vector<1000x32xf32>
    %iota3A = tpu.iota {dimensions = array<i32: 1>} : vector<1000x32xi32>
    %lt3A = arith.constant 20 : i32
    %lt3A_10 = vector.broadcast %lt3A : i32 to vector<1000x32xi32>
    %lt3A_11 = arith.cmpi slt, %iota3A, %lt3A_10 : vector<1000x32xi32>
    %reduce_sum3A = arith.constant dense<0.000000e+00> : vector<1000xf32>
    %reduce_sum3A_12 = vector.multi_reduction <add>, %add3A_9, %reduce_sum3A [1] : vector<1000x32xf32> to vector<1000xf32>
    %broadcast_in_dim3A = vector.shape_cast %reduce_sum3A_12 : vector<1000xf32> to vector<1000x1xf32>
    %div3A = arith.constant 2.000000e+01 : f32
    %div3A_13 = vector.broadcast %div3A : f32 to vector<1000x1xf32>
    %div3A_14 = arith.divf %broadcast_in_dim3A, %div3A_13 : vector<1000x1xf32>
    %sub3A = vector.broadcast %div3A_14 : vector<1000x1xf32> to vector<1000x32xf32>
    %sub3A_15 = arith.subf %add3A_9, %sub3A : vector<1000x32xf32>
    %jit3A = arith.constant 0.000000e+00 : f32
    %broadcast_in_dim3A_16 = vector.broadcast %jit3A : f32 to vector<1000x32xf32>
    %select_n3A = arith.select %lt3A_11, %sub3A_15, %broadcast_in_dim3A_16 : vector<1000x32xi1>, vector<1000x32xf32>
    %mul3A = arith.mulf %select_n3A, %select_n3A : vector<1000x32xf32>
    %reduce_sum3A_17 = arith.constant dense<0.000000e+00> : vector<1000xf32>
    %reduce_sum3A_18 = vector.multi_reduction <add>, %mul3A, %reduce_sum3A_17 [1] : vector<1000x32xf32> to vector<1000xf32>
    %broadcast_in_dim3A_19 = vector.shape_cast %reduce_sum3A_18 : vector<1000xf32> to vector<1000x1xf32>
    %div3A_20 = arith.constant 2.000000e+01 : f32
    %div3A_21 = vector.broadcast %div3A_20 : f32 to vector<1000x1xf32>
    %div3A_22 = arith.divf %broadcast_in_dim3A_19, %div3A_21 : vector<1000x1xf32>
    %add3A_23 = arith.constant 9.99999974E-6 : f32
    %add3A_24 = vector.broadcast %add3A_23 : f32 to vector<1000x1xf32>
    %add3A_25 = arith.addf %div3A_22, %add3A_24 : vector<1000x1xf32>
    %rsqrt3A = math.rsqrt %add3A_25 : vector<1000x1xf32>
    %mul3A_26 = vector.broadcast %rsqrt3A : vector<1000x1xf32> to vector<1000x32xf32>
    %mul3A_27 = arith.mulf %select_n3A, %mul3A_26 : vector<1000x32xf32>
    %get3A_28 = arith.constant 0 : index
    %get3A_29 = arith.constant 0 : index
    %get3A_30 = vector.load %arg4[%get3A_28, %get3A_29] : memref<1x32xf32, #tpu.memory_space<vmem>>, vector<1x32xf32>
    %mul3A_31 = vector.broadcast %get3A_30 : vector<1x32xf32> to vector<1000x32xf32>
    %mul3A_32 = arith.mulf %mul3A_27, %mul3A_31 : vector<1000x32xf32>
    %get3A_33 = arith.constant 0 : index
    %get3A_34 = arith.constant 0 : index
    %get3A_35 = vector.load %arg5[%get3A_33, %get3A_34] : memref<1x32xf32, #tpu.memory_space<vmem>>, vector<1x32xf32>
    %add3A_36 = vector.broadcast %get3A_35 : vector<1x32xf32> to vector<1000x32xf32>
    %add3A_37 = arith.addf %mul3A_32, %add3A_36 : vector<1000x32xf32>
    %max3A = arith.constant 0.000000e+00 : f32
    %max3A_38 = vector.broadcast %max3A : f32 to vector<1000x32xf32>
    %max3A_39 = arith.maximumf %add3A_37, %max3A_38 : vector<1000x32xf32>
    %convert_element_type3A = arith.truncf %max3A_39 : vector<1000x32xf32> to vector<1000x32xbf16>
    %swap3A = arith.constant 0 : index
    %swap3A_40 = arith.constant 0 : index
    %swap3A_41 = vector.load %arg11[%swap3A, %swap3A_40] : memref<1000x32xbf16, #tpu.memory_space<vmem>>, vector<1000x32xbf16>
    tpu.vector_store %arg11[%swap3A, %swap3A_40], %convert_element_type3A {strides = array<i32>} : memref<1000x32xbf16, #tpu.memory_space<vmem>>, vector<1000x32xbf16>,
    %get3A_42 = arith.constant 0 : index
    %get3A_43 = arith.constant 0 : index
    %get3A_44 = vector.load %arg6[%get3A_42, %get3A_43] : memref<128x128xf32, #tpu.memory_space<vmem>>, vector<128x128xf32>
    %dot_general3A_45 = arith.constant dense<0.000000e+00> : vector<1000x128xf32>
    %dot_general3A_46 = tpu.matmul %get3A_1, %get3A_44, %dot_general3A_45 {dimension_numbers = #tpu.dot_dimension_numbers<[1], [0], [0], [1], [0, 0, 1, 1], [], []>, transpose_lhs_hint = false} : vector<1000x128xf32>, vector<128x128xf32>, vector<1000x128xf32> -> vector<1000x128xf32>
    %get3A_47 = arith.constant 0 : index
    %get3A_48 = arith.constant 0 : index
    %get3A_49 = vector.load %arg7[%get3A_47, %get3A_48] : memref<1x128xf32, #tpu.memory_space<vmem>>, vector<1x128xf32>
    %add3A_50 = vector.broadcast %get3A_49 : vector<1x128xf32> to vector<1000x128xf32>
    %add3A_51 = arith.addf %dot_general3A_46, %add3A_50 : vector<1000x128xf32>
    %swap3A_52 = arith.constant 0 : index
    %swap3A_53 = arith.constant 0 : index
    %swap3A_54 = vector.load %arg12[%swap3A_52, %swap3A_53] : memref<1000x128xf32, #tpu.memory_space<vmem>>, vector<1000x128xf32>
    tpu.vector_store %arg12[%swap3A_52, %swap3A_53], %add3A_51 {strides = array<i32>} : memref<1000x128xf32, #tpu.memory_space<vmem>>, vector<1000x128xf32>,
    %get3A_55 = arith.constant 0 : index
    %get3A_56 = arith.constant 0 : index
    %get3A_57 = vector.load %arg8[%get3A_55, %get3A_56] : memref<1x128xf32, #tpu.memory_space<vmem>>, vector<1x128xf32>
    %mul3A_58 = vector.broadcast %get3A_57 : vector<1x128xf32> to vector<1000x128xf32>
    %mul3A_59 = arith.mulf %get3A_1, %mul3A_58 : vector<1000x128xf32>
    %reduce_sum3A_60 = arith.constant dense<0.000000e+00> : vector<1000xf32>
    %reduce_sum3A_61 = vector.multi_reduction <add>, %mul3A_59, %reduce_sum3A_60 [1] : vector<1000x128xf32> to vector<1000xf32>
    %broadcast_in_dim3A_62 = vector.shape_cast %reduce_sum3A_61 : vector<1000xf32> to vector<1000x1xf32>
    %get3A_63 = arith.constant 0 : index
    %get3A_64 = arith.constant 0 : index
    %get3A_65 = vector.load %arg10[%get3A_63, %get3A_64] : memref<1x1xf32, #tpu.memory_space<vmem>>, vector<1x1xf32>
    %add3A_66 = vector.broadcast %get3A_65 : vector<1x1xf32> to vector<1000x1xf32>
    %add3A_67 = arith.addf %broadcast_in_dim3A_62, %add3A_66 : vector<1000x1xf32>
    %swap3A_68 = arith.constant 0 : index
    %swap3A_69 = arith.constant 0 : index
    %swap3A_70 = vector.load %arg13[%swap3A_68, %swap3A_69] : memref<1000x1xf32, #tpu.memory_space<vmem>>, vector<1000x1xf32>
    tpu.vector_store %arg13[%swap3A_68, %swap3A_69], %add3A_67 {strides = array<i32>} : memref<1000x1xf32, #tpu.memory_space<vmem>>, vector<1000x1xf32>,
    %get3A_71 = arith.constant 0 : index
    %get3A_72 = arith.constant 0 : index
    %get3A_73 = vector.load %arg9[%get3A_71, %get3A_72] : memref<1x128xf32, #tpu.memory_space<vmem>>, vector<1x128xf32>
    %mul3A_74 = vector.broadcast %get3A_73 : vector<1x128xf32> to vector<1000x128xf32>
    %mul3A_75 = arith.mulf %get3A_1, %mul3A_74 : vector<1000x128xf32>
    %reduce_sum3A_76 = arith.constant dense<0.000000e+00> : vector<1000xf32>
    %reduce_sum3A_77 = vector.multi_reduction <add>, %mul3A_75, %reduce_sum3A_76 [1] : vector<1000x128xf32> to vector<1000xf32>
    %broadcast_in_dim3A_78 = vector.shape_cast %reduce_sum3A_77 : vector<1000xf32> to vector<1000x1xf32>
    %swap3A_79 = arith.constant 0 : index
    %swap3A_80 = arith.constant 0 : index
    %swap3A_81 = vector.load %arg14[%swap3A_79, %swap3A_80] : memref<1000x1xf32, #tpu.memory_space<vmem>>, vector<1000x1xf32>
    tpu.vector_store %arg14[%swap3A_79, %swap3A_80], %broadcast_in_dim3A_78 {strides = array<i32>} : memref<1000x1xf32, #tpu.memory_space<vmem>>, vector<1000x1xf32>,
    return
  }
  func.func @transform_0(%arg0: i32) -> (i32, i32) {
    %c0_i32 = arith.constant 0 : i32
    %c0_i32_0 = arith.constant 0 : i32
    return %arg0, %c0_i32 : i32, i32
  }
  func.func @transform_1(%arg0: i32) -> (i32, i32) {
    %c0_i32 = arith.constant 0 : i32
    %c0_i32_0 = arith.constant 0 : i32
    %c0_i32_1 = arith.constant 0 : i32
    return %c0_i32, %c0_i32_0 : i32, i32
  }
  func.func @transform_2(%arg0: i32) -> (i32, i32) {
    %c0_i32 = arith.constant 0 : i32
    %c0_i32_0 = arith.constant 0 : i32
    %c0_i32_1 = arith.constant 0 : i32
    return %c0_i32, %c0_i32_0 : i32, i32
  }
  func.func @transform_3(%arg0: i32) -> (i32, i32) {
    %c0_i32 = arith.constant 0 : i32
    %c0_i32_0 = arith.constant 0 : i32
    %c0_i32_1 = arith.constant 0 : i32
    return %c0_i32, %c0_i32_0 : i32, i32
  }
  func.func @transform_4(%arg0: i32) -> (i32, i32) {
    %c0_i32 = arith.constant 0 : i32
    %c0_i32_0 = arith.constant 0 : i32
    %c0_i32_1 = arith.constant 0 : i32
    return %c0_i32, %c0_i32_0 : i32, i32
  }
  func.func @transform_5(%arg0: i32) -> (i32, i32) {
    %c0_i32 = arith.constant 0 : i32
    %c0_i32_0 = arith.constant 0 : i32
    %c0_i32_1 = arith.constant 0 : i32
    return %c0_i32, %c0_i32_0 : i32, i32
  }
  func.func @transform_6(%arg0: i32) -> (i32, i32) {
    %c0_i32 = arith.constant 0 : i32
    %c0_i32_0 = arith.constant 0 : i32
    %c0_i32_1 = arith.constant 0 : i32
    return %c0_i32, %c0_i32_0 : i32, i32
  }
  func.func @transform_7(%arg0: i32) -> (i32, i32) {
    %c0_i32 = arith.constant 0 : i32
    %c0_i32_0 = arith.constant 0 : i32
    %c0_i32_1 = arith.constant 0 : i32
    return %c0_i32, %c0_i32_0 : i32, i32
  }
  func.func @transform_8(%arg0: i32) -> (i32, i32) {
    %c0_i32 = arith.constant 0 : i32
    %c0_i32_0 = arith.constant 0 : i32
    %c0_i32_1 = arith.constant 0 : i32
    return %c0_i32, %c0_i32_0 : i32, i32
  }
  func.func @transform_9(%arg0: i32) -> (i32, i32) {
    %c0_i32 = arith.constant 0 : i32
    %c0_i32_0 = arith.constant 0 : i32
    %c0_i32_1 = arith.constant 0 : i32
    return %c0_i32, %c0_i32_0 : i32, i32
  }
  func.func @transform_10(%arg0: i32) -> (i32, i32) {
    %c0_i32 = arith.constant 0 : i32
    %c0_i32_0 = arith.constant 0 : i32
    return %arg0, %c0_i32 : i32, i32
  }
  func.func @transform_11(%arg0: i32) -> (i32, i32) {
    %c0_i32 = arith.constant 0 : i32
    %c0_i32_0 = arith.constant 0 : i32
    return %arg0, %c0_i32 : i32, i32
  }
  func.func @transform_12(%arg0: i32) -> (i32, i32) {
    %c0_i32 = arith.constant 0 : i32
    %c0_i32_0 = arith.constant 0 : i32
    return %arg0, %c0_i32 : i32, i32
  }
  func.func @transform_13(%arg0: i32) -> (i32, i32) {
    %c0_i32 = arith.constant 0 : i32
    %c0_i32_0 = arith.constant 0 : i32
    return %arg0, %c0_i32 : i32, i32
  }
}

module attributes {stable_mosaic.version = 14 : i64} {
  func.func @_kron_body(%arg0: i32, %arg1: memref<2560x64xbf16, #tpu.memory_space<vmem>>, %arg2: memref<64x640xbf16, #tpu.memory_space<vmem>>, %arg3: memref<64x640xbf16, #tpu.memory_space<vmem>>, %arg4: memref<640x128xbf16, #tpu.memory_space<vmem>>, %arg5: memref<1x128xf32, #tpu.memory_space<vmem>>, %arg6: memref<1x128xf32, #tpu.memory_space<vmem>>, %arg7: memref<1x128xf32, #tpu.memory_space<vmem>>, %arg8: memref<2560x128xf32, #tpu.memory_space<vmem>>) attributes {dimension_semantics = [#tpu.dimension_semantics<arbitrary>], iteration_bounds = array<i64: 50>, scalar_prefetch = 0 : i64, scratch_operands = 0 : i64, tpu.core_type = #tpu.core_type<tc>, window_params = [{transform_indices = @transform_0, window_bounds = array<i64: 2560, 64>}, {pipeline_mode = #tpu.pipeline_mode<synchronous>, transform_indices = @transform_1, window_bounds = array<i64: 64, 640>}, {pipeline_mode = #tpu.pipeline_mode<synchronous>, transform_indices = @transform_2, window_bounds = array<i64: 64, 640>}, {pipeline_mode = #tpu.pipeline_mode<synchronous>, transform_indices = @transform_3, window_bounds = array<i64: 640, 128>}, {pipeline_mode = #tpu.pipeline_mode<synchronous>, transform_indices = @transform_4, window_bounds = array<i64: 1, 128>}, {pipeline_mode = #tpu.pipeline_mode<synchronous>, transform_indices = @transform_5, window_bounds = array<i64: 1, 128>}, {pipeline_mode = #tpu.pipeline_mode<synchronous>, transform_indices = @transform_6, window_bounds = array<i64: 1, 128>}, {transform_indices = @transform_7, window_bounds = array<i64: 2560, 128>}]} {
    %get3A = arith.constant 0 : index
    %get3A_0 = arith.constant 0 : index
    %get3A_1 = vector.load %arg1[%get3A, %get3A_0] : memref<2560x64xbf16, #tpu.memory_space<vmem>>, vector<2560x64xbf16>
    %get3A_2 = arith.constant 0 : index
    %get3A_3 = arith.constant 0 : index
    %get3A_4 = vector.load %arg2[%get3A_2, %get3A_3] : memref<64x640xbf16, #tpu.memory_space<vmem>>, vector<64x640xbf16>
    %dot_general3A = arith.constant dense<0.000000e+00> : vector<2560x640xf32>
    %dot_general3A_5 = tpu.matmul %get3A_1, %get3A_4, %dot_general3A {dimension_numbers = #tpu.dot_dimension_numbers<[1], [0], [0], [1], [0, 0, 1, 1], [], []>, transpose_lhs_hint = false} : vector<2560x64xbf16>, vector<64x640xbf16>, vector<2560x640xf32> -> vector<2560x640xf32>
    %get3A_6 = arith.constant 0 : index
    %get3A_7 = arith.constant 0 : index
    %get3A_8 = vector.load %arg3[%get3A_6, %get3A_7] : memref<64x640xbf16, #tpu.memory_space<vmem>>, vector<64x640xbf16>
    %dot_general3A_9 = arith.constant dense<0.000000e+00> : vector<2560x640xf32>
    %dot_general3A_10 = tpu.matmul %get3A_1, %get3A_8, %dot_general3A_9 {dimension_numbers = #tpu.dot_dimension_numbers<[1], [0], [0], [1], [0, 0, 1, 1], [], []>, transpose_lhs_hint = false} : vector<2560x64xbf16>, vector<64x640xbf16>, vector<2560x640xf32> -> vector<2560x640xf32>
    %mul3A = arith.mulf %dot_general3A_5, %dot_general3A_10 : vector<2560x640xf32>
    %convert_element_type3A = arith.truncf %mul3A : vector<2560x640xf32> to vector<2560x640xbf16>
    %get3A_11 = arith.constant 0 : index
    %get3A_12 = arith.constant 0 : index
    %get3A_13 = vector.load %arg4[%get3A_11, %get3A_12] : memref<640x128xbf16, #tpu.memory_space<vmem>>, vector<640x128xbf16>
    %dot_general3A_14 = arith.constant dense<0.000000e+00> : vector<2560x128xf32>
    %dot_general3A_15 = tpu.matmul %convert_element_type3A, %get3A_13, %dot_general3A_14 {dimension_numbers = #tpu.dot_dimension_numbers<[1], [0], [0], [1], [0, 0, 1, 1], [], []>, transpose_lhs_hint = false} : vector<2560x640xbf16>, vector<640x128xbf16>, vector<2560x128xf32> -> vector<2560x128xf32>
    %get3A_16 = arith.constant 0 : index
    %get3A_17 = arith.constant 0 : index
    %get3A_18 = vector.load %arg5[%get3A_16, %get3A_17] : memref<1x128xf32, #tpu.memory_space<vmem>>, vector<1x128xf32>
    %add3A = vector.broadcast %get3A_18 : vector<1x128xf32> to vector<2560x128xf32>
    %add3A_19 = arith.addf %dot_general3A_15, %add3A : vector<2560x128xf32>
    %get3A_20 = arith.constant 0 : index
    %get3A_21 = arith.constant 0 : index
    %get3A_22 = vector.load %arg6[%get3A_20, %get3A_21] : memref<1x128xf32, #tpu.memory_space<vmem>>, vector<1x128xf32>
    %get3A_23 = arith.constant 0 : index
    %get3A_24 = arith.constant 0 : index
    %get3A_25 = vector.load %arg7[%get3A_23, %get3A_24] : memref<1x128xf32, #tpu.memory_space<vmem>>, vector<1x128xf32>
    %reduce_sum3A = arith.constant dense<0.000000e+00> : vector<2560xf32>
    %reduce_sum3A_26 = vector.multi_reduction <add>, %add3A_19, %reduce_sum3A [1] : vector<2560x128xf32> to vector<2560xf32>
    %broadcast_in_dim3A = vector.shape_cast %reduce_sum3A_26 : vector<2560xf32> to vector<2560x1xf32>
    %div3A = arith.constant 1.280000e+02 : f32
    %div3A_27 = vector.broadcast %div3A : f32 to vector<2560x1xf32>
    %div3A_28 = arith.divf %broadcast_in_dim3A, %div3A_27 : vector<2560x1xf32>
    %sub3A = vector.broadcast %div3A_28 : vector<2560x1xf32> to vector<2560x128xf32>
    %sub3A_29 = arith.subf %add3A_19, %sub3A : vector<2560x128xf32>
    %mul3A_30 = arith.mulf %sub3A_29, %sub3A_29 : vector<2560x128xf32>
    %reduce_sum3A_31 = arith.constant dense<0.000000e+00> : vector<2560xf32>
    %reduce_sum3A_32 = vector.multi_reduction <add>, %mul3A_30, %reduce_sum3A_31 [1] : vector<2560x128xf32> to vector<2560xf32>
    %broadcast_in_dim3A_33 = vector.shape_cast %reduce_sum3A_32 : vector<2560xf32> to vector<2560x1xf32>
    %div3A_34 = arith.constant 1.280000e+02 : f32
    %div3A_35 = vector.broadcast %div3A_34 : f32 to vector<2560x1xf32>
    %div3A_36 = arith.divf %broadcast_in_dim3A_33, %div3A_35 : vector<2560x1xf32>
    %add3A_37 = arith.constant 9.99999974E-6 : f32
    %add3A_38 = vector.broadcast %add3A_37 : f32 to vector<2560x1xf32>
    %add3A_39 = arith.addf %div3A_36, %add3A_38 : vector<2560x1xf32>
    %rsqrt3A = math.rsqrt %add3A_39 : vector<2560x1xf32>
    %mul3A_40 = vector.broadcast %rsqrt3A : vector<2560x1xf32> to vector<2560x128xf32>
    %mul3A_41 = arith.mulf %sub3A_29, %mul3A_40 : vector<2560x128xf32>
    %mul3A_42 = vector.broadcast %get3A_22 : vector<1x128xf32> to vector<2560x128xf32>
    %mul3A_43 = arith.mulf %mul3A_41, %mul3A_42 : vector<2560x128xf32>
    %add3A_44 = vector.broadcast %get3A_25 : vector<1x128xf32> to vector<2560x128xf32>
    %add3A_45 = arith.addf %mul3A_43, %add3A_44 : vector<2560x128xf32>
    %max3A = arith.constant 0.000000e+00 : f32
    %max3A_46 = vector.broadcast %max3A : f32 to vector<2560x128xf32>
    %max3A_47 = arith.maximumf %add3A_45, %max3A_46 : vector<2560x128xf32>
    %swap3A = arith.constant 0 : index
    %swap3A_48 = arith.constant 0 : index
    %swap3A_49 = vector.load %arg8[%swap3A, %swap3A_48] : memref<2560x128xf32, #tpu.memory_space<vmem>>, vector<2560x128xf32>
    tpu.vector_store %arg8[%swap3A, %swap3A_48], %max3A_47 {strides = array<i32>} : memref<2560x128xf32, #tpu.memory_space<vmem>>, vector<2560x128xf32>,
    return
  }
  func.func @transform_0(%arg0: i32) -> (i32, i32) {
    %add3A = arith.constant 75 : i32
    %add3A_0 = arith.addi %arg0, %add3A : i32
    %c0_i32 = arith.constant 0 : i32
    %c0_i32_1 = arith.constant 0 : i32
    return %add3A_0, %c0_i32 : i32, i32
  }
  func.func @transform_1(%arg0: i32) -> (i32, i32) {
    %c0_i32 = arith.constant 0 : i32
    %c0_i32_0 = arith.constant 0 : i32
    %c0_i32_1 = arith.constant 0 : i32
    return %c0_i32, %c0_i32_0 : i32, i32
  }
  func.func @transform_2(%arg0: i32) -> (i32, i32) {
    %c0_i32 = arith.constant 0 : i32
    %c0_i32_0 = arith.constant 0 : i32
    %c0_i32_1 = arith.constant 0 : i32
    return %c0_i32, %c0_i32_0 : i32, i32
  }
  func.func @transform_3(%arg0: i32) -> (i32, i32) {
    %c0_i32 = arith.constant 0 : i32
    %c0_i32_0 = arith.constant 0 : i32
    %c0_i32_1 = arith.constant 0 : i32
    return %c0_i32, %c0_i32_0 : i32, i32
  }
  func.func @transform_4(%arg0: i32) -> (i32, i32) {
    %c0_i32 = arith.constant 0 : i32
    %c0_i32_0 = arith.constant 0 : i32
    %c0_i32_1 = arith.constant 0 : i32
    return %c0_i32, %c0_i32_0 : i32, i32
  }
  func.func @transform_5(%arg0: i32) -> (i32, i32) {
    %c0_i32 = arith.constant 0 : i32
    %c0_i32_0 = arith.constant 0 : i32
    %c0_i32_1 = arith.constant 0 : i32
    return %c0_i32, %c0_i32_0 : i32, i32
  }
  func.func @transform_6(%arg0: i32) -> (i32, i32) {
    %c0_i32 = arith.constant 0 : i32
    %c0_i32_0 = arith.constant 0 : i32
    %c0_i32_1 = arith.constant 0 : i32
    return %c0_i32, %c0_i32_0 : i32, i32
  }
  func.func @transform_7(%arg0: i32) -> (i32, i32) {
    %c0_i32 = arith.constant 0 : i32
    %c0_i32_0 = arith.constant 0 : i32
    return %arg0, %c0_i32 : i32, i32
  }
}

module attributes {stable_mosaic.version = 14 : i64} {
  func.func @_kron_body(%arg0: i32, %arg1: memref<2560x64xbf16, #tpu.memory_space<vmem>>, %arg2: memref<64x640xbf16, #tpu.memory_space<vmem>>, %arg3: memref<64x640xbf16, #tpu.memory_space<vmem>>, %arg4: memref<640x128xbf16, #tpu.memory_space<vmem>>, %arg5: memref<1x128xf32, #tpu.memory_space<vmem>>, %arg6: memref<1x128xf32, #tpu.memory_space<vmem>>, %arg7: memref<1x128xf32, #tpu.memory_space<vmem>>, %arg8: memref<2560x128xf32, #tpu.memory_space<vmem>>) attributes {dimension_semantics = [#tpu.dimension_semantics<arbitrary>], iteration_bounds = array<i64: 75>, scalar_prefetch = 0 : i64, scratch_operands = 0 : i64, tpu.core_type = #tpu.core_type<tc>, window_params = [{transform_indices = @transform_0, window_bounds = array<i64: 2560, 64>}, {pipeline_mode = #tpu.pipeline_mode<synchronous>, transform_indices = @transform_1, window_bounds = array<i64: 64, 640>}, {pipeline_mode = #tpu.pipeline_mode<synchronous>, transform_indices = @transform_2, window_bounds = array<i64: 64, 640>}, {pipeline_mode = #tpu.pipeline_mode<synchronous>, transform_indices = @transform_3, window_bounds = array<i64: 640, 128>}, {pipeline_mode = #tpu.pipeline_mode<synchronous>, transform_indices = @transform_4, window_bounds = array<i64: 1, 128>}, {pipeline_mode = #tpu.pipeline_mode<synchronous>, transform_indices = @transform_5, window_bounds = array<i64: 1, 128>}, {pipeline_mode = #tpu.pipeline_mode<synchronous>, transform_indices = @transform_6, window_bounds = array<i64: 1, 128>}, {transform_indices = @transform_7, window_bounds = array<i64: 2560, 128>}]} {
    %get3A = arith.constant 0 : index
    %get3A_0 = arith.constant 0 : index
    %get3A_1 = vector.load %arg1[%get3A, %get3A_0] : memref<2560x64xbf16, #tpu.memory_space<vmem>>, vector<2560x64xbf16>
    %get3A_2 = arith.constant 0 : index
    %get3A_3 = arith.constant 0 : index
    %get3A_4 = vector.load %arg2[%get3A_2, %get3A_3] : memref<64x640xbf16, #tpu.memory_space<vmem>>, vector<64x640xbf16>
    %dot_general3A = arith.constant dense<0.000000e+00> : vector<2560x640xf32>
    %dot_general3A_5 = tpu.matmul %get3A_1, %get3A_4, %dot_general3A {dimension_numbers = #tpu.dot_dimension_numbers<[1], [0], [0], [1], [0, 0, 1, 1], [], []>, transpose_lhs_hint = false} : vector<2560x64xbf16>, vector<64x640xbf16>, vector<2560x640xf32> -> vector<2560x640xf32>
    %get3A_6 = arith.constant 0 : index
    %get3A_7 = arith.constant 0 : index
    %get3A_8 = vector.load %arg3[%get3A_6, %get3A_7] : memref<64x640xbf16, #tpu.memory_space<vmem>>, vector<64x640xbf16>
    %dot_general3A_9 = arith.constant dense<0.000000e+00> : vector<2560x640xf32>
    %dot_general3A_10 = tpu.matmul %get3A_1, %get3A_8, %dot_general3A_9 {dimension_numbers = #tpu.dot_dimension_numbers<[1], [0], [0], [1], [0, 0, 1, 1], [], []>, transpose_lhs_hint = false} : vector<2560x64xbf16>, vector<64x640xbf16>, vector<2560x640xf32> -> vector<2560x640xf32>
    %mul3A = arith.mulf %dot_general3A_5, %dot_general3A_10 : vector<2560x640xf32>
    %convert_element_type3A = arith.truncf %mul3A : vector<2560x640xf32> to vector<2560x640xbf16>
    %get3A_11 = arith.constant 0 : index
    %get3A_12 = arith.constant 0 : index
    %get3A_13 = vector.load %arg4[%get3A_11, %get3A_12] : memref<640x128xbf16, #tpu.memory_space<vmem>>, vector<640x128xbf16>
    %dot_general3A_14 = arith.constant dense<0.000000e+00> : vector<2560x128xf32>
    %dot_general3A_15 = tpu.matmul %convert_element_type3A, %get3A_13, %dot_general3A_14 {dimension_numbers = #tpu.dot_dimension_numbers<[1], [0], [0], [1], [0, 0, 1, 1], [], []>, transpose_lhs_hint = false} : vector<2560x640xbf16>, vector<640x128xbf16>, vector<2560x128xf32> -> vector<2560x128xf32>
    %get3A_16 = arith.constant 0 : index
    %get3A_17 = arith.constant 0 : index
    %get3A_18 = vector.load %arg5[%get3A_16, %get3A_17] : memref<1x128xf32, #tpu.memory_space<vmem>>, vector<1x128xf32>
    %add3A = vector.broadcast %get3A_18 : vector<1x128xf32> to vector<2560x128xf32>
    %add3A_19 = arith.addf %dot_general3A_15, %add3A : vector<2560x128xf32>
    %get3A_20 = arith.constant 0 : index
    %get3A_21 = arith.constant 0 : index
    %get3A_22 = vector.load %arg6[%get3A_20, %get3A_21] : memref<1x128xf32, #tpu.memory_space<vmem>>, vector<1x128xf32>
    %get3A_23 = arith.constant 0 : index
    %get3A_24 = arith.constant 0 : index
    %get3A_25 = vector.load %arg7[%get3A_23, %get3A_24] : memref<1x128xf32, #tpu.memory_space<vmem>>, vector<1x128xf32>
    %reduce_sum3A = arith.constant dense<0.000000e+00> : vector<2560xf32>
    %reduce_sum3A_26 = vector.multi_reduction <add>, %add3A_19, %reduce_sum3A [1] : vector<2560x128xf32> to vector<2560xf32>
    %broadcast_in_dim3A = vector.shape_cast %reduce_sum3A_26 : vector<2560xf32> to vector<2560x1xf32>
    %div3A = arith.constant 1.280000e+02 : f32
    %div3A_27 = vector.broadcast %div3A : f32 to vector<2560x1xf32>
    %div3A_28 = arith.divf %broadcast_in_dim3A, %div3A_27 : vector<2560x1xf32>
    %sub3A = vector.broadcast %div3A_28 : vector<2560x1xf32> to vector<2560x128xf32>
    %sub3A_29 = arith.subf %add3A_19, %sub3A : vector<2560x128xf32>
    %mul3A_30 = arith.mulf %sub3A_29, %sub3A_29 : vector<2560x128xf32>
    %reduce_sum3A_31 = arith.constant dense<0.000000e+00> : vector<2560xf32>
    %reduce_sum3A_32 = vector.multi_reduction <add>, %mul3A_30, %reduce_sum3A_31 [1] : vector<2560x128xf32> to vector<2560xf32>
    %broadcast_in_dim3A_33 = vector.shape_cast %reduce_sum3A_32 : vector<2560xf32> to vector<2560x1xf32>
    %div3A_34 = arith.constant 1.280000e+02 : f32
    %div3A_35 = vector.broadcast %div3A_34 : f32 to vector<2560x1xf32>
    %div3A_36 = arith.divf %broadcast_in_dim3A_33, %div3A_35 : vector<2560x1xf32>
    %add3A_37 = arith.constant 9.99999974E-6 : f32
    %add3A_38 = vector.broadcast %add3A_37 : f32 to vector<2560x1xf32>
    %add3A_39 = arith.addf %div3A_36, %add3A_38 : vector<2560x1xf32>
    %rsqrt3A = math.rsqrt %add3A_39 : vector<2560x1xf32>
    %mul3A_40 = vector.broadcast %rsqrt3A : vector<2560x1xf32> to vector<2560x128xf32>
    %mul3A_41 = arith.mulf %sub3A_29, %mul3A_40 : vector<2560x128xf32>
    %mul3A_42 = vector.broadcast %get3A_22 : vector<1x128xf32> to vector<2560x128xf32>
    %mul3A_43 = arith.mulf %mul3A_41, %mul3A_42 : vector<2560x128xf32>
    %add3A_44 = vector.broadcast %get3A_25 : vector<1x128xf32> to vector<2560x128xf32>
    %add3A_45 = arith.addf %mul3A_43, %add3A_44 : vector<2560x128xf32>
    %max3A = arith.constant 0.000000e+00 : f32
    %max3A_46 = vector.broadcast %max3A : f32 to vector<2560x128xf32>
    %max3A_47 = arith.maximumf %add3A_45, %max3A_46 : vector<2560x128xf32>
    %swap3A = arith.constant 0 : index
    %swap3A_48 = arith.constant 0 : index
    %swap3A_49 = vector.load %arg8[%swap3A, %swap3A_48] : memref<2560x128xf32, #tpu.memory_space<vmem>>, vector<2560x128xf32>
    tpu.vector_store %arg8[%swap3A, %swap3A_48], %max3A_47 {strides = array<i32>} : memref<2560x128xf32, #tpu.memory_space<vmem>>, vector<2560x128xf32>,
    return
  }
  func.func @transform_0(%arg0: i32) -> (i32, i32) {
    %add3A = arith.constant 0 : i32
    %add3A_0 = arith.addi %arg0, %add3A : i32
    %c0_i32 = arith.constant 0 : i32
    %c0_i32_1 = arith.constant 0 : i32
    return %add3A_0, %c0_i32 : i32, i32
  }
  func.func @transform_1(%arg0: i32) -> (i32, i32) {
    %c0_i32 = arith.constant 0 : i32
    %c0_i32_0 = arith.constant 0 : i32
    %c0_i32_1 = arith.constant 0 : i32
    return %c0_i32, %c0_i32_0 : i32, i32
  }
  func.func @transform_2(%arg0: i32) -> (i32, i32) {
    %c0_i32 = arith.constant 0 : i32
    %c0_i32_0 = arith.constant 0 : i32
    %c0_i32_1 = arith.constant 0 : i32
    return %c0_i32, %c0_i32_0 : i32, i32
  }
  func.func @transform_3(%arg0: i32) -> (i32, i32) {
    %c0_i32 = arith.constant 0 : i32
    %c0_i32_0 = arith.constant 0 : i32
    %c0_i32_1 = arith.constant 0 : i32
    return %c0_i32, %c0_i32_0 : i32, i32
  }
  func.func @transform_4(%arg0: i32) -> (i32, i32) {
    %c0_i32 = arith.constant 0 : i32
    %c0_i32_0 = arith.constant 0 : i32
    %c0_i32_1 = arith.constant 0 : i32
    return %c0_i32, %c0_i32_0 : i32, i32
  }
  func.func @transform_5(%arg0: i32) -> (i32, i32) {
    %c0_i32 = arith.constant 0 : i32
    %c0_i32_0 = arith.constant 0 : i32
    %c0_i32_1 = arith.constant 0 : i32
    return %c0_i32, %c0_i32_0 : i32, i32
  }
  func.func @transform_6(%arg0: i32) -> (i32, i32) {
    %c0_i32 = arith.constant 0 : i32
    %c0_i32_0 = arith.constant 0 : i32
    %c0_i32_1 = arith.constant 0 : i32
    return %c0_i32, %c0_i32_0 : i32, i32
  }
  func.func @transform_7(%arg0: i32) -> (i32, i32) {
    %c0_i32 = arith.constant 0 : i32
    %c0_i32_0 = arith.constant 0 : i32
    return %arg0, %c0_i32 : i32, i32
  }
}

module attributes {stable_mosaic.version = 14 : i64} {
  func.func @_fin_body(%arg0: i32, %arg1: memref<1000x128xf32, #tpu.memory_space<vmem>>, %arg2: memref<1000x128xf32, #tpu.memory_space<vmem>>, %arg3: memref<1000x128xf32, #tpu.memory_space<vmem>>, %arg4: memref<1000x1xf32, #tpu.memory_space<vmem>>, %arg5: memref<1000x1xf32, #tpu.memory_space<vmem>>, %arg6: memref<1000x128xf32, #tpu.memory_space<vmem>>, %arg7: memref<1000x128xf32, #tpu.memory_space<vmem>>, %arg8: memref<1000x128xf32, #tpu.memory_space<vmem>>, %arg9: memref<1000x128xf32, #tpu.memory_space<vmem>>, %arg10: memref<128x384xf32, #tpu.memory_space<vmem>>, %arg11: memref<1x384xf32, #tpu.memory_space<vmem>>, %arg12: memref<128x384xf32, #tpu.memory_space<vmem>>, %arg13: memref<1x384xf32, #tpu.memory_space<vmem>>, %arg14: memref<1x128xf32, #tpu.memory_space<vmem>>, %arg15: memref<1x128xf32, #tpu.memory_space<vmem>>, %arg16: memref<128x128xf32, #tpu.memory_space<vmem>>, %arg17: memref<128x128xf32, #tpu.memory_space<vmem>>, %arg18: memref<1x128xf32, #tpu.memory_space<vmem>>, %arg19: memref<1x128xf32, #tpu.memory_space<vmem>>, %arg20: memref<1x128xf32, #tpu.memory_space<vmem>>, %arg21: memref<1000x128xf32, #tpu.memory_space<vmem>>) attributes {dimension_semantics = [#tpu.dimension_semantics<arbitrary>], iteration_bounds = array<i64: 10>, scalar_prefetch = 0 : i64, scratch_operands = 0 : i64, tpu.core_type = #tpu.core_type<tc>, window_params = [{transform_indices = @transform_0, window_bounds = array<i64: 1000, 128>}, {transform_indices = @transform_1, window_bounds = array<i64: 1000, 128>}, {transform_indices = @transform_2, window_bounds = array<i64: 1000, 128>}, {transform_indices = @transform_3, window_bounds = array<i64: 1000, 1>}, {transform_indices = @transform_4, window_bounds = array<i64: 1000, 1>}, {transform_indices = @transform_5, window_bounds = array<i64: 1000, 128>}, {transform_indices = @transform_6, window_bounds = array<i64: 1000, 128>}, {transform_indices = @transform_7, window_bounds = array<i64: 1000, 128>}, {transform_indices = @transform_8, window_bounds = array<i64: 1000, 128>}, {pipeline_mode = #tpu.pipeline_mode<synchronous>, transform_indices = @transform_9, window_bounds = array<i64: 128, 384>}, {pipeline_mode = #tpu.pipeline_mode<synchronous>, transform_indices = @transform_10, window_bounds = array<i64: 1, 384>}, {pipeline_mode = #tpu.pipeline_mode<synchronous>, transform_indices = @transform_11, window_bounds = array<i64: 128, 384>}, {pipeline_mode = #tpu.pipeline_mode<synchronous>, transform_indices = @transform_12, window_bounds = array<i64: 1, 384>}, {pipeline_mode = #tpu.pipeline_mode<synchronous>, transform_indices = @transform_13, window_bounds = array<i64: 1, 128>}, {pipeline_mode = #tpu.pipeline_mode<synchronous>, transform_indices = @transform_14, window_bounds = array<i64: 1, 128>}, {pipeline_mode = #tpu.pipeline_mode<synchronous>, transform_indices = @transform_15, window_bounds = array<i64: 128, 128>}, {pipeline_mode = #tpu.pipeline_mode<synchronous>, transform_indices = @transform_16, window_bounds = array<i64: 128, 128>}, {pipeline_mode = #tpu.pipeline_mode<synchronous>, transform_indices = @transform_17, window_bounds = array<i64: 1, 128>}, {pipeline_mode = #tpu.pipeline_mode<synchronous>, transform_indices = @transform_18, window_bounds = array<i64: 1, 128>}, {pipeline_mode = #tpu.pipeline_mode<synchronous>, transform_indices = @transform_19, window_bounds = array<i64: 1, 128>}, {transform_indices = @transform_20, window_bounds = array<i64: 1000, 128>}]} {
    %get3A = arith.constant 0 : index
    %get3A_0 = arith.constant 0 : index
    %get3A_1 = vector.load %arg1[%get3A, %get3A_0] : memref<1000x128xf32, #tpu.memory_space<vmem>>, vector<1000x128xf32>
    %get3A_2 = arith.constant 0 : index
    %get3A_3 = arith.constant 0 : index
    %get3A_4 = vector.load %arg4[%get3A_2, %get3A_3] : memref<1000x1xf32, #tpu.memory_space<vmem>>, vector<1000x1xf32>
    %get3A_5 = arith.constant 0 : index
    %get3A_6 = arith.constant 0 : index
    %get3A_7 = vector.load %arg5[%get3A_5, %get3A_6] : memref<1000x1xf32, #tpu.memory_space<vmem>>, vector<1000x1xf32>
    %add3A = arith.addf %get3A_4, %get3A_7 : vector<1000x1xf32>
    %max3A = arith.constant 9.99999996E-13 : f32
    %max3A_8 = vector.broadcast %max3A : f32 to vector<1000x1xf32>
    %max3A_9 = arith.maximumf %add3A, %max3A_8 : vector<1000x1xf32>
    %get3A_10 = arith.constant 0 : index
    %get3A_11 = arith.constant 0 : index
    %get3A_12 = vector.load %arg2[%get3A_10, %get3A_11] : memref<1000x128xf32, #tpu.memory_space<vmem>>, vector<1000x128xf32>
    %get3A_13 = arith.constant 0 : index
    %get3A_14 = arith.constant 0 : index
    %get3A_15 = vector.load %arg3[%get3A_13, %get3A_14] : memref<1000x128xf32, #tpu.memory_space<vmem>>, vector<1000x128xf32>
    %add3A_16 = arith.addf %get3A_12, %get3A_15 : vector<1000x128xf32>
    %div3A = vector.broadcast %max3A_9 : vector<1000x1xf32> to vector<1000x128xf32>
    %div3A_17 = arith.divf %add3A_16, %div3A : vector<1000x128xf32>
    %max3A_18 = arith.constant 0.000000e+00 : f32
    %max3A_19 = vector.broadcast %max3A_18 : f32 to vector<1000x128xf32>
    %max3A_20 = arith.maximumf %div3A_17, %max3A_19 : vector<1000x128xf32>
    %get3A_21 = arith.constant 0 : index
    %get3A_22 = arith.constant 0 : index
    %get3A_23 = vector.load %arg6[%get3A_21, %get3A_22] : memref<1000x128xf32, #tpu.memory_space<vmem>>, vector<1000x128xf32>
    %get3A_24 = arith.constant 0 : index
    %get3A_25 = arith.constant 0 : index
    %get3A_26 = vector.load %arg7[%get3A_24, %get3A_25] : memref<1000x128xf32, #tpu.memory_space<vmem>>, vector<1000x128xf32>
    %add3A_27 = arith.addf %get3A_23, %get3A_26 : vector<1000x128xf32>
    %get3A_28 = arith.constant 0 : index
    %get3A_29 = arith.constant 0 : index
    %get3A_30 = vector.load %arg8[%get3A_28, %get3A_29] : memref<1000x128xf32, #tpu.memory_space<vmem>>, vector<1000x128xf32>
    %get3A_31 = arith.constant 0 : index
    %get3A_32 = arith.constant 0 : index
    %get3A_33 = vector.load %arg9[%get3A_31, %get3A_32] : memref<1000x128xf32, #tpu.memory_space<vmem>>, vector<1000x128xf32>
    %add3A_34 = arith.addf %get3A_30, %get3A_33 : vector<1000x128xf32>
    %add3A_35 = arith.addf %add3A_27, %add3A_34 : vector<1000x128xf32>
    %get3A_36 = arith.constant 0 : index
    %get3A_37 = arith.constant 0 : index
    %get3A_38 = vector.load %arg10[%get3A_36, %get3A_37] : memref<128x384xf32, #tpu.memory_space<vmem>>, vector<128x384xf32>
    %dot_general3A = arith.constant dense<0.000000e+00> : vector<1000x384xf32>
    %dot_general3A_39 = tpu.matmul %max3A_20, %get3A_38, %dot_general3A {dimension_numbers = #tpu.dot_dimension_numbers<[1], [0], [0], [1], [0, 0, 1, 1], [], []>, transpose_lhs_hint = false} : vector<1000x128xf32>, vector<128x384xf32>, vector<1000x384xf32> -> vector<1000x384xf32>
    %get3A_40 = arith.constant 0 : index
    %get3A_41 = arith.constant 0 : index
    %get3A_42 = vector.load %arg11[%get3A_40, %get3A_41] : memref<1x384xf32, #tpu.memory_space<vmem>>, vector<1x384xf32>
    %add3A_43 = vector.broadcast %get3A_42 : vector<1x384xf32> to vector<1000x384xf32>
    %add3A_44 = arith.addf %dot_general3A_39, %add3A_43 : vector<1000x384xf32>
    %get3A_45 = arith.constant 0 : index
    %get3A_46 = arith.constant 0 : index
    %get3A_47 = vector.load %arg12[%get3A_45, %get3A_46] : memref<128x384xf32, #tpu.memory_space<vmem>>, vector<128x384xf32>
    %dot_general3A_48 = arith.constant dense<0.000000e+00> : vector<1000x384xf32>
    %dot_general3A_49 = tpu.matmul %get3A_1, %get3A_47, %dot_general3A_48 {dimension_numbers = #tpu.dot_dimension_numbers<[1], [0], [0], [1], [0, 0, 1, 1], [], []>, transpose_lhs_hint = false} : vector<1000x128xf32>, vector<128x384xf32>, vector<1000x384xf32> -> vector<1000x384xf32>
    %get3A_50 = arith.constant 0 : index
    %get3A_51 = arith.constant 0 : index
    %get3A_52 = vector.load %arg13[%get3A_50, %get3A_51] : memref<1x384xf32, #tpu.memory_space<vmem>>, vector<1x384xf32>
    %add3A_53 = vector.broadcast %get3A_52 : vector<1x384xf32> to vector<1000x384xf32>
    %add3A_54 = arith.addf %dot_general3A_49, %add3A_53 : vector<1000x384xf32>
    %slice3A = vector.extract_strided_slice %add3A_44 {offsets = [0, 0], sizes = [1000, 128], strides = [1, 1]} : vector<1000x384xf32> to vector<1000x128xf32>
    %slice3A_55 = vector.extract_strided_slice %add3A_54 {offsets = [0, 0], sizes = [1000, 128], strides = [1, 1]} : vector<1000x384xf32> to vector<1000x128xf32>
    %add3A_56 = arith.addf %slice3A, %slice3A_55 : vector<1000x128xf32>
    %logistic3A = arith.negf %add3A_56 : vector<1000x128xf32>
    %logistic3A_57 = math.exp %logistic3A : vector<1000x128xf32>
    %logistic3A_58 = arith.constant 1.000000e+00 : f32
    %logistic3A_59 = vector.broadcast %logistic3A_58 : f32 to vector<1000x128xf32>
    %logistic3A_60 = arith.addf %logistic3A_59, %logistic3A_57 : vector<1000x128xf32>
    %logistic3A_61 = arith.divf %logistic3A_59, %logistic3A_60 : vector<1000x128xf32>
    %slice3A_62 = vector.extract_strided_slice %add3A_44 {offsets = [0, 128], sizes = [1000, 128], strides = [1, 1]} : vector<1000x384xf32> to vector<1000x128xf32>
    %slice3A_63 = vector.extract_strided_slice %add3A_54 {offsets = [0, 128], sizes = [1000, 128], strides = [1, 1]} : vector<1000x384xf32> to vector<1000x128xf32>
    %add3A_64 = arith.addf %slice3A_62, %slice3A_63 : vector<1000x128xf32>
    %logistic3A_65 = arith.negf %add3A_64 : vector<1000x128xf32>
    %logistic3A_66 = math.exp %logistic3A_65 : vector<1000x128xf32>
    %logistic3A_67 = arith.constant 1.000000e+00 : f32
    %logistic3A_68 = vector.broadcast %logistic3A_67 : f32 to vector<1000x128xf32>
    %logistic3A_69 = arith.addf %logistic3A_68, %logistic3A_66 : vector<1000x128xf32>
    %logistic3A_70 = arith.divf %logistic3A_68, %logistic3A_69 : vector<1000x128xf32>
    %slice3A_71 = vector.extract_strided_slice %add3A_44 {offsets = [0, 256], sizes = [1000, 128], strides = [1, 1]} : vector<1000x384xf32> to vector<1000x128xf32>
    %slice3A_72 = vector.extract_strided_slice %add3A_54 {offsets = [0, 256], sizes = [1000, 128], strides = [1, 1]} : vector<1000x384xf32> to vector<1000x128xf32>
    %mul3A = arith.mulf %logistic3A_61, %slice3A_72 : vector<1000x128xf32>
    %add3A_73 = arith.addf %slice3A_71, %mul3A : vector<1000x128xf32>
    %tanh3A = math.tanh %add3A_73 : vector<1000x128xf32>
    %sub3A = arith.constant 1.000000e+00 : f32
    %sub3A_74 = vector.broadcast %sub3A : f32 to vector<1000x128xf32>
    %sub3A_75 = arith.subf %sub3A_74, %logistic3A_70 : vector<1000x128xf32>
    %mul3A_76 = arith.mulf %sub3A_75, %tanh3A : vector<1000x128xf32>
    %mul3A_77 = arith.mulf %logistic3A_70, %get3A_1 : vector<1000x128xf32>
    %add3A_78 = arith.addf %mul3A_76, %mul3A_77 : vector<1000x128xf32>
    %max3A_79 = arith.constant 0.000000e+00 : f32
    %max3A_80 = vector.broadcast %max3A_79 : f32 to vector<1000x128xf32>
    %max3A_81 = arith.maximumf %add3A_78, %max3A_80 : vector<1000x128xf32>
    %get3A_82 = arith.constant 0 : index
    %get3A_83 = arith.constant 0 : index
    %get3A_84 = vector.load %arg14[%get3A_82, %get3A_83] : memref<1x128xf32, #tpu.memory_space<vmem>>, vector<1x128xf32>
    %get3A_85 = arith.constant 0 : index
    %get3A_86 = arith.constant 0 : index
    %get3A_87 = vector.load %arg15[%get3A_85, %get3A_86] : memref<1x128xf32, #tpu.memory_space<vmem>>, vector<1x128xf32>
    %reduce_sum3A = arith.constant dense<0.000000e+00> : vector<1000xf32>
    %reduce_sum3A_88 = vector.multi_reduction <add>, %max3A_81, %reduce_sum3A [1] : vector<1000x128xf32> to vector<1000xf32>
    %broadcast_in_dim3A = vector.shape_cast %reduce_sum3A_88 : vector<1000xf32> to vector<1000x1xf32>
    %div3A_89 = arith.constant 1.280000e+02 : f32
    %div3A_90 = vector.broadcast %div3A_89 : f32 to vector<1000x1xf32>
    %div3A_91 = arith.divf %broadcast_in_dim3A, %div3A_90 : vector<1000x1xf32>
    %sub3A_92 = vector.broadcast %div3A_91 : vector<1000x1xf32> to vector<1000x128xf32>
    %sub3A_93 = arith.subf %max3A_81, %sub3A_92 : vector<1000x128xf32>
    %mul3A_94 = arith.mulf %sub3A_93, %sub3A_93 : vector<1000x128xf32>
    %reduce_sum3A_95 = arith.constant dense<0.000000e+00> : vector<1000xf32>
    %reduce_sum3A_96 = vector.multi_reduction <add>, %mul3A_94, %reduce_sum3A_95 [1] : vector<1000x128xf32> to vector<1000xf32>
    %broadcast_in_dim3A_97 = vector.shape_cast %reduce_sum3A_96 : vector<1000xf32> to vector<1000x1xf32>
    %div3A_98 = arith.constant 1.280000e+02 : f32
    %div3A_99 = vector.broadcast %div3A_98 : f32 to vector<1000x1xf32>
    %div3A_100 = arith.divf %broadcast_in_dim3A_97, %div3A_99 : vector<1000x1xf32>
    %add3A_101 = arith.constant 9.99999974E-6 : f32
    %add3A_102 = vector.broadcast %add3A_101 : f32 to vector<1000x1xf32>
    %add3A_103 = arith.addf %div3A_100, %add3A_102 : vector<1000x1xf32>
    %rsqrt3A = math.rsqrt %add3A_103 : vector<1000x1xf32>
    %mul3A_104 = vector.broadcast %rsqrt3A : vector<1000x1xf32> to vector<1000x128xf32>
    %mul3A_105 = arith.mulf %sub3A_93, %mul3A_104 : vector<1000x128xf32>
    %mul3A_106 = vector.broadcast %get3A_84 : vector<1x128xf32> to vector<1000x128xf32>
    %mul3A_107 = arith.mulf %mul3A_105, %mul3A_106 : vector<1000x128xf32>
    %add3A_108 = vector.broadcast %get3A_87 : vector<1x128xf32> to vector<1000x128xf32>
    %add3A_109 = arith.addf %mul3A_107, %add3A_108 : vector<1000x128xf32>
    %get3A_110 = arith.constant 0 : index
    %get3A_111 = arith.constant 0 : index
    %get3A_112 = vector.load %arg16[%get3A_110, %get3A_111] : memref<128x128xf32, #tpu.memory_space<vmem>>, vector<128x128xf32>
    %dot_general3A_113 = arith.constant dense<0.000000e+00> : vector<1000x128xf32>
    %dot_general3A_114 = tpu.matmul %add3A_109, %get3A_112, %dot_general3A_113 {dimension_numbers = #tpu.dot_dimension_numbers<[1], [0], [0], [1], [0, 0, 1, 1], [], []>, transpose_lhs_hint = false} : vector<1000x128xf32>, vector<128x128xf32>, vector<1000x128xf32> -> vector<1000x128xf32>
    %get3A_115 = arith.constant 0 : index
    %get3A_116 = arith.constant 0 : index
    %get3A_117 = vector.load %arg17[%get3A_115, %get3A_116] : memref<128x128xf32, #tpu.memory_space<vmem>>, vector<128x128xf32>
    %dot_general3A_118 = arith.constant dense<0.000000e+00> : vector<1000x128xf32>
    %dot_general3A_119 = tpu.matmul %add3A_35, %get3A_117, %dot_general3A_118 {dimension_numbers = #tpu.dot_dimension_numbers<[1], [0], [0], [1], [0, 0, 1, 1], [], []>, transpose_lhs_hint = false} : vector<1000x128xf32>, vector<128x128xf32>, vector<1000x128xf32> -> vector<1000x128xf32>
    %add3A_120 = arith.addf %dot_general3A_114, %dot_general3A_119 : vector<1000x128xf32>
    %get3A_121 = arith.constant 0 : index
    %get3A_122 = arith.constant 0 : index
    %get3A_123 = vector.load %arg18[%get3A_121, %get3A_122] : memref<1x128xf32, #tpu.memory_space<vmem>>, vector<1x128xf32>
    %add3A_124 = vector.broadcast %get3A_123 : vector<1x128xf32> to vector<1000x128xf32>
    %add3A_125 = arith.addf %add3A_120, %add3A_124 : vector<1000x128xf32>
    %get3A_126 = arith.constant 0 : index
    %get3A_127 = arith.constant 0 : index
    %get3A_128 = vector.load %arg19[%get3A_126, %get3A_127] : memref<1x128xf32, #tpu.memory_space<vmem>>, vector<1x128xf32>
    %get3A_129 = arith.constant 0 : index
    %get3A_130 = arith.constant 0 : index
    %get3A_131 = vector.load %arg20[%get3A_129, %get3A_130] : memref<1x128xf32, #tpu.memory_space<vmem>>, vector<1x128xf32>
    %reduce_sum3A_132 = arith.constant dense<0.000000e+00> : vector<1000xf32>
    %reduce_sum3A_133 = vector.multi_reduction <add>, %add3A_125, %reduce_sum3A_132 [1] : vector<1000x128xf32> to vector<1000xf32>
    %broadcast_in_dim3A_134 = vector.shape_cast %reduce_sum3A_133 : vector<1000xf32> to vector<1000x1xf32>
    %div3A_135 = arith.constant 1.280000e+02 : f32
    %div3A_136 = vector.broadcast %div3A_135 : f32 to vector<1000x1xf32>
    %div3A_137 = arith.divf %broadcast_in_dim3A_134, %div3A_136 : vector<1000x1xf32>
    %sub3A_138 = vector.broadcast %div3A_137 : vector<1000x1xf32> to vector<1000x128xf32>
    %sub3A_139 = arith.subf %add3A_125, %sub3A_138 : vector<1000x128xf32>
    %mul3A_140 = arith.mulf %sub3A_139, %sub3A_139 : vector<1000x128xf32>
    %reduce_sum3A_141 = arith.constant dense<0.000000e+00> : vector<1000xf32>
    %reduce_sum3A_142 = vector.multi_reduction <add>, %mul3A_140, %reduce_sum3A_141 [1] : vector<1000x128xf32> to vector<1000xf32>
    %broadcast_in_dim3A_143 = vector.shape_cast %reduce_sum3A_142 : vector<1000xf32> to vector<1000x1xf32>
    %div3A_144 = arith.constant 1.280000e+02 : f32
    %div3A_145 = vector.broadcast %div3A_144 : f32 to vector<1000x1xf32>
    %div3A_146 = arith.divf %broadcast_in_dim3A_143, %div3A_145 : vector<1000x1xf32>
    %add3A_147 = arith.constant 9.99999974E-6 : f32
    %add3A_148 = vector.broadcast %add3A_147 : f32 to vector<1000x1xf32>
    %add3A_149 = arith.addf %div3A_146, %add3A_148 : vector<1000x1xf32>
    %rsqrt3A_150 = math.rsqrt %add3A_149 : vector<1000x1xf32>
    %mul3A_151 = vector.broadcast %rsqrt3A_150 : vector<1000x1xf32> to vector<1000x128xf32>
    %mul3A_152 = arith.mulf %sub3A_139, %mul3A_151 : vector<1000x128xf32>
    %mul3A_153 = vector.broadcast %get3A_128 : vector<1x128xf32> to vector<1000x128xf32>
    %mul3A_154 = arith.mulf %mul3A_152, %mul3A_153 : vector<1000x128xf32>
    %add3A_155 = vector.broadcast %get3A_131 : vector<1x128xf32> to vector<1000x128xf32>
    %add3A_156 = arith.addf %mul3A_154, %add3A_155 : vector<1000x128xf32>
    %max3A_157 = arith.constant 0.000000e+00 : f32
    %max3A_158 = vector.broadcast %max3A_157 : f32 to vector<1000x128xf32>
    %max3A_159 = arith.maximumf %add3A_156, %max3A_158 : vector<1000x128xf32>
    %swap3A = arith.constant 0 : index
    %swap3A_160 = arith.constant 0 : index
    %swap3A_161 = vector.load %arg21[%swap3A, %swap3A_160] : memref<1000x128xf32, #tpu.memory_space<vmem>>, vector<1000x128xf32>
    tpu.vector_store %arg21[%swap3A, %swap3A_160], %max3A_159 {strides = array<i32>} : memref<1000x128xf32, #tpu.memory_space<vmem>>, vector<1000x128xf32>,
    return
  }
  func.func @transform_0(%arg0: i32) -> (i32, i32) {
    %c0_i32 = arith.constant 0 : i32
    %c0_i32_0 = arith.constant 0 : i32
    return %arg0, %c0_i32 : i32, i32
  }
  func.func @transform_1(%arg0: i32) -> (i32, i32) {
    %c0_i32 = arith.constant 0 : i32
    %c0_i32_0 = arith.constant 0 : i32
    return %arg0, %c0_i32 : i32, i32
  }
  func.func @transform_2(%arg0: i32) -> (i32, i32) {
    %c0_i32 = arith.constant 0 : i32
    %c0_i32_0 = arith.constant 0 : i32
    return %arg0, %c0_i32 : i32, i32
  }
  func.func @transform_3(%arg0: i32) -> (i32, i32) {
    %c0_i32 = arith.constant 0 : i32
    %c0_i32_0 = arith.constant 0 : i32
    return %arg0, %c0_i32 : i32, i32
  }
  func.func @transform_4(%arg0: i32) -> (i32, i32) {
    %c0_i32 = arith.constant 0 : i32
    %c0_i32_0 = arith.constant 0 : i32
    return %arg0, %c0_i32 : i32, i32
  }
  func.func @transform_5(%arg0: i32) -> (i32, i32) {
    %c0_i32 = arith.constant 0 : i32
    %c0_i32_0 = arith.constant 0 : i32
    return %arg0, %c0_i32 : i32, i32
  }
  func.func @transform_6(%arg0: i32) -> (i32, i32) {
    %c0_i32 = arith.constant 0 : i32
    %c0_i32_0 = arith.constant 0 : i32
    return %arg0, %c0_i32 : i32, i32
  }
  func.func @transform_7(%arg0: i32) -> (i32, i32) {
    %c0_i32 = arith.constant 0 : i32
    %c0_i32_0 = arith.constant 0 : i32
    return %arg0, %c0_i32 : i32, i32
  }
  func.func @transform_8(%arg0: i32) -> (i32, i32) {
    %c0_i32 = arith.constant 0 : i32
    %c0_i32_0 = arith.constant 0 : i32
    return %arg0, %c0_i32 : i32, i32
  }
  func.func @transform_9(%arg0: i32) -> (i32, i32) {
    %c0_i32 = arith.constant 0 : i32
    %c0_i32_0 = arith.constant 0 : i32
    %c0_i32_1 = arith.constant 0 : i32
    return %c0_i32, %c0_i32_0 : i32, i32
  }
  func.func @transform_10(%arg0: i32) -> (i32, i32) {
    %c0_i32 = arith.constant 0 : i32
    %c0_i32_0 = arith.constant 0 : i32
    %c0_i32_1 = arith.constant 0 : i32
    return %c0_i32, %c0_i32_0 : i32, i32
  }
  func.func @transform_11(%arg0: i32) -> (i32, i32) {
    %c0_i32 = arith.constant 0 : i32
    %c0_i32_0 = arith.constant 0 : i32
    %c0_i32_1 = arith.constant 0 : i32
    return %c0_i32, %c0_i32_0 : i32, i32
  }
  func.func @transform_12(%arg0: i32) -> (i32, i32) {
    %c0_i32 = arith.constant 0 : i32
    %c0_i32_0 = arith.constant 0 : i32
    %c0_i32_1 = arith.constant 0 : i32
    return %c0_i32, %c0_i32_0 : i32, i32
  }
  func.func @transform_13(%arg0: i32) -> (i32, i32) {
    %c0_i32 = arith.constant 0 : i32
    %c0_i32_0 = arith.constant 0 : i32
    %c0_i32_1 = arith.constant 0 : i32
    return %c0_i32, %c0_i32_0 : i32, i32
  }
  func.func @transform_14(%arg0: i32) -> (i32, i32) {
    %c0_i32 = arith.constant 0 : i32
    %c0_i32_0 = arith.constant 0 : i32
    %c0_i32_1 = arith.constant 0 : i32
    return %c0_i32, %c0_i32_0 : i32, i32
  }
  func.func @transform_15(%arg0: i32) -> (i32, i32) {
    %c0_i32 = arith.constant 0 : i32
    %c0_i32_0 = arith.constant 0 : i32
    %c0_i32_1 = arith.constant 0 : i32
    return %c0_i32, %c0_i32_0 : i32, i32
  }
  func.func @transform_16(%arg0: i32) -> (i32, i32) {
    %c0_i32 = arith.constant 0 : i32
    %c0_i32_0 = arith.constant 0 : i32
    %c0_i32_1 = arith.constant 0 : i32
    return %c0_i32, %c0_i32_0 : i32, i32
  }
  func.func @transform_17(%arg0: i32) -> (i32, i32) {
    %c0_i32 = arith.constant 0 : i32
    %c0_i32_0 = arith.constant 0 : i32
    %c0_i32_1 = arith.constant 0 : i32
    return %c0_i32, %c0_i32_0 : i32, i32
  }
  func.func @transform_18(%arg0: i32) -> (i32, i32) {
    %c0_i32 = arith.constant 0 : i32
    %c0_i32_0 = arith.constant 0 : i32
    %c0_i32_1 = arith.constant 0 : i32
    return %c0_i32, %c0_i32_0 : i32, i32
  }
  func.func @transform_19(%arg0: i32) -> (i32, i32) {
    %c0_i32 = arith.constant 0 : i32
    %c0_i32_0 = arith.constant 0 : i32
    %c0_i32_1 = arith.constant 0 : i32
    return %c0_i32, %c0_i32_0 : i32, i32
  }
  func.func @transform_20(%arg0: i32) -> (i32, i32) {
    %c0_i32 = arith.constant 0 : i32
    %c0_i32_0 = arith.constant 0 : i32
    return %arg0, %c0_i32 : i32, i32
  }
}

</mosaic_0001>

<sc_bundles>
// kernel: kernel.10.cloned.1.call-start
scs
__scs_entry_jumppad:
0x0: {  	(pc) =	sbr.rel $0x88, $3  }
0x1: {  	(tag) =	ssettag $0x0;
	lr =	simm.s32 $0x1  }
0x2: {  	[smem:$0x3F89] =	sst lr;
	_ =	strace $0xD0000000  }
0x3: {  	_ = 	snop  }
0x4: {  	_ = 	snop  }
0x5: {  	_ = 	snop  }
0x6: {  	_ = 	snop  }
0x7: {  	_ = 	snop  }
__scs_overlays_trampoline_lowered:
0x8: {  	[smem:$0x3F98] =	sst s0  }
0x9: {  	[smem:$0x3F99] =	sst s1  }
0xa: {  	[smem:$0x3F9A] =	sst s2  }
0xb: {  	[smem:$0x3F9B] =	sst s3  }
0xc: {  	[smem:$0x3F9C] =	sst s4  }
0xd: {  	[smem:$0x3F9D] =	sst s5  }
0xe: {  	[smem:$0x3F9E] =	sst s6  }
0xf: {  	[smem:$0x3F9F] =	sst s7  }
0x10: {  	[smem:$0x3FA0] =	sst s8  }
0x11: {  	[smem:$0x3FA1] =	sst s9;
	s0 =	simm.s32 @!p0 $0x0  }
0x12: {  	s1 =	sld [smem:$0x3F87];
	s0 =	simm.s32 @p0 $0x1  }
0x13: {  	[smem:$0x3FA2] =	sst s0;
	s0 =	simm.s32 @!p1 $0x0  }
0x14: {  	s2 =	sld [smem:$0x3F86];
	s0 =	simm.s32 @p1 $0x1  }
0x15: {  	[smem:$0x3FA3] =	sst s0;
	s0 =	simm.s32 @!p2 $0x0  }
0x16: {  	s3 =	sld [smem:$0x3FDB];
	s0 =	simm.s32 @p2 $0x1  }
0x17: {  	s4 =	simm.s32 $0x1BF5;
	[smem:$0x3FA5] =	sst s0  }
0x18: {  	s0 =	sld [smem:$0x3F88];
	_ =	swait.ge [sflag:s4], $0x0  }
0x19: {  	s7 =	sld [smem:$0x3F89]  }
0x1a: {  	s8 =	sadd.s32 $0xFFFFE003, lr  }
0x1b: {  	s9 =	sadd.s32 $0xFFFFFEF7, lr;
	s5 =	simm.s32 $0xFFFFFFFF;
	p2 =	slt.u32 s8, $0xFFFFF086  }
0x1c: {  	p1 =	slt.u32 s9, $0xF7A;
	s5 =	simm.s32 @!p2 $0x0  }
0x1d: {  	s5 =	simm.s32 @p1 $0x1;
	p0 =	seq.s32 s7, s2  }
0x1e: {  	s7 =	smul.u32 @!p0 $0xF7A, s2;
	p2 =	seq.s32 @!p0 s5, $0x0  }
0x1f: {  	s9 =	smul.u32 $0xF7A, s1;
	s8 =	simm.s32 @!p0 $0x1BF5;
	p2 =	por !p2, p0  }
0x20: {  	[sflag:s8] =	ssyncset.s32 @!p0 $0xFFFFF086;
	s6 =	sadd.s32 @!p0 s3, s7;
	s7 =	simm.s32 @!p0 $0x108  }
0x21: {  	s3 =	sadd.s32 s3, s9;
	s6 =	sadd.s32 @!p0 $0x88, s6;
	s7 =	simm.s32 @p2 $0x1082  }
0x22: {  	[simem:s7], [sflag:s8] =	dma.local @!p0 [hbm:s6], $0xF7A  }
0x23: {  	s9 =	sor.u32 $0xD0000000, s2;
	s6 =	simm.s32 $0x108;
	_ =	swait.ge @!p0 [sflag:s8], $0x0  }
0x24: {  	s3 =	sadd.s32 $0x88, s3;
	s6 =	simm.s32 @!p1 $0x1082;
	[sflag:s4] =	ssyncset.s32 $0xFFFFF086  }
0x25: {  	[simem:s6], [sflag:s4] =	dma.local [hbm:s3], $0xF7A  }
0x26: {  	[smem:$0x3F89] =	sst s1;
	(tag) =	ssettag s2;
	_ =	strace s9  }
0x27: {  	s1 =	sld [smem:$0x3F99]  }
0x28: {  	s2 =	sld [smem:$0x3F9A]  }
0x29: {  	s4 =	sld [smem:$0x3F9C]  }
0x2a: {  	p0 =	seq.s32 s5, $0x0;
	s5 =	sld [smem:$0x3F9D]  }
0x2b: {  	s6 =	sld [smem:$0x3F9E]  }
0x2c: {  	s7 =	sld [smem:$0x3F9F]  }
0x2d: {  	s3 =	simm.s32 $0x108;
	s8 =	sld [smem:$0x3FA0]  }
0x2e: {  	s3 =	simm.s32 @!p0 $0x1082;
	s9 =	sld [smem:$0x3FA1]  }
0x2f: {  	lr =	sadd.s32 s0, s3;
	s0 =	sld [smem:$0x3F98]  }
0x30: {  	s3 =	sld [smem:$0x3F9B]  }
0x31: {  	[smem:$0x3FA4] =	sst s10  }
0x32: {  	s10 =	sld [smem:$0x3FA2];
	_ =	sdelay $0x3  }
0x33: {  	p0 =	seq.s32 s10, $0x1;
	s10 =	sld [smem:$0x3FA4];
	_ =	sdelay $0x3  }
0x34: {  	[smem:$0x3FA4] =	sst s10  }
0x35: {  	s10 =	sld [smem:$0x3FA3];
	_ =	sdelay $0x3  }
0x36: {  	p1 =	seq.s32 s10, $0x1;
	s10 =	sld [smem:$0x3FA4];
	_ =	sdelay $0x3  }
0x37: {  	[smem:$0x3FA4] =	sst s10  }
0x38: {  	s10 =	sld [smem:$0x3FA5]  }
0x39: {  	_ = 	snop;
	(pc) =	sbr.ind lr, $3  }
0x3a: {  	_ = 	snop  }
0x3b: {  	_ = 	snop  }
0x3c: {  	p2 =	seq.s32 s10, $0x1;
	s10 =	sld [smem:$0x3FA4]  }
0x3d: {  	_ =	shalt  }
0x3e: {  	_ =	shalt  }
0x3f: {  	_ =	shalt  }
0x40: {  	_ =	shalt  }
0x41: {  	_ =	shalt  }
0x42: {  	_ =	shalt  }
0x43: {  	_ =	shalt  }
0x44: {  	_ =	shalt  }
0x45: {  	_ =	shalt  }
0x46: {  	_ =	shalt  }
0x47: {  	_ =	shalt  }
0x48: {  	_ =	shalt  }
0x49: {  	_ =	shalt  }
0x4a: {  	_ =	shalt  }
0x4b: {  	_ =	shalt  }
0x4c: {  	_ =	shalt  }
0x4d: {  	_ =	shalt  }
0x4e: {  	_ =	shalt  }
0x4f: {  	_ =	shalt  }
0x50: {  	_ =	shalt  }
0x51: {  	_ =	shalt  }
0x52: {  	_ =	shalt  }
0x53: {  	_ =	shalt  }
0x54: {  	_ =	shalt  }
0x55: {  	_ =	shalt  }
0x56: {  	_ =	shalt  }
0x57: {  	_ =	shalt  }
0x58: {  	_ =	shalt  }
0x59: {  	_ =	shalt  }
0x5a: {  	_ =	shalt  }
0x5b: {  	_ =	shalt  }
0x5c: {  	_ =	shalt  }
0x5d: {  	_ =	shalt  }
0x5e: {  	_ =	shalt  }
0x5f: {  	_ =	shalt  }
0x60: {  	_ =	shalt  }
0x61: {  	_ =	shalt  }
0x62: {  	_ =	shalt  }
0x63: {  	_ =	shalt  }
0x64: {  	_ =	shalt  }
0x65: {  	_ =	shalt  }
0x66: {  	_ =	shalt  }
0x67: {  	_ =	shalt  }
0x68: {  	_ =	shalt  }
0x69: {  	_ =	shalt  }
0x6a: {  	_ =	shalt  }
0x6b: {  	_ =	shalt  }
0x6c: {  	_ =	shalt  }
0x6d: {  	_ =	shalt  }
0x6e: {  	_ =	shalt  }
0x6f: {  	_ =	shalt  }
0x70: {  	_ =	shalt  }
0x71: {  	_ =	shalt  }
0x72: {  	_ =	shalt  }
0x73: {  	_ =	shalt  }
0x74: {  	_ =	shalt  }
0x75: {  	_ =	shalt  }
0x76: {  	_ =	shalt  }
0x77: {  	_ =	shalt  }
0x78: {  	_ =	shalt  }
0x79: {  	_ =	shalt  }
0x7a: {  	_ =	shalt  }
0x7b: {  	_ =	shalt  }
0x7c: {  	_ =	shalt  }
0x7d: {  	_ =	shalt  }
0x7e: {  	_ =	shalt  }
0x7f: {  	_ =	shalt  }
0x80: {  	_ =	shalt  }
0x81: {  	_ =	shalt  }
0x82: {  	_ =	shalt  }
0x83: {  	_ =	shalt  }
0x84: {  	_ =	shalt  }
0x85: {  	_ =	shalt  }
0x86: {  	_ =	shalt  }
0x87: {  	_ =	shalt  }
.Lfunc_end0:
.L_simem_size_0:
called_computation_lowered:
.L_overlay_start_0:
0x88: {  	s2 =	sld [smem:$0x3FD9]  }
0x89: {  	s3 =	sld [smem:$0x3FFE];
	_ =	sdelay $0x1  }
0x8a: {  	s1 =	srdreg.scid  }
0x8b: {  	s0 =	sand.u32 $0x1, s1  }
0x8c: {  	s16 =	sshll.u32 s0, $0xA;
	s2 =	sadd.s32 s3, s2  }
0x8d: {  	s2 =	sadd.s32 s2, s16  }
0x8e: {  	[smem:$0x3FB0] =	sst s2  }
0x8f: {  	_ = 	snop  }
0x90: {  	(tm) =	ssettm $0x1  }
0x91: {  	s17 =	sld [smem:$0x3FFB];
	_ =	sdelay $0x3  }
0x92: {  	_ =	strace s17  }
0x93: {  	s2 =	sld [smem:$0x3FFC];
	_ =	sdelay $0x3  }
0x94: {  	_ =	strace s2  }
0x95: {  	s2 =	sld [smem:$0x3FFD];
	_ =	sdelay $0x3  }
0x96: {  	_ =	strace s2  }
0x97: {  	_ =	strace $0x8FFFFFFF  }
0x98: {  	s18 =	sld [smem:$0x3FDB];
	_ =	sdelay $0x1  }
0x99: {  	s19 =	simm.s32 $_scs_section_size  }
0x9a: {  	s4 =	simm.s32 $_size__tile_overlayer_lowered;
	s5 =	simm.s32 $_tile_overlayer_lowered  }
0x9b: {  	s22 =	simm.s32 $0x1BFF;
	s21 =	sshll.u32 s5, $0x1;
	s2 =	sadd.s32 s19, s18  }
0x9c: {  	s6 =	simm.s32 $0x0;
	s20 =	sshll.u32 s4, $0x1;
	s4 =	sadd.s32 s21, s2  }
0x9d: {  	[timem:s6], [sflag:s22] =	dma.local [hbm:s4], s20  }
0x9e: {  	_ =	swait.ge [sflag:s22], s20  }
0x9f: {  	s3 =	ssub.s32 $0x0, s20;
	[sflag:s22] =	ssyncset.done $0x0  }
0xa0: {  	[sflag:s22] =	ssyncadd.s32 s3;
	_ =	sdelay $0x1  }
0xa1: {  	s23 =	simm.s32 $0x1B8B  }
0xa2: {  	_ =	swait.ge [sflag:s23], $0x1  }
0xa3: {  	[sflag:s23] =	ssyncset.done $0x0  }
0xa4: {  	s25 =	simm.s32 $0x1B8E;
	s24 =	sld [smem:$0x3FFE];
	[sflag:s23] =	ssyncadd.s32 $0xFFFFFFFF  }
0xa5: {  	s26 =	simm.s32 $execute0_lowered;
	[smem:$0x3FD2] =	sst s25  }
0xa6: {  	s4 =	sshll.u32 s26, $0x1;
	_ =	strace $0x80000046;
	[dreg:$0x1] =	wrdreg $0xFFFFFFFF  }
0xa7: {  	s28 =	simm.s32 $_size_execute0_lowered;
	s2 =	sadd.s32 s2, s4;
	[dreg:$0x0] =	wrdreg $0x0  }
0xa8: {  	s4 =	sshll.u32 s28, $0x1;
	[dreg:$0x2] =	wrdreg s2  }
0xa9: {  	[dreg:$0x3] =	wrdreg s4  }
0xaa: {  	[dreg:$0x4] =	wrdreg $0xC0  }
0xab: {  	_ =	task [dreg:s6], $0x5FFFF  }
0xac: {  	[dreg:$0x1] =	wrdreg $0xFFFFFFFF  }
0xad: {  	[dreg:$0x0] =	wrdreg $0x60  }
0xae: {  	[dreg:$0x2] =	wrdreg s24  }
0xaf: {  	[dreg:$0x3] =	wrdreg $0xA  }
0xb0: {  	_ =	task.clear_ibuf [dreg:s6], $0x4FFFF;
	_ =	strace $0x90000046  }
0xb1: {  	s29 =	simm.s32 $0xA;
	_ =	strace $0x80000048  }
0xb2: {  	_ =	swait.ge [sflag:s29], $0x1  }
0xb3: {  	[sflag:s29] =	ssyncadd.s32 $0xFFFFFFFF  }
0xb4: {  	_ =	strace $0x90000048  }
0xb5: {  	_ =	sfence  }
0xb6: {  	s30 =	sld [smem:$0x0];
	_ =	sdelay $0x2  }
0xb7: {  	s31 =	sshll.u32 s1, $0xD;
	s1 =	sshrl.u32 s1, $0x2  }
0xb8: {  	s3 =	sand.u32 $0x4000, s31;
	s1 =	sadd.s32 s1, s30  }
0xb9: {  	s0 =	sor.u32 s3, s0;
	s1 =	sshll.u32 s1, $0x11  }
0xba: {  	s0 =	sor.u32 s1, s0  }
0xbb: {  	s0 =	sadd.s32 $0x8F2B, s0  }
0xbc: {  	[sflag:s0] =	ssyncadd.remote.s32 $0x1  }
0xbd: {  	_ =	sfence.sel $0xFFFF  }
0xbe: {  	[dreg:$0x0] =	wrdreg $0xFFFFFFFF;
	(pc) =	sbr.abs _section_cstart, $3  }
0xbf: {  	[dreg:$0x1] =	wrdreg $0xFFFFFFFF  }
0xc0: {  	_ =	task.clear_ibuf [dreg:s6], $0x2FFFF;
	_ =	strace $0x9FFFFFFF  }
0xc1: {  	(tm) =	ssettm $0x7FFFFFFF  }
tec
execute0_lowered:
.L_overlay_start_1:
0x0: {  	(tag) =	ssettag $0x1  }
0x1: {  	s8 =	rddreg [dreg:$0x0]  }
0x2: {  	s0 =	rddreg [dreg:$0x1]  }
0x3: {  	s1 =	simm.s32 $0x0;
	s2 =	srdreg.scid;
	s12 =	simm.s32 $0x50  }
0x4: {  	s13 =	simm.s32 $0x1;
	s14 =	simm.s32 $0x2;
	s15 =	simm.s32 $0x10  }
0x5: {  	s16 =	simm.s32 $0x20;
	s17 =	simm.s32 $0xFA0;
	s18 =	simm.s32 $0x8CA0  }
0x6: {  	[smem:$0x7FF] =	sst s1;
	s3 =	sadd.s32 $0x17A00, s8;
	s7 =	sand.u32 $0x1, s2  }
0x7: {  	s4 =	sadd.s32 $0xDC00, s8;
	s2 =	stileid.u32;
	s5 =	sadd.s32 $0x3E00, s8  }
0x8: {  	s6 =	sadd.s32 $0x1CA00, s8;
	s8 =	sadd.s32 $0x1CA02, s8;
	s9 =	ssub.s32 $0x2, s7  }
0x9: {  	_ =	strace $0x80000047;
	s11 =	sshll.u32 s2, $0x1;
	s10 =	sshrl.u32 s9, $0x1  }
0xa: {  	s7 =	sor.u32 s7, s11;
	s11 =	simm.s32 $0x7D0;
	s9 =	ssub.s32 s9, s10  }
0xb: {  	s7 =	smul.u32 $0x2710, s7;
	s10 =	simm.s32 $0x3;
	s9 =	smax.u32 s9, $0x1  }
.LBB2_1:
0xc: {  	s19 =	simm.s32 $0x0  }
.LBB2_2:
0xd: {  	s20 =	smul.u32 $0x7D0, s19;
	_ =	sdelay $0x1  }
0xe: {  	s20 =	sadd.s32 s7, s20  }
0xf: {  	s21 =	sshrl.u32 s20, $0x3  }
0x10: {  	s23 =	simm.s32 $0x0;
	s22 =	sadd.s32 s4, s21  }
0x11: {  	[tilespmem:s23], [sflag:$0x3] =	stream.linear.gather [hbm4b:s22+s23], $0x7D0, $0x38;
	[tilespmem:$0x109A0] =	vst v63  }
0x12: {  	_ =	swait.ge [sflag:s10], $0x7D0  }
0x13: {  	[sflag:s10] =	ssyncset.done $0x0  }
0x14: {  	s21 =	sadd.s32 s5, s21;
	[sflag:s10] =	ssyncadd.s32 $0xFFFFF830  }
0x15: {  	[tilespmem:s11], [sflag:$0x3] =	stream.linear.gather [hbm4b:s21+s23], $0x7D0, $0x38;
	[tilespmem:$0x109A0] =	vst v63  }
0x16: {  	_ =	swait.ge [sflag:s10], $0x7D0  }
0x17: {  	s29 =	simm.s32 $0xFA0;
	[sflag:s10] =	ssyncset.done $0x0  }
0x18: {  	s30 =	simm.s32 $0x0;
	s31 =	simm.s32 $0x7D0;
	[sflag:s10] =	ssyncadd.s32 $0xFFFFF830  }
0x19: {  	[tilespmem:s29], [sflag:$0x1] =	stream.indirect.gather [hbm4b:s3+s12], $0x10, s30, s12, $0xb8;
	[tilespmem:$0x109A0] =	vst v63  }
0x1a: {  	s22 =	simm.s32 $0x140;
	s21 =	simm.s32 $0x8CA0;
	s23 =	simm.s32 $0x14A0  }
0x1b: {  	[tilespmem:s21], [sflag:$0x2] =	stream.indirect.gather [hbm4b:s3+s12], $0x10, s31, s12, $0xb8;
	[tilespmem:$0x109A0] =	vst v63  }
.LBB2_3:
0x1c: {  	s24 =	sshra.s32 s22, $0x2;
	p0 =	sne.s32 s22, $0x1E00;
	s22 =	sadd.s32 $0x140, s22  }
0x1d: {  	[tilespmem:s23], [sflag:$0x1] =	stream.indirect.gather [hbm4b:s3+s12], $0x10, s24, s12, $0xb8;
	[tilespmem:$0x109A0] =	vst v63  }
.Ltmp0:
0x1e: {  	_ = 	snop;
	(pc) =	sbr.rel @p0 .LBB2_3-.Ltmp0, $4  }
0x1f: {  	s21 =	sadd.s32 $0x500, s21;
	s24 =	sadd.s32 $0x7D0, s24  }
0x20: {  	[tilespmem:s21], [sflag:$0x2] =	stream.indirect.gather [hbm4b:s3+s12], $0x10, s24, s12, $0xb8;
	[tilespmem:$0x109A0] =	vst v63  }
0x21: {  	_ = 	snop  }
0x22: {  	s23 =	sadd.s32 $0x500, s23  }
0x23: {  	_ =	swait.ge [sflag:s13], $0x7D00  }
0x24: {  	[sflag:s13] =	ssyncset.done $0x0  }
0x25: {  	[sflag:s13] =	ssyncadd.s32 $0xFFFF8300  }
0x26: {  	_ =	swait.ge [sflag:s14], $0x7D00  }
0x27: {  	s20 =	sshll.u32 s20, $0x2;
	[sflag:s14] =	ssyncset.done $0x0  }
0x28: {  	s21 =	sadd.s32 s6, s20;
	[sflag:s14] =	ssyncadd.s32 $0xFFFF8300  }
0x29: {  	[hbm4b:s21+s15] =	stream.strided.scatter [tilespmem:s17], [sflag:$0x3], $0x7D00, s16, s15, $0x38;
	[tilespmem:$0x109A0] =	vst v63  }
0x2a: {  	s19 =	sadd.s32 $0x1, s19;
	_ =	swait.ge [sflag:s10], $0x7D00  }
0x2b: {  	p0 =	sne.s32 s19, $0x5;
	[sflag:s10] =	ssyncset.done $0x0  }
.Ltmp1:
0x2c: {  	s20 =	sadd.s32 s20, s8;
	[sflag:s10] =	ssyncadd.s32 $0xFFFF8300;
	(pc) =	sbr.rel @p0 .LBB2_2-.Ltmp1, $4  }
0x2d: {  	[hbm4b:s20+s15] =	stream.strided.scatter [tilespmem:s18], [sflag:$0x3], $0x7D00, s16, s15, $0x38;
	[tilespmem:$0x109A0] =	vst v63  }
0x2e: {  	_ =	swait.ge [sflag:s10], $0x7D00  }
0x2f: {  	[sflag:s10] =	ssyncset.done $0x0  }
0x30: {  	[sflag:s10] =	ssyncadd.s32 $0xFFFF8300  }
0x31: {  	s1 =	sadd.s32 $0x1, s1  }
0x32: {  	p0 =	sne.s32 s1, s9  }
.Ltmp2:
0x33: {  	_ = 	snop;
	(pc) =	sbr.rel @p0 .LBB2_1-.Ltmp2, $1  }
0x34: {  	_ =	sdelay $0x3  }
0x35: {  	_ =	sfence.sel $0x180000  }
0x36: {  	[bflag:$0x0] =	sbarrier.arrive $0xFFFF  }
0x37: {  	p0 =	sne.s32 s2, $0x0;
	_ =	strace $0x90000047  }
0x38: {  	s0 =	sadd.s32 @!p0 $0x100000, s0;
	[bflag:$0x2] =	sbarrier.arrive $0xFFFF  }
0x39: {  	[sflag:s0] =	ssyncadd.tile.s32 @!p0 $0x1;
	_ =	shalt  }
.Lfunc_end2:
_tile_overlayer_lowered:
.L_overlay_start_2:
0x3a: {  	(tag) =	ssettag $0x2  }
0x3b: {  	s0 =	rddreg [dreg:$0x0];
	s2 =	stileid.u32  }
0x3c: {  	s1 =	rddreg [dreg:$0x1];
	p0 =	sne.s32 s2, $0x0  }
0x3d: {  	s3 =	rddreg [dreg:$0x2];
	[bflag:$0x3] =	sbarrier.arrive $0xFFFF;
	s2 =	simm.s32 @!p0 $0x1C03  }
0x3e: {  	[timem:s3], [sflag:s2] =	dma.local @!p0 [hbm:s0], s1  }
0x3f: {  	s0 =	simm.s32 @!p0 $0x3  }
0x40: {  	_ =	swait.ge @!p0 [sflag:s0], s1  }
0x41: {  	s1 =	ssub.s32 @!p0 $0x0, s1;
	[sflag:s0] =	ssyncset.done @!p0 $0x0  }
0x42: {  	[sflag:s0] =	ssyncadd.s32 @!p0 s1  }
0x43: {  	[bflag:$0x3] =	sbarrier.arrive $0xFFFF  }
0x44: {  	_ =	shalt  }

// kernel: kernel.13.cloned.1.call-start
scs
__scs_entry_jumppad:
0x0: {  	(pc) =	sbr.rel $0x88, $3  }
0x1: {  	(tag) =	ssettag $0x0;
	lr =	simm.s32 $0x1  }
0x2: {  	[smem:$0x3F89] =	sst lr;
	_ =	strace $0xD0000000  }
0x3: {  	_ = 	snop  }
0x4: {  	_ = 	snop  }
0x5: {  	_ = 	snop  }
0x6: {  	_ = 	snop  }
0x7: {  	_ = 	snop  }
__scs_overlays_trampoline_lowered:
0x8: {  	[smem:$0x3F98] =	sst s0  }
0x9: {  	[smem:$0x3F99] =	sst s1  }
0xa: {  	[smem:$0x3F9A] =	sst s2  }
0xb: {  	[smem:$0x3F9B] =	sst s3  }
0xc: {  	[smem:$0x3F9C] =	sst s4  }
0xd: {  	[smem:$0x3F9D] =	sst s5  }
0xe: {  	[smem:$0x3F9E] =	sst s6  }
0xf: {  	[smem:$0x3F9F] =	sst s7  }
0x10: {  	[smem:$0x3FA0] =	sst s8  }
0x11: {  	[smem:$0x3FA1] =	sst s9;
	s0 =	simm.s32 @!p0 $0x0  }
0x12: {  	s1 =	sld [smem:$0x3F87];
	s0 =	simm.s32 @p0 $0x1  }
0x13: {  	[smem:$0x3FA2] =	sst s0;
	s0 =	simm.s32 @!p1 $0x0  }
0x14: {  	s2 =	sld [smem:$0x3F86];
	s0 =	simm.s32 @p1 $0x1  }
0x15: {  	[smem:$0x3FA3] =	sst s0;
	s0 =	simm.s32 @!p2 $0x0  }
0x16: {  	s3 =	sld [smem:$0x3FDB];
	s0 =	simm.s32 @p2 $0x1  }
0x17: {  	s4 =	simm.s32 $0x1BF5;
	[smem:$0x3FA5] =	sst s0  }
0x18: {  	s0 =	sld [smem:$0x3F88];
	_ =	swait.ge [sflag:s4], $0x0  }
0x19: {  	s7 =	sld [smem:$0x3F89]  }
0x1a: {  	s8 =	sadd.s32 $0xFFFFE003, lr  }
0x1b: {  	s9 =	sadd.s32 $0xFFFFFEF7, lr;
	s5 =	simm.s32 $0xFFFFFFFF;
	p2 =	slt.u32 s8, $0xFFFFF086  }
0x1c: {  	p1 =	slt.u32 s9, $0xF7A;
	s5 =	simm.s32 @!p2 $0x0  }
0x1d: {  	s5 =	simm.s32 @p1 $0x1;
	p0 =	seq.s32 s7, s2  }
0x1e: {  	s7 =	smul.u32 @!p0 $0xF7A, s2;
	p2 =	seq.s32 @!p0 s5, $0x0  }
0x1f: {  	s9 =	smul.u32 $0xF7A, s1;
	s8 =	simm.s32 @!p0 $0x1BF5;
	p2 =	por !p2, p0  }
0x20: {  	[sflag:s8] =	ssyncset.s32 @!p0 $0xFFFFF086;
	s6 =	sadd.s32 @!p0 s3, s7;
	s7 =	simm.s32 @!p0 $0x108  }
0x21: {  	s3 =	sadd.s32 s3, s9;
	s6 =	sadd.s32 @!p0 $0x88, s6;
	s7 =	simm.s32 @p2 $0x1082  }
0x22: {  	[simem:s7], [sflag:s8] =	dma.local @!p0 [hbm:s6], $0xF7A  }
0x23: {  	s9 =	sor.u32 $0xD0000000, s2;
	s6 =	simm.s32 $0x108;
	_ =	swait.ge @!p0 [sflag:s8], $0x0  }
0x24: {  	s3 =	sadd.s32 $0x88, s3;
	s6 =	simm.s32 @!p1 $0x1082;
	[sflag:s4] =	ssyncset.s32 $0xFFFFF086  }
0x25: {  	[simem:s6], [sflag:s4] =	dma.local [hbm:s3], $0xF7A  }
0x26: {  	[smem:$0x3F89] =	sst s1;
	(tag) =	ssettag s2;
	_ =	strace s9  }
0x27: {  	s1 =	sld [smem:$0x3F99]  }
0x28: {  	s2 =	sld [smem:$0x3F9A]  }
0x29: {  	s4 =	sld [smem:$0x3F9C]  }
0x2a: {  	p0 =	seq.s32 s5, $0x0;
	s5 =	sld [smem:$0x3F9D]  }
0x2b: {  	s6 =	sld [smem:$0x3F9E]  }
0x2c: {  	s7 =	sld [smem:$0x3F9F]  }
0x2d: {  	s3 =	simm.s32 $0x108;
	s8 =	sld [smem:$0x3FA0]  }
0x2e: {  	s3 =	simm.s32 @!p0 $0x1082;
	s9 =	sld [smem:$0x3FA1]  }
0x2f: {  	lr =	sadd.s32 s0, s3;
	s0 =	sld [smem:$0x3F98]  }
0x30: {  	s3 =	sld [smem:$0x3F9B]  }
0x31: {  	[smem:$0x3FA4] =	sst s10  }
0x32: {  	s10 =	sld [smem:$0x3FA2];
	_ =	sdelay $0x3  }
0x33: {  	p0 =	seq.s32 s10, $0x1;
	s10 =	sld [smem:$0x3FA4];
	_ =	sdelay $0x3  }
0x34: {  	[smem:$0x3FA4] =	sst s10  }
0x35: {  	s10 =	sld [smem:$0x3FA3];
	_ =	sdelay $0x3  }
0x36: {  	p1 =	seq.s32 s10, $0x1;
	s10 =	sld [smem:$0x3FA4];
	_ =	sdelay $0x3  }
0x37: {  	[smem:$0x3FA4] =	sst s10  }
0x38: {  	s10 =	sld [smem:$0x3FA5]  }
0x39: {  	_ = 	snop;
	(pc) =	sbr.ind lr, $3  }
0x3a: {  	_ = 	snop  }
0x3b: {  	_ = 	snop  }
0x3c: {  	p2 =	seq.s32 s10, $0x1;
	s10 =	sld [smem:$0x3FA4]  }
0x3d: {  	_ =	shalt  }
0x3e: {  	_ =	shalt  }
0x3f: {  	_ =	shalt  }
0x40: {  	_ =	shalt  }
0x41: {  	_ =	shalt  }
0x42: {  	_ =	shalt  }
0x43: {  	_ =	shalt  }
0x44: {  	_ =	shalt  }
0x45: {  	_ =	shalt  }
0x46: {  	_ =	shalt  }
0x47: {  	_ =	shalt  }
0x48: {  	_ =	shalt  }
0x49: {  	_ =	shalt  }
0x4a: {  	_ =	shalt  }
0x4b: {  	_ =	shalt  }
0x4c: {  	_ =	shalt  }
0x4d: {  	_ =	shalt  }
0x4e: {  	_ =	shalt  }
0x4f: {  	_ =	shalt  }
0x50: {  	_ =	shalt  }
0x51: {  	_ =	shalt  }
0x52: {  	_ =	shalt  }
0x53: {  	_ =	shalt  }
0x54: {  	_ =	shalt  }
0x55: {  	_ =	shalt  }
0x56: {  	_ =	shalt  }
0x57: {  	_ =	shalt  }
0x58: {  	_ =	shalt  }
0x59: {  	_ =	shalt  }
0x5a: {  	_ =	shalt  }
0x5b: {  	_ =	shalt  }
0x5c: {  	_ =	shalt  }
0x5d: {  	_ =	shalt  }
0x5e: {  	_ =	shalt  }
0x5f: {  	_ =	shalt  }
0x60: {  	_ =	shalt  }
0x61: {  	_ =	shalt  }
0x62: {  	_ =	shalt  }
0x63: {  	_ =	shalt  }
0x64: {  	_ =	shalt  }
0x65: {  	_ =	shalt  }
0x66: {  	_ =	shalt  }
0x67: {  	_ =	shalt  }
0x68: {  	_ =	shalt  }
0x69: {  	_ =	shalt  }
0x6a: {  	_ =	shalt  }
0x6b: {  	_ =	shalt  }
0x6c: {  	_ =	shalt  }
0x6d: {  	_ =	shalt  }
0x6e: {  	_ =	shalt  }
0x6f: {  	_ =	shalt  }
0x70: {  	_ =	shalt  }
0x71: {  	_ =	shalt  }
0x72: {  	_ =	shalt  }
0x73: {  	_ =	shalt  }
0x74: {  	_ =	shalt  }
0x75: {  	_ =	shalt  }
0x76: {  	_ =	shalt  }
0x77: {  	_ =	shalt  }
0x78: {  	_ =	shalt  }
0x79: {  	_ =	shalt  }
0x7a: {  	_ =	shalt  }
0x7b: {  	_ =	shalt  }
0x7c: {  	_ =	shalt  }
0x7d: {  	_ =	shalt  }
0x7e: {  	_ =	shalt  }
0x7f: {  	_ =	shalt  }
0x80: {  	_ =	shalt  }
0x81: {  	_ =	shalt  }
0x82: {  	_ =	shalt  }
0x83: {  	_ =	shalt  }
0x84: {  	_ =	shalt  }
0x85: {  	_ =	shalt  }
0x86: {  	_ =	shalt  }
0x87: {  	_ =	shalt  }
.Lfunc_end0:
.L_simem_size_0:
called_computation.1_lowered:
.L_overlay_start_0:
0x88: {  	s2 =	sld [smem:$0x3FD9]  }
0x89: {  	s3 =	sld [smem:$0x3FFE];
	_ =	sdelay $0x1  }
0x8a: {  	s1 =	srdreg.scid  }
0x8b: {  	s0 =	sand.u32 $0x1, s1  }
0x8c: {  	s17 =	sshll.u32 s0, $0xA;
	s2 =	sadd.s32 s3, s2  }
0x8d: {  	s2 =	sadd.s32 s2, s17  }
0x8e: {  	[smem:$0x3FB0] =	sst s2  }
0x8f: {  	_ = 	snop  }
0x90: {  	s18 =	sld [smem:$0x3FD0];
	(tm) =	ssettm $0x1  }
0x91: {  	s19 =	sld [smem:$0x3FFB];
	_ =	sdelay $0x3  }
0x92: {  	_ =	strace s19  }
0x93: {  	s2 =	sld [smem:$0x3FFC];
	_ =	sdelay $0x3  }
0x94: {  	_ =	strace s2  }
0x95: {  	s2 =	sld [smem:$0x3FFD];
	_ =	sdelay $0x3  }
0x96: {  	_ =	strace s2  }
0x97: {  	_ =	strace $0x8FFFFFFF  }
0x98: {  	s20 =	sld [smem:$0x3FDB];
	_ =	sdelay $0x1  }
0x99: {  	s4 =	simm.s32 $_scs_section_size  }
0x9a: {  	s5 =	simm.s32 $_size__tile_overlayer_lowered;
	s6 =	simm.s32 $_tile_overlayer_lowered  }
0x9b: {  	s7 =	simm.s32 $0x1BFF;
	s21 =	sshll.u32 s6, $0x1;
	s4 =	sadd.s32 s4, s20  }
0x9c: {  	s22 =	simm.s32 $0x0;
	s5 =	sshll.u32 s5, $0x1;
	s6 =	sadd.s32 s21, s4  }
0x9d: {  	[timem:s22], [sflag:s7] =	dma.local [hbm:s6], s5  }
0x9e: {  	_ =	swait.ge [sflag:s7], s5  }
0x9f: {  	s5 =	ssub.s32 $0x0, s5;
	[sflag:s7] =	ssyncset.done $0x0  }
0xa0: {  	[sflag:s7] =	ssyncadd.s32 s5;
	_ =	sdelay $0x1  }
0xa1: {  	s23 =	simm.s32 $0x1B8B  }
0xa2: {  	_ =	swait.ge [sflag:s23], $0x1  }
0xa3: {  	[sflag:s23] =	ssyncset.done $0x0  }
0xa4: {  	[sflag:s23] =	ssyncadd.s32 $0xFFFFFFFF  }
0xa5: {  	s5 =	sld [smem:$0x0]  }
0xa6: {  	s6 =	sand.u32 $0xFFFFFFFE, s1  }
0xa7: {  	p0 =	sne.s32 s1, s6  }
0xa8: {  	s6 =	sshll.u32 @p0 s6, $0xE  }
0xa9: {  	s6 =	sadd.s32 @p0 $0x11B8D, s6;
	s7 =	sshll.u32 @p0 s5, $0x11  }
0xaa: {  	s6 =	sor.u32 @p0 s7, s6  }
0xab: {  	[sflag:s6] =	ssyncadd.remote.s32 @p0 $0x1;
	_ =	sdelay $0x1  }
0xac: {  	s6 =	simm.s32 @p0 $0x1B8D  }
0xad: {  	_ =	swait.eq @p0 [sflag:s6], $0x1  }
0xae: {  	[sflag:s6] =	ssyncadd.s32 @p0 $0xFFFFFFFF  }
0xaf: {  	s7 =	sshll.u32 @!p0 s1, $0xE  }
0xb0: {  	s7 =	sor.u32 @!p0 $0x4000, s7;
	s6 =	simm.s32 @!p0 $0x1B8D  }
0xb1: {  	s5 =	sshll.u32 @!p0 s5, $0x11;
	s7 =	sadd.s32 @!p0 $0x11B8D, s7;
	_ =	swait.eq @!p0 [sflag:s6], $0x1  }
0xb2: {  	s5 =	sor.u32 @!p0 s5, s7;
	[sflag:s6] =	ssyncadd.s32 @!p0 $0xFFFFFFFF  }
0xb3: {  	s25 =	simm.s32 $0x1B8E;
	s24 =	sld [smem:$0x3FFE];
	[sflag:s5] =	ssyncadd.remote.s32 @!p0 $0x1  }
0xb4: {  	s26 =	simm.s32 $execute0_lowered;
	[smem:$0x3FD2] =	sst s25  }
0xb5: {  	s6 =	sshll.u32 s26, $0x1;
	_ =	strace $0x80000049;
	[dreg:$0x1] =	wrdreg $0xFFFFFFFF  }
0xb6: {  	s28 =	simm.s32 $_size_execute0_lowered;
	s4 =	sadd.s32 s4, s6;
	[dreg:$0x0] =	wrdreg $0x0  }
0xb7: {  	s6 =	sshll.u32 s28, $0x1;
	[dreg:$0x2] =	wrdreg s4  }
0xb8: {  	[dreg:$0x3] =	wrdreg s6  }
0xb9: {  	[dreg:$0x4] =	wrdreg $0xC0  }
0xba: {  	_ =	task [dreg:s22], $0x5FFFF  }
0xbb: {  	[dreg:$0x1] =	wrdreg $0xFFFFFFFF  }
0xbc: {  	[dreg:$0x0] =	wrdreg $0x60  }
0xbd: {  	[dreg:$0x2] =	wrdreg s18  }
0xbe: {  	[dreg:$0x3] =	wrdreg s24  }
0xbf: {  	[dreg:$0x4] =	wrdreg $0xB5E00  }
0xc0: {  	[dreg:$0x5] =	wrdreg $0x1F5E00  }
0xc1: {  	[dreg:$0x6] =	wrdreg $0x9  }
0xc2: {  	_ =	task.clear_ibuf [dreg:s22], $0x7FFFF;
	_ =	strace $0x90000049  }
0xc3: {  	s29 =	simm.s32 $0x9;
	_ =	strace $0x8000004B  }
0xc4: {  	_ =	swait.ge [sflag:s29], $0x1  }
0xc5: {  	[sflag:s29] =	ssyncadd.s32 $0xFFFFFFFF  }
0xc6: {  	_ =	strace $0x9000004B  }
0xc7: {  	_ =	sfence  }
0xc8: {  	s30 =	sld [smem:$0x0];
	_ =	sdelay $0x2  }
0xc9: {  	s31 =	sshll.u32 s1, $0xD;
	s1 =	sshrl.u32 s1, $0x2  }
0xca: {  	s4 =	sand.u32 $0x4000, s31;
	s1 =	sadd.s32 s1, s30  }
0xcb: {  	s0 =	sor.u32 s4, s0;
	s1 =	sshll.u32 s1, $0x11  }
0xcc: {  	s0 =	sor.u32 s1, s0  }
0xcd: {  	s0 =	sadd.s32 $0x8F2B, s0  }
0xce: {  	[sflag:s0] =	ssyncadd.remote.s32 $0x1  }
0xcf: {  	_ =	sfence.sel $0xFFFF  }
0xd0: {  	[dreg:$0x0] =	wrdreg $0xFFFFFFFF;
	(pc) =	sbr.abs _section_cstart, $3  }
0xd1: {  	[dreg:$0x1] =	wrdreg $0xFFFFFFFF  }
0xd2: {  	_ =	task.clear_ibuf [dreg:s22], $0x2FFFF;
	_ =	strace $0x9FFFFFFF  }
0xd3: {  	(tm) =	ssettm $0x7FFFFFFF  }
tec
execute0_lowered:
.L_overlay_start_1:
0x0: {  	(tag) =	ssettag $0x1  }
0x1: {  	s1 =	rddreg [dreg:$0x0]  }
0x2: {  	s0 =	rddreg [dreg:$0x1]  }
0x3: {  	s2 =	rddreg [dreg:$0x2]  }
0x4: {  	s3 =	rddreg [dreg:$0x3];
	s4 =	simm.s32 $0x0  }
0x5: {  	s23 =	srdreg.scid;
	s10 =	stileid.u32;
	s18 =	simm.s32 $0x2  }
0x6: {  	s20 =	simm.s32 $0x2710;
	s21 =	simm.s32 $0x4E20;
	s22 =	simm.s32 $0x55F0  }
0x7: {  	s28 =	simm.s32 $0x0;
	s30 =	simm.s32 $0x0;
	[smem:$0x7FF] =	sst s4  }
0x8: {  	s4 =	sand.u32 $0x1, s23;
	s5 =	smul.u32 $0x14000, s10;
	s6 =	sadd.s32 $0x155800, s0  }
0x9: {  	s7 =	sadd.s32 $0x155200, s0;
	s25 =	smul.u32 $0x280, s10;
	s8 =	sadd.s32 $0xDC00, s0  }
0xa: {  	s9 =	sadd.s32 $0x3E00, s0;
	s15 =	sadd.s32 $0x155E00, s0;
	s14 =	sshll.u32 s10, $0x1  }
0xb: {  	s29 =	sshll.u32 s10, $0x6;
	_ =	strace $0x8000004A;
	[dreg:$0x5] =	wrdreg s6  }
0xc: {  	s23 =	simm.s32 $0x50;
	s24 =	smul.u32 $0x140000, s4;
	[dreg:$0x6] =	wrdreg s7  }
0xd: {  	s11 =	smul.u32 $0x2800, s4;
	s12 =	ssub.s32 $0x2, s4;
	s4 =	sor.u32 s4, s14  }
0xe: {  	s13 =	sshrl.u32 s12, $0x1;
	s26 =	sshrl.u32 s5, $0x3;
	s31 =	sadd.s32 s25, s3  }
0xf: {  	s6 =	sadd.s32 s5, s24;
	s11 =	sadd.s32 s25, s11;
	s16 =	ssub.s32 s12, s13  }
0x10: {  	s5 =	sadd.s32 s5, s2;
	s12 =	smov.u32 s15;
	s13 =	sor.u32 $0x1C02, s29  }
0x11: {  	s19 =	sshrl.u32 s31, $0x3;
	s24 =	simm.s32 $0x65E0;
	s25 =	simm.s32 $0x1  }
0x12: {  	s6 =	sshrl.u32 s6, $0x3;
	s11 =	sshrl.u32 s11, $0x3;
	s16 =	smax.u32 s16, $0x1  }
0x13: {  	s17 =	sshrl.u32 s5, $0x3;
	s6 =	sadd.s32 s6, s0;
	s0 =	sadd.s32 s11, s0  }
0x14: {  	s11 =	smul.u32 $0x2710, s4;
	s4 =	sadd.s32 s15, s26;
	s26 =	simm.s32 $0x6590  }
0x15: {  	[dreg:$0x7] =	wrdreg s4;
	s14 =	sadd.s32 $0x17E800, s6;
	s15 =	sadd.s32 $0x17DE00, s0  }
.LBB2_1:
0x16: {  	s0 =	rddreg [dreg:$0x7]  }
0x17: {  	[spmem:s17], [sflag:s13] =	dma.local [hbm:s0], $0x2800  }
0x18: {  	_ =	swait.ge [sflag:s18], $0x2800  }
0x19: {  	[sflag:s18] =	ssyncset.done $0x0  }
0x1a: {  	[sflag:s18] =	ssyncadd.s32 $0xFFFFD800  }
0x1b: {  	[spmem:s19], [sflag:s13] =	dma.local [hbm:s12], $0x50  }
0x1c: {  	_ =	swait.ge [sflag:s18], $0x50  }
0x1d: {  	[sflag:s18] =	ssyncset.done $0x0  }
0x1e: {  	s10 =	simm.s32 $0x0;
	s4 =	rddreg [dreg:$0x5];
	[sflag:s18] =	ssyncadd.s32 $0xFFFFFFB0  }
0x1f: {  	[tilespmem:s10], [sflag:$0x2] =	stream.linear.gather [hbm4b:s4+s10], $0x2710, $0x38;
	[tilespmem:$0x1F860] =	vst v63  }
0x20: {  	_ =	swait.ge [sflag:s18], $0x2710  }
0x21: {  	[sflag:s18] =	ssyncset.done $0x0  }
0x22: {  	s31 =	rddreg [dreg:$0x6];
	[sflag:s18] =	ssyncadd.s32 $0xFFFFD8F0  }
0x23: {  	[tilespmem:s20], [sflag:$0x2] =	stream.linear.gather [hbm4b:s31+s10], $0x2710, $0x38;
	[tilespmem:$0x1F860] =	vst v63  }
0x24: {  	_ =	swait.ge [sflag:s18], $0x2710  }
0x25: {  	[sflag:s18] =	ssyncset.done $0x0  }
0x26: {  	[sflag:s18] =	ssyncadd.s32 $0xFFFFD8F0  }
0x27: {  	s29 =	simm.s32 $0x0;
	[bflag:$0x0] =	sbarrier.arrive $0xFFFF  }
.LBB2_2:
0x28: {  	s0 =	smul.u32 $0x7D0, s29;
	_ =	sdelay $0x1  }
0x29: {  	s0 =	sadd.s32 s11, s0  }
0x2a: {  	s0 =	sshrl.u32 s0, $0x3  }
0x2b: {  	s5 =	simm.s32 $0x0;
	s4 =	sadd.s32 s8, s0  }
0x2c: {  	[tilespmem:s21], [sflag:$0x2] =	stream.linear.gather [hbm4b:s4+s5], $0x7D0, $0x38;
	[tilespmem:$0x1F860] =	vst v63  }
0x2d: {  	_ =	swait.ge [sflag:s18], $0x7D0  }
0x2e: {  	[sflag:s18] =	ssyncset.done $0x0  }
0x2f: {  	s0 =	sadd.s32 s9, s0;
	[sflag:s18] =	ssyncadd.s32 $0xFFFFF830  }
0x30: {  	[tilespmem:s22], [sflag:$0x2] =	stream.linear.gather [hbm4b:s0+s5], $0x7D0, $0x38;
	[tilespmem:$0x1F860] =	vst v63  }
0x31: {  	_ =	swait.ge [sflag:s18], $0x7D0  }
0x32: {  	[sflag:s18] =	ssyncset.done $0x0  }
0x33: {  	s0 =	simm.s32 $0x0;
	[sflag:s18] =	ssyncadd.s32 $0xFFFFF830  }
0x34: {  	v0 =	vld [tilespmem:s0+$0x5630]  }
0x35: {  	v1 =	vld [tilespmem:s0+$0x55F0]  }
0x36: {  	v2 =	vld [tilespmem:s0+$0x5600]  }
0x37: {  	v3 =	vld [tilespmem:s0+$0x5610]  }
0x38: {  	s4 =	simm.s32 $0x140;
	v4 =	vld [tilespmem:s0+$0x5620]  }
.LBB2_3:
0x39: {  	s5 =	sshra.s32 s4, $0x2;
	p0 =	sne.s32 s4, $0x1E00;
	s4 =	sadd.s32 $0x140, s4;
	[tilespmem:s0+$0x5E00] =	vst v0  }
.Ltmp0:
0x3a: {  	v0 =	vld [tilespmem:s5+$0x5630];
	[tilespmem:s0+$0x5DC0] =	vst v1;
	(pc) =	sbr.rel @p0 .LBB2_3-.Ltmp0, $4  }
0x3b: {  	v1 =	vld [tilespmem:s5+$0x55F0];
	[tilespmem:s0+$0x5DD0] =	vst v2  }
0x3c: {  	v2 =	vld [tilespmem:s5+$0x5600];
	[tilespmem:s0+$0x5DE0] =	vst v3  }
0x3d: {  	v3 =	vld [tilespmem:s5+$0x5610];
	[tilespmem:s0+$0x5DF0] =	vst v4;
	s0 =	smov.u32 s5  }
0x3e: {  	v4 =	vld [tilespmem:s0+$0x5620]  }
0x3f: {  	[tilespmem:s0+$0x5E00] =	vst v0  }
0x40: {  	[tilespmem:s0+$0x5DC0] =	vst v1  }
0x41: {  	[tilespmem:s0+$0x5DD0] =	vst v2  }
0x42: {  	[tilespmem:s0+$0x5DE0] =	vst v3  }
0x43: {  	p0 =	por $0x0, $0x0;
	s31 =	simm.s32 $0x0;
	[tilespmem:s0+$0x5DF0] =	vst v4  }
0x44: {  	[tilespmem:s24], [sflag:$0x1] =	stream.indirect.gather [hbm4b:s1+s23], $0x80, s21, s23, $0xb8;
	[tilespmem:$0x1F860] =	vst v63  }
.LBB2_5:
0x45: {  	s0 =	smov.u32 s31  }
0x46: {  	s5 =	sand.u32 $0x1, s31;
	p1 =	seq.s32 s31, $0x18;
	s31 =	sadd.s32 $0x1, s31  }
0x47: {  	s4 =	sxor.u32 @!p1 $0x1, s5;
	s6 =	smul.u32 @!p1 $0x140, s31  }
0x48: {  	_ =	swait.ge [sflag:s25], $0x2800;
	s4 =	smul.u32 @!p1 $0xA000, s4  }
0x49: {  	[sflag:s25] =	ssyncset.done $0x0;
	s7 =	simm.s32 @!p1 $0x50  }
0x4a: {  	s0 =	smul.u32 $0x50, s0;
	s6 =	sshra.s32 @!p1 s6, $0x2;
	s4 =	sshrl.u32 @!p1 s4, $0x2  }
0x4b: {  	[sflag:s25] =	ssyncadd.s32 $0xFFFFD800;
	s6 =	sadd.s32 @!p1 $0x4E20, s6;
	s4 =	sadd.s32 @!p1 $0x65E0, s4  }
0x4c: {  	[tilespmem:s4], [sflag:$0x1] =	stream.indirect.gather @!p1 [hbm4b:s1+s7], $0x80, s6, s7, $0xb8;
	[tilespmem:$0x1F860] =	vst v63  }
0x4d: {  	v0 =	vld [tilespmem:s0+$0x4E20]  }
0x4e: {  	v1 =	vld [tilespmem:s0+$0x55F0];
	_ =	sdelay $0x6  }
0x4f: {  	v0 =	vld.idx.msk [tilespmem:v0+s20+$0x0], $0xffff  }
0x50: {  	v1 =	vld.idx.msk [tilespmem:v1+s30+$0x0], $0xffff;
	_ =	sdelay $0x4  }
0x51: {  	v0 =	vadd.f32 v1, v0;
	_ =	sdelay $0x1  }
0x52: {  	v0 =	vmax.f32 v0, $0.0e+00  }
0x53: {  	v0 =	vmul.f32 $1.442695020e+00, v0;
	_ =	sdelay $0x1  }
0x54: {  	(erf) = vpow2.f32 v0;
	_ =	sdelay $0x8  }
0x55: {  	v0 =	vpop (erf)  }
0x56: {  	[tilespmem:$0x6590] =	vst v0  }
0x57: {  	v0 =	vld [tilespmem:s0+$0x4E30]  }
0x58: {  	v1 =	vld [tilespmem:s0+$0x5600];
	_ =	sdelay $0x6  }
0x59: {  	v0 =	vld.idx.msk [tilespmem:v0+s20+$0x0], $0xffff  }
0x5a: {  	v1 =	vld.idx.msk [tilespmem:v1+s30+$0x0], $0xffff;
	_ =	sdelay $0x4  }
0x5b: {  	v0 =	vadd.f32 v1, v0;
	_ =	sdelay $0x1  }
0x5c: {  	v0 =	vmax.f32 v0, $0.0e+00  }
0x5d: {  	v0 =	vmul.f32 $1.442695020e+00, v0;
	_ =	sdelay $0x1  }
0x5e: {  	(erf) = vpow2.f32 v0;
	_ =	sdelay $0x8  }
0x5f: {  	v0 =	vpop (erf)  }
0x60: {  	[tilespmem:$0x65A0] =	vst v0  }
0x61: {  	v0 =	vld [tilespmem:s0+$0x4E40]  }
0x62: {  	v1 =	vld [tilespmem:s0+$0x5610];
	_ =	sdelay $0x6  }
0x63: {  	v0 =	vld.idx.msk [tilespmem:v0+s20+$0x0], $0xffff  }
0x64: {  	v1 =	vld.idx.msk [tilespmem:v1+s30+$0x0], $0xffff;
	_ =	sdelay $0x4  }
0x65: {  	v0 =	vadd.f32 v1, v0;
	_ =	sdelay $0x1  }
0x66: {  	v0 =	vmax.f32 v0, $0.0e+00  }
0x67: {  	v0 =	vmul.f32 $1.442695020e+00, v0;
	_ =	sdelay $0x1  }
0x68: {  	(erf) = vpow2.f32 v0;
	_ =	sdelay $0x8  }
0x69: {  	v0 =	vpop (erf)  }
0x6a: {  	[tilespmem:$0x65B0] =	vst v0  }
0x6b: {  	v0 =	vld [tilespmem:s0+$0x4E50]  }
0x6c: {  	v1 =	vld [tilespmem:s0+$0x5620];
	_ =	sdelay $0x6  }
0x6d: {  	v0 =	vld.idx.msk [tilespmem:v0+s20+$0x0], $0xffff  }
0x6e: {  	v1 =	vld.idx.msk [tilespmem:v1+s30+$0x0], $0xffff;
	_ =	sdelay $0x4  }
0x6f: {  	v0 =	vadd.f32 v1, v0;
	_ =	sdelay $0x1  }
0x70: {  	v0 =	vmax.f32 v0, $0.0e+00  }
0x71: {  	v0 =	vmul.f32 $1.442695020e+00, v0;
	_ =	sdelay $0x1  }
0x72: {  	(erf) = vpow2.f32 v0;
	_ =	sdelay $0x8  }
0x73: {  	v0 =	vpop (erf)  }
0x74: {  	[tilespmem:$0x65C0] =	vst v0  }
0x75: {  	v0 =	vld [tilespmem:s0+$0x4E60]  }
0x76: {  	v1 =	vld [tilespmem:s0+$0x5630];
	_ =	sdelay $0x6  }
0x77: {  	v0 =	vld.idx.msk [tilespmem:v0+s20+$0x0], $0xffff  }
0x78: {  	v1 =	vld.idx.msk [tilespmem:v1+s30+$0x0], $0xffff;
	_ =	sdelay $0x4  }
0x79: {  	v0 =	vadd.f32 v1, v0;
	_ =	sdelay $0x1  }
0x7a: {  	v0 =	vmax.f32 v0, $0.0e+00  }
0x7b: {  	v0 =	vmul.f32 $1.442695020e+00, v0;
	_ =	sdelay $0x1  }
0x7c: {  	(erf) = vpow2.f32 v0;
	_ =	sdelay $0x4  }
0x7d: {  	s4 =	simm.s32 $0x1  }
0x7e: {  	s4 =	simm.s32 @!p0 $0x0  }
0x7f: {  	s4 =	smul.u32 $0xA000, s4;
	_ =	sdelay $0x1  }
0x80: {  	s4 =	sshrl.u32 s4, $0x2;
	v1 =	vmov s30;
	v0 =	vpop (erf)  }
0x81: {  	s7 =	sadd.s32 $0x6620, s4;
	[tilespmem:$0x65D0] =	vst v0  }
0x82: {  	v4 =	vld [tilespmem:s7+$0x30]  }
0x83: {  	v7 =	vld [tilespmem:s7+$0x10]  }
0x84: {  	v5 =	vld [tilespmem:s7+$0xFFFFFFC0]  }
0x85: {  	v1 =	vld.idx.msk [tilespmem:v1+s26+$0x0], $0xffff  }
0x86: {  	v9 =	vld [tilespmem:s7+$0xFFFFFFE0]  }
0x87: {  	v0 =	vld [tilespmem:s7+$0xFFFFFFF0]  }
0x88: {  	v2 =	vld [tilespmem:s7+$0x20]  }
0x89: {  	s10 =	smul.u32 $0xA000, s5;
	v3 =	vld [tilespmem:s7+$0xFFFFFFD0]  }
0x8a: {  	v8 =	vmul.f32 v4, v1;
	v4 =	vld [tilespmem:s7+$0x0]  }
0x8b: {  	s4 =	sshrl.u32 s10, $0x2;
	v6 =	vmul.f32 v5, v1  }
0x8c: {  	s6 =	simm.s32 $0x1;
	s5 =	sadd.s32 $0x65E0, s4;
	s4 =	smov.u32 s7;
	v5 =	vmul.f32 v9, v1;
	v7 =	vmul.f32 v7, v1  }
.LBB2_6:
0x8d: {  	p1 =	sne.s32 s6, $0x4F  }
0x8e: {  	v3 =	vmul.f32 v3, v1;
	v2 =	vmul.f32 v2, v1;
	[tilespmem:s7+$0x30] =	vst v8;
	s4 =	sadd.s32 $0x80, s4;
	s10 =	smov.u32 s6;
	s6 =	sadd.s32 $0x1, s6  }
0x8f: {  	[tilespmem:s7+$0xFFFFFFC0] =	vst v6;
	v6 =	vmul.f32 v0, v1;
	v1 =	vmul.f32 v4, v1  }
0x90: {  	[tilespmem:s7+$0x10] =	vst v7  }
0x91: {  	v4 =	vmov s10;
	[tilespmem:s7+$0xFFFFFFE0] =	vst v5  }
0x92: {  	v0 =	vld [tilespmem:s4+$0xFFFFFFF0];
	[tilespmem:s7+$0xFFFFFFF0] =	vst v6  }
0x93: {  	v5 =	vld [tilespmem:s4+$0x30];
	[tilespmem:s7+$0x0] =	vst v1  }
0x94: {  	v7 =	vld [tilespmem:s4+$0x10];
	[tilespmem:s7+$0x20] =	vst v2  }
0x95: {  	v6 =	vld [tilespmem:s4+$0xFFFFFFC0];
	[tilespmem:s7+$0xFFFFFFD0] =	vst v3;
	s7 =	smov.u32 s4  }
0x96: {  	v1 =	vld.idx.msk [tilespmem:v4+s26+$0x0], $0xffff  }
0x97: {  	v9 =	vld [tilespmem:s4+$0xFFFFFFE0]  }
0x98: {  	v2 =	vld [tilespmem:s4+$0x20]  }
.Ltmp1:
0x99: {  	v3 =	vld [tilespmem:s4+$0xFFFFFFD0];
	(pc) =	sbr.rel @p1 .LBB2_6-.Ltmp1, $3  }
0x9a: {  	v4 =	vld [tilespmem:s4+$0x0];
	_ =	sdelay $0x1  }
0x9b: {  	v6 =	vmul.f32 v6, v1;
	v8 =	vmul.f32 v5, v1  }
0x9c: {  	v7 =	vmul.f32 v7, v1;
	v5 =	vmul.f32 v9, v1  }
0x9d: {  	[tilespmem:s7+$0x30] =	vst v8  }
0x9e: {  	[tilespmem:s7+$0xFFFFFFC0] =	vst v6  }
0x9f: {  	v0 =	vmul.f32 v0, v1;
	[tilespmem:s7+$0x10] =	vst v7  }
0xa0: {  	v2 =	vmul.f32 v2, v1;
	[tilespmem:s7+$0xFFFFFFE0] =	vst v5  }
0xa1: {  	v63 =	vmul.f32 v3, v1;
	[tilespmem:s7+$0xFFFFFFF0] =	vst v0  }
0xa2: {  	v4 =	vmul.f32 v4, v1;
	[tilespmem:s7+$0x20] =	vst v2  }
0xa3: {  	[tilespmem:s7+$0xFFFFFFD0] =	vst v63  }
0xa4: {  	s0 =	sadd.s32 $0x5DC0, s0;
	[tilespmem:s7+$0x0] =	vst v4  }
0xa5: {  	[spmem:s2] =	stream.indirect.scatter.add.f32 [tilespmem:s5], [sflag:$0x2], $0x80, s0, s23, $0xb8;
	[tilespmem:$0x1F860] =	vst v63  }
0xa6: {  	_ =	swait.ge [sflag:s18], $0x2800  }
0xa7: {  	p1 =	sne.s32 s31, $0x19;
	[sflag:s18] =	ssyncset.done $0x0  }
.Ltmp2:
0xa8: {  	[sflag:s18] =	ssyncadd.s32 $0xFFFFD800;
	(pc) =	sbr.rel @p1 .LBB2_5-.Ltmp2, $4  }
0xa9: {  	[spmem:s3] =	stream.indirect.scatter.add.f32 [tilespmem:s26], [sflag:$0x2], $0x1, s0, s23, $0xb8;
	[tilespmem:$0x1F860] =	vst v63  }
0xaa: {  	_ =	swait.ge [sflag:s18], $0x50  }
0xab: {  	[sflag:s18] =	ssyncset.done $0x0  }
0xac: {  	p0 =	por !p0, !p0;
	[sflag:s18] =	ssyncadd.s32 $0xFFFFFFB0  }
0xad: {  	s29 =	sadd.s32 $0x1, s29  }
0xae: {  	p0 =	sne.s32 s29, $0x5  }
.Ltmp3:
0xaf: {  	_ = 	snop;
	(pc) =	sbr.rel @p0 .LBB2_2-.Ltmp3, $1  }
0xb0: {  	_ =	sdelay $0x3  }
0xb1: {  	[bflag:$0x0] =	sbarrier.arrive $0xFFFF  }
0xb2: {  	[hbm:s14], [sflag:s13] =	dma.local [spmem:s17], $0x2800  }
0xb3: {  	s28 =	sadd.s32 $0x1, s28;
	_ =	swait.ge [sflag:s18], $0x2800  }
0xb4: {  	p0 =	sne.s32 s28, s16;
	[sflag:s18] =	ssyncset.done $0x0  }
.Ltmp4:
0xb5: {  	[sflag:s18] =	ssyncadd.s32 $0xFFFFD800;
	(pc) =	sbr.rel @p0 .LBB2_1-.Ltmp4, $4  }
0xb6: {  	[hbm:s15], [sflag:s13] =	dma.local [spmem:s19], $0x50  }
0xb7: {  	_ =	swait.ge [sflag:s18], $0x50  }
0xb8: {  	[sflag:s18] =	ssyncset.done $0x0  }
0xb9: {  	[sflag:s18] =	ssyncadd.s32 $0xFFFFFFB0  }
0xba: {  	_ =	sfence.sel $0x180000  }
0xbb: {  	[bflag:$0x0] =	sbarrier.arrive $0xFFFF  }
0xbc: {  	_ =	strace $0x9000004A  }
0xbd: {  	s0 =	stileid.u32;
	[bflag:$0x2] =	sbarrier.arrive $0xFFFF  }
0xbe: {  	p0 =	sne.s32 s0, $0x0;
	s0 =	rddreg [dreg:$0x4]  }
0xbf: {  	s0 =	sadd.s32 @!p0 $0x100000, s0  }
0xc0: {  	[sflag:s0] =	ssyncadd.tile.s32 @!p0 $0x1;
	_ =	shalt  }
.Lfunc_end2:
_tile_overlayer_lowered:
.L_overlay_start_2:
0xc1: {  	(tag) =	ssettag $0x2  }
0xc2: {  	s0 =	rddreg [dreg:$0x0];
	s2 =	stileid.u32  }
0xc3: {  	s1 =	rddreg [dreg:$0x1];
	p0 =	sne.s32 s2, $0x0  }
0xc4: {  	s3 =	rddreg [dreg:$0x2];
	[bflag:$0x3] =	sbarrier.arrive $0xFFFF;
	s2 =	simm.s32 @!p0 $0x1C02  }
0xc5: {  	[timem:s3], [sflag:s2] =	dma.local @!p0 [hbm:s0], s1  }
0xc6: {  	s0 =	simm.s32 @!p0 $0x2  }
0xc7: {  	_ =	swait.ge @!p0 [sflag:s0], s1  }
0xc8: {  	s1 =	ssub.s32 @!p0 $0x0, s1;
	[sflag:s0] =	ssyncset.done @!p0 $0x0  }
0xc9: {  	[sflag:s0] =	ssyncadd.s32 @!p0 s1  }
0xca: {  	[bflag:$0x3] =	sbarrier.arrive $0xFFFF  }
0xcb: {  	_ =	shalt  }

// kernel: kernel.16.cloned.1.call-start
scs
__scs_entry_jumppad:
0x0: {  	(pc) =	sbr.rel $0x88, $3  }
0x1: {  	(tag) =	ssettag $0x0;
	lr =	simm.s32 $0x1  }
0x2: {  	[smem:$0x3F89] =	sst lr;
	_ =	strace $0xD0000000  }
0x3: {  	_ = 	snop  }
0x4: {  	_ = 	snop  }
0x5: {  	_ = 	snop  }
0x6: {  	_ = 	snop  }
0x7: {  	_ = 	snop  }
__scs_overlays_trampoline_lowered:
0x8: {  	[smem:$0x3F98] =	sst s0  }
0x9: {  	[smem:$0x3F99] =	sst s1  }
0xa: {  	[smem:$0x3F9A] =	sst s2  }
0xb: {  	[smem:$0x3F9B] =	sst s3  }
0xc: {  	[smem:$0x3F9C] =	sst s4  }
0xd: {  	[smem:$0x3F9D] =	sst s5  }
0xe: {  	[smem:$0x3F9E] =	sst s6  }
0xf: {  	[smem:$0x3F9F] =	sst s7  }
0x10: {  	[smem:$0x3FA0] =	sst s8  }
0x11: {  	[smem:$0x3FA1] =	sst s9;
	s0 =	simm.s32 @!p0 $0x0  }
0x12: {  	s1 =	sld [smem:$0x3F87];
	s0 =	simm.s32 @p0 $0x1  }
0x13: {  	[smem:$0x3FA2] =	sst s0;
	s0 =	simm.s32 @!p1 $0x0  }
0x14: {  	s2 =	sld [smem:$0x3F86];
	s0 =	simm.s32 @p1 $0x1  }
0x15: {  	[smem:$0x3FA3] =	sst s0;
	s0 =	simm.s32 @!p2 $0x0  }
0x16: {  	s3 =	sld [smem:$0x3FDB];
	s0 =	simm.s32 @p2 $0x1  }
0x17: {  	s4 =	simm.s32 $0x1BF5;
	[smem:$0x3FA5] =	sst s0  }
0x18: {  	s0 =	sld [smem:$0x3F88];
	_ =	swait.ge [sflag:s4], $0x0  }
0x19: {  	s7 =	sld [smem:$0x3F89]  }
0x1a: {  	s8 =	sadd.s32 $0xFFFFE003, lr  }
0x1b: {  	s9 =	sadd.s32 $0xFFFFFEF7, lr;
	s5 =	simm.s32 $0xFFFFFFFF;
	p2 =	slt.u32 s8, $0xFFFFF086  }
0x1c: {  	p1 =	slt.u32 s9, $0xF7A;
	s5 =	simm.s32 @!p2 $0x0  }
0x1d: {  	s5 =	simm.s32 @p1 $0x1;
	p0 =	seq.s32 s7, s2  }
0x1e: {  	s7 =	smul.u32 @!p0 $0xF7A, s2;
	p2 =	seq.s32 @!p0 s5, $0x0  }
0x1f: {  	s9 =	smul.u32 $0xF7A, s1;
	s8 =	simm.s32 @!p0 $0x1BF5;
	p2 =	por !p2, p0  }
0x20: {  	[sflag:s8] =	ssyncset.s32 @!p0 $0xFFFFF086;
	s6 =	sadd.s32 @!p0 s3, s7;
	s7 =	simm.s32 @!p0 $0x108  }
0x21: {  	s3 =	sadd.s32 s3, s9;
	s6 =	sadd.s32 @!p0 $0x88, s6;
	s7 =	simm.s32 @p2 $0x1082  }
0x22: {  	[simem:s7], [sflag:s8] =	dma.local @!p0 [hbm:s6], $0xF7A  }
0x23: {  	s9 =	sor.u32 $0xD0000000, s2;
	s6 =	simm.s32 $0x108;
	_ =	swait.ge @!p0 [sflag:s8], $0x0  }
0x24: {  	s3 =	sadd.s32 $0x88, s3;
	s6 =	simm.s32 @!p1 $0x1082;
	[sflag:s4] =	ssyncset.s32 $0xFFFFF086  }
0x25: {  	[simem:s6], [sflag:s4] =	dma.local [hbm:s3], $0xF7A  }
0x26: {  	[smem:$0x3F89] =	sst s1;
	(tag) =	ssettag s2;
	_ =	strace s9  }
0x27: {  	s1 =	sld [smem:$0x3F99]  }
0x28: {  	s2 =	sld [smem:$0x3F9A]  }
0x29: {  	s4 =	sld [smem:$0x3F9C]  }
0x2a: {  	p0 =	seq.s32 s5, $0x0;
	s5 =	sld [smem:$0x3F9D]  }
0x2b: {  	s6 =	sld [smem:$0x3F9E]  }
0x2c: {  	s7 =	sld [smem:$0x3F9F]  }
0x2d: {  	s3 =	simm.s32 $0x108;
	s8 =	sld [smem:$0x3FA0]  }
0x2e: {  	s3 =	simm.s32 @!p0 $0x1082;
	s9 =	sld [smem:$0x3FA1]  }
0x2f: {  	lr =	sadd.s32 s0, s3;
	s0 =	sld [smem:$0x3F98]  }
0x30: {  	s3 =	sld [smem:$0x3F9B]  }
0x31: {  	[smem:$0x3FA4] =	sst s10  }
0x32: {  	s10 =	sld [smem:$0x3FA2];
	_ =	sdelay $0x3  }
0x33: {  	p0 =	seq.s32 s10, $0x1;
	s10 =	sld [smem:$0x3FA4];
	_ =	sdelay $0x3  }
0x34: {  	[smem:$0x3FA4] =	sst s10  }
0x35: {  	s10 =	sld [smem:$0x3FA3];
	_ =	sdelay $0x3  }
0x36: {  	p1 =	seq.s32 s10, $0x1;
	s10 =	sld [smem:$0x3FA4];
	_ =	sdelay $0x3  }
0x37: {  	[smem:$0x3FA4] =	sst s10  }
0x38: {  	s10 =	sld [smem:$0x3FA5]  }
0x39: {  	_ = 	snop;
	(pc) =	sbr.ind lr, $3  }
0x3a: {  	_ = 	snop  }
0x3b: {  	_ = 	snop  }
0x3c: {  	p2 =	seq.s32 s10, $0x1;
	s10 =	sld [smem:$0x3FA4]  }
0x3d: {  	_ =	shalt  }
0x3e: {  	_ =	shalt  }
0x3f: {  	_ =	shalt  }
0x40: {  	_ =	shalt  }
0x41: {  	_ =	shalt  }
0x42: {  	_ =	shalt  }
0x43: {  	_ =	shalt  }
0x44: {  	_ =	shalt  }
0x45: {  	_ =	shalt  }
0x46: {  	_ =	shalt  }
0x47: {  	_ =	shalt  }
0x48: {  	_ =	shalt  }
0x49: {  	_ =	shalt  }
0x4a: {  	_ =	shalt  }
0x4b: {  	_ =	shalt  }
0x4c: {  	_ =	shalt  }
0x4d: {  	_ =	shalt  }
0x4e: {  	_ =	shalt  }
0x4f: {  	_ =	shalt  }
0x50: {  	_ =	shalt  }
0x51: {  	_ =	shalt  }
0x52: {  	_ =	shalt  }
0x53: {  	_ =	shalt  }
0x54: {  	_ =	shalt  }
0x55: {  	_ =	shalt  }
0x56: {  	_ =	shalt  }
0x57: {  	_ =	shalt  }
0x58: {  	_ =	shalt  }
0x59: {  	_ =	shalt  }
0x5a: {  	_ =	shalt  }
0x5b: {  	_ =	shalt  }
0x5c: {  	_ =	shalt  }
0x5d: {  	_ =	shalt  }
0x5e: {  	_ =	shalt  }
0x5f: {  	_ =	shalt  }
0x60: {  	_ =	shalt  }
0x61: {  	_ =	shalt  }
0x62: {  	_ =	shalt  }
0x63: {  	_ =	shalt  }
0x64: {  	_ =	shalt  }
0x65: {  	_ =	shalt  }
0x66: {  	_ =	shalt  }
0x67: {  	_ =	shalt  }
0x68: {  	_ =	shalt  }
0x69: {  	_ =	shalt  }
0x6a: {  	_ =	shalt  }
0x6b: {  	_ =	shalt  }
0x6c: {  	_ =	shalt  }
0x6d: {  	_ =	shalt  }
0x6e: {  	_ =	shalt  }
0x6f: {  	_ =	shalt  }
0x70: {  	_ =	shalt  }
0x71: {  	_ =	shalt  }
0x72: {  	_ =	shalt  }
0x73: {  	_ =	shalt  }
0x74: {  	_ =	shalt  }
0x75: {  	_ =	shalt  }
0x76: {  	_ =	shalt  }
0x77: {  	_ =	shalt  }
0x78: {  	_ =	shalt  }
0x79: {  	_ =	shalt  }
0x7a: {  	_ =	shalt  }
0x7b: {  	_ =	shalt  }
0x7c: {  	_ =	shalt  }
0x7d: {  	_ =	shalt  }
0x7e: {  	_ =	shalt  }
0x7f: {  	_ =	shalt  }
0x80: {  	_ =	shalt  }
0x81: {  	_ =	shalt  }
0x82: {  	_ =	shalt  }
0x83: {  	_ =	shalt  }
0x84: {  	_ =	shalt  }
0x85: {  	_ =	shalt  }
0x86: {  	_ =	shalt  }
0x87: {  	_ =	shalt  }
.Lfunc_end0:
.L_simem_size_0:
called_computation.2_lowered:
.L_overlay_start_0:
0x88: {  	s2 =	sld [smem:$0x3FD9]  }
0x89: {  	s3 =	sld [smem:$0x3FFE];
	_ =	sdelay $0x1  }
0x8a: {  	s1 =	srdreg.scid  }
0x8b: {  	s0 =	sand.u32 $0x1, s1  }
0x8c: {  	s17 =	sshll.u32 s0, $0xA;
	s2 =	sadd.s32 s3, s2  }
0x8d: {  	s2 =	sadd.s32 s2, s17  }
0x8e: {  	[smem:$0x3FB0] =	sst s2  }
0x8f: {  	_ = 	snop  }
0x90: {  	(tm) =	ssettm $0x1  }
0x91: {  	s18 =	sld [smem:$0x3FFB];
	_ =	sdelay $0x3  }
0x92: {  	_ =	strace s18  }
0x93: {  	s2 =	sld [smem:$0x3FFC];
	_ =	sdelay $0x3  }
0x94: {  	_ =	strace s2  }
0x95: {  	s2 =	sld [smem:$0x3FFD];
	_ =	sdelay $0x3  }
0x96: {  	_ =	strace s2  }
0x97: {  	_ =	strace $0x8FFFFFFF  }
0x98: {  	s19 =	sld [smem:$0x3FDB];
	_ =	sdelay $0x1  }
0x99: {  	s20 =	simm.s32 $_scs_section_size  }
0x9a: {  	s4 =	simm.s32 $_size__tile_overlayer_lowered;
	s5 =	simm.s32 $_tile_overlayer_lowered  }
0x9b: {  	s6 =	simm.s32 $0x1BFF;
	s21 =	sshll.u32 s5, $0x1;
	s3 =	sadd.s32 s20, s19  }
0x9c: {  	s22 =	simm.s32 $0x0;
	s4 =	sshll.u32 s4, $0x1;
	s5 =	sadd.s32 s21, s3  }
0x9d: {  	[timem:s22], [sflag:s6] =	dma.local [hbm:s5], s4  }
0x9e: {  	_ =	swait.ge [sflag:s6], s4  }
0x9f: {  	s4 =	ssub.s32 $0x0, s4;
	[sflag:s6] =	ssyncset.done $0x0  }
0xa0: {  	[sflag:s6] =	ssyncadd.s32 s4;
	_ =	sdelay $0x1  }
0xa1: {  	s23 =	simm.s32 $0x1B8B  }
0xa2: {  	_ =	swait.ge [sflag:s23], $0x1  }
0xa3: {  	[sflag:s23] =	ssyncset.done $0x0  }
0xa4: {  	[sflag:s23] =	ssyncadd.s32 $0xFFFFFFFF  }
0xa5: {  	s4 =	sld [smem:$0x0]  }
0xa6: {  	s5 =	sand.u32 $0xFFFFFFFE, s1  }
0xa7: {  	p0 =	sne.s32 s1, s5  }
0xa8: {  	s5 =	sshll.u32 @p0 s5, $0xE  }
0xa9: {  	s5 =	sadd.s32 @p0 $0x11B8D, s5;
	s6 =	sshll.u32 @p0 s4, $0x11  }
0xaa: {  	s5 =	sor.u32 @p0 s6, s5  }
0xab: {  	[sflag:s5] =	ssyncadd.remote.s32 @p0 $0x1;
	_ =	sdelay $0x1  }
0xac: {  	s5 =	simm.s32 @p0 $0x1B8D  }
0xad: {  	_ =	swait.eq @p0 [sflag:s5], $0x1  }
0xae: {  	[sflag:s5] =	ssyncadd.s32 @p0 $0xFFFFFFFF  }
0xaf: {  	s6 =	sshll.u32 @!p0 s1, $0xE  }
0xb0: {  	s6 =	sor.u32 @!p0 $0x4000, s6;
	s5 =	simm.s32 @!p0 $0x1B8D  }
0xb1: {  	s4 =	sshll.u32 @!p0 s4, $0x11;
	s6 =	sadd.s32 @!p0 $0x11B8D, s6;
	_ =	swait.eq @!p0 [sflag:s5], $0x1  }
0xb2: {  	s4 =	sor.u32 @!p0 s4, s6;
	[sflag:s5] =	ssyncadd.s32 @!p0 $0xFFFFFFFF  }
0xb3: {  	s25 =	simm.s32 $0x1B8E;
	s24 =	sld [smem:$0x3FFE];
	[sflag:s4] =	ssyncadd.remote.s32 @!p0 $0x1  }
0xb4: {  	s26 =	simm.s32 $execute0_lowered;
	[smem:$0x3FD2] =	sst s25  }
0xb5: {  	s5 =	sshll.u32 s26, $0x1;
	_ =	strace $0x8000004F;
	[dreg:$0x1] =	wrdreg $0xFFFFFFFF  }
0xb6: {  	s28 =	simm.s32 $_size_execute0_lowered;
	s3 =	sadd.s32 s3, s5;
	[dreg:$0x0] =	wrdreg $0x0  }
0xb7: {  	s5 =	sshll.u32 s28, $0x1;
	[dreg:$0x2] =	wrdreg s3  }
0xb8: {  	[dreg:$0x3] =	wrdreg s5  }
0xb9: {  	[dreg:$0x4] =	wrdreg $0xC0  }
0xba: {  	_ =	task [dreg:s22], $0x5FFFF  }
0xbb: {  	[dreg:$0x1] =	wrdreg $0xFFFFFFFF  }
0xbc: {  	[dreg:$0x0] =	wrdreg $0x60  }
0xbd: {  	[dreg:$0x2] =	wrdreg s24  }
0xbe: {  	[dreg:$0x3] =	wrdreg $0x7EE00  }
0xbf: {  	[dreg:$0x4] =	wrdreg $0xA  }
0xc0: {  	_ =	task.clear_ibuf [dreg:s22], $0x5FFFF;
	_ =	strace $0x9000004F  }
0xc1: {  	s29 =	simm.s32 $0xA;
	_ =	strace $0x80000051  }
0xc2: {  	_ =	swait.ge [sflag:s29], $0x1  }
0xc3: {  	[sflag:s29] =	ssyncadd.s32 $0xFFFFFFFF  }
0xc4: {  	_ =	strace $0x90000051  }
0xc5: {  	_ =	sfence  }
0xc6: {  	s30 =	sld [smem:$0x0];
	_ =	sdelay $0x2  }
0xc7: {  	s31 =	sshll.u32 s1, $0xD;
	s1 =	sshrl.u32 s1, $0x2  }
0xc8: {  	s4 =	sand.u32 $0x4000, s31;
	s1 =	sadd.s32 s1, s30  }
0xc9: {  	s0 =	sor.u32 s4, s0;
	s1 =	sshll.u32 s1, $0x11  }
0xca: {  	s0 =	sor.u32 s1, s0  }
0xcb: {  	s0 =	sadd.s32 $0x8F2B, s0  }
0xcc: {  	[sflag:s0] =	ssyncadd.remote.s32 $0x1  }
0xcd: {  	_ =	sfence.sel $0xFFFF  }
0xce: {  	[dreg:$0x0] =	wrdreg $0xFFFFFFFF;
	(pc) =	sbr.abs _section_cstart, $3  }
0xcf: {  	[dreg:$0x1] =	wrdreg $0xFFFFFFFF  }
0xd0: {  	_ =	task.clear_ibuf [dreg:s22], $0x2FFFF;
	_ =	strace $0x9FFFFFFF  }
0xd1: {  	(tm) =	ssettm $0x7FFFFFFF  }
tec
execute0_lowered:
.L_overlay_start_1:
0x0: {  	(tag) =	ssettag $0x1  }
0x1: {  	s1 =	srdreg.scid;
	s4 =	rddreg [dreg:$0x0]  }
0x2: {  	s0 =	stileid.u32;
	s2 =	rddreg [dreg:$0x1];
	s3 =	simm.s32 $0x0  }
0x3: {  	s15 =	simm.s32 $0x50;
	s16 =	simm.s32 $0x2E90;
	s17 =	simm.s32 $0x0  }
0x4: {  	s5 =	sand.u32 $0x1, s1;
	s1 =	rddreg [dreg:$0x2];
	s8 =	smul.u32 $0x14000, s0  }
0x5: {  	s28 =	sshll.u32 s0, $0x1;
	[smem:$0x7FF] =	sst s3;
	s13 =	smul.u32 $0x2EE0, s0  }
0x6: {  	s10 =	sadd.s32 $0x637800, s4;
	s30 =	sshll.u32 s0, $0x6;
	s9 =	smul.u32 $0x140000, s5  }
0x7: {  	s6 =	sor.u32 s5, s28;
	s12 =	ssub.s32 $0x2, s5;
	s5 =	smul.u32 $0x1770, s5  }
0x8: {  	_ =	strace $0x80000050;
	s7 =	smul.u32 $0x1770, s6;
	s11 =	sshrl.u32 s8, $0x3  }
0x9: {  	s29 =	sshrl.u32 s12, $0x1;
	s14 =	sadd.s32 s8, s2;
	s31 =	smul.u32 $0x17700, s6  }
0xa: {  	s11 =	sadd.s32 s11, s4;
	s9 =	sadd.s32 s8, s9;
	s12 =	ssub.s32 s12, s29  }
0xb: {  	s13 =	sadd.s32 s5, s13;
	s5 =	sor.u32 $0x1C02, s30;
	s7 =	sshrl.u32 s7, $0x3  }
0xc: {  	s9 =	sshrl.u32 s9, $0x3;
	s13 =	sshll.u32 s13, $0x4;
	s7 =	sadd.s32 s7, s4  }
0xd: {  	s9 =	sadd.s32 s9, s4;
	s4 =	sadd.s32 $0x155E00, s11;
	s11 =	sshrl.u32 s14, $0x3  }
0xe: {  	s14 =	simm.s32 $0x1;
	s6 =	sadd.s32 $0x67A00, s7;
	s7 =	sadd.s32 s10, s31  }
0xf: {  	s8 =	sadd.s32 $0x6D800, s9;
	s10 =	sadd.s32 s10, s13;
	s9 =	smax.u32 s12, $0x1  }
0x10: {  	s12 =	simm.s32 $0x2;
	s13 =	simm.s32 $0x2EE0;
	s10 =	sadd.s32 $0x500, s10  }
.LBB2_1:
0x11: {  	[spmem:s11], [sflag:s5] =	dma.local [hbm:s4], $0x2800  }
0x12: {  	_ =	swait.ge [sflag:s12], $0x2800  }
0x13: {  	[sflag:s12] =	ssyncset.done $0x0  }
0x14: {  	[sflag:s12] =	ssyncadd.s32 $0xFFFFD800  }
0x15: {  	[tilespmem:s3], [sflag:$0x2] =	stream.linear.gather [hbm4b:s6+s3], $0x1770, $0x38;
	[tilespmem:$0x1BEE0] =	vst v63  }
0x16: {  	_ =	swait.ge [sflag:s12], $0x1770  }
0x17: {  	[sflag:s12] =	ssyncset.done $0x0  }
0x18: {  	s18 =	simm.s32 $0x0;
	[sflag:s12] =	ssyncadd.s32 $0xFFFFE890  }
0x19: {  	v0 =	vld [tilespmem:s18+$0x40]  }
0x1a: {  	v1 =	vld [tilespmem:s18+$0x0]  }
0x1b: {  	v2 =	vld [tilespmem:s18+$0x10]  }
0x1c: {  	v3 =	vld [tilespmem:s18+$0x20]  }
0x1d: {  	s19 =	simm.s32 $0x140;
	v4 =	vld [tilespmem:s18+$0x30]  }
.LBB2_2:
0x1e: {  	s20 =	sshra.s32 s19, $0x2;
	p0 =	sne.s32 s19, $0x5C80;
	s19 =	sadd.s32 $0x140, s19;
	[tilespmem:s18+$0x17B0] =	vst v0  }
.Ltmp0:
0x1f: {  	v0 =	vld [tilespmem:s20+$0x40];
	[tilespmem:s18+$0x1770] =	vst v1;
	(pc) =	sbr.rel @p0 .LBB2_2-.Ltmp0, $4  }
0x20: {  	v1 =	vld [tilespmem:s20+$0x0];
	[tilespmem:s18+$0x1780] =	vst v2  }
0x21: {  	v2 =	vld [tilespmem:s20+$0x10];
	[tilespmem:s18+$0x1790] =	vst v3  }
0x22: {  	v3 =	vld [tilespmem:s20+$0x20];
	[tilespmem:s18+$0x17A0] =	vst v4;
	s18 =	smov.u32 s20  }
0x23: {  	v4 =	vld [tilespmem:s18+$0x30]  }
0x24: {  	[tilespmem:s18+$0x17B0] =	vst v0  }
0x25: {  	[tilespmem:s18+$0x1770] =	vst v1  }
0x26: {  	[tilespmem:s18+$0x1780] =	vst v2  }
0x27: {  	s29 =	simm.s32 $0x0;
	[tilespmem:s18+$0x1790] =	vst v3  }
0x28: {  	[tilespmem:s18+$0x17A0] =	vst v4;
	s18 =	sand.u32 $0x1, s29  }
0x29: {  	[bflag:$0x0] =	sbarrier.arrive $0xFFFF;
	s19 =	sxor.u32 $0x1, s18  }
0x2a: {  	[tilespmem:s13], [sflag:$0x1] =	stream.linear.gather [hbm4b:s7+s29], $0x2800, $0x38;
	[tilespmem:$0x1BEE0] =	vst v63  }
0x2b: {  	s19 =	smul.u32 $0xA000, s19  }
0x2c: {  	s30 =	simm.s32 $0x1770;
	s18 =	smul.u32 $0xA000, s18;
	_ =	swait.ge [sflag:s14], $0x2800  }
0x2d: {  	s31 =	simm.s32 $0x1;
	[sflag:s14] =	ssyncset.done $0x0;
	s19 =	sshrl.u32 s19, $0x2  }
0x2e: {  	s18 =	sshrl.u32 s18, $0x2;
	[sflag:s14] =	ssyncadd.s32 $0xFFFFD800;
	s19 =	sadd.s32 $0x2EE0, s19  }
0x2f: {  	[tilespmem:s19], [sflag:$0x1] =	stream.linear.gather [hbm4b:s10+s3], $0x2800, $0x38;
	[tilespmem:$0x1BEE0] =	vst v63  }
0x30: {  	s21 =	simm.s32 $0x2;
	s20 =	sand.u32 $0x1, s31;
	s18 =	sadd.s32 $0x2EE0, s18  }
0x31: {  	[spmem:s2] =	stream.indirect.scatter.add.f32 [tilespmem:s18], [sflag:$0x2], $0x80, s30, s15, $0xb8;
	[tilespmem:$0x1BEE0] =	vst v63  }
0x32: {  	s19 =	simm.s32 $0x17C0;
	s18 =	sadd.s32 $0x500, s10;
	_ =	swait.ge [sflag:s12], $0x2800  }
.LBB2_4:
0x33: {  	s22 =	sxor.u32 $0x1, s20  }
0x34: {  	[sflag:s12] =	ssyncset.done $0x0;
	s23 =	smov.u32 s21;
	s24 =	sadd.s32 $0x1, s21  }
0x35: {  	p0 =	sne.s32 s21, $0x49;
	s21 =	smul.u32 $0xA000, s22;
	[sflag:s12] =	ssyncadd.s32 $0xFFFFD800  }
0x36: {  	_ =	swait.ge [sflag:s14], $0x2800  }
0x37: {  	s20 =	smul.u32 $0xA000, s20;
	[sflag:s14] =	ssyncset.done $0x0;
	s21 =	sshrl.u32 s21, $0x2  }
0x38: {  	[sflag:s14] =	ssyncadd.s32 $0xFFFFD800;
	s21 =	sadd.s32 $0x2EE0, s21  }
0x39: {  	[tilespmem:s21], [sflag:$0x1] =	stream.linear.gather [hbm4b:s18+s3], $0x2800, $0x38;
	[tilespmem:$0x1BEE0] =	vst v63  }
.Ltmp1:
0x3a: {  	_ = 	snop;
	(pc) =	sbr.rel @p0 .LBB2_4-.Ltmp1, $4  }
0x3b: {  	s20 =	sshrl.u32 s20, $0x2  }
0x3c: {  	s20 =	sadd.s32 $0x2EE0, s20;
	s18 =	sadd.s32 $0x500, s18;
	s21 =	smov.u32 s24  }
0x3d: {  	[spmem:s2] =	stream.indirect.scatter.add.f32 [tilespmem:s20], [sflag:$0x2], $0x80, s19, s15, $0xb8;
	[tilespmem:$0x1BEE0] =	vst v63  }
0x3e: {  	s20 =	sand.u32 $0x1, s23;
	s19 =	sadd.s32 $0x50, s19;
	_ =	swait.ge [sflag:s12], $0x2800  }
0x3f: {  	s21 =	sxor.u32 $0x1, s20;
	[sflag:s12] =	ssyncset.done $0x0  }
0x40: {  	s21 =	smul.u32 $0xA000, s21;
	[sflag:s12] =	ssyncadd.s32 $0xFFFFD800  }
0x41: {  	s30 =	smul.u32 $0xA000, s20;
	_ =	swait.ge [sflag:s14], $0x2800  }
0x42: {  	[sflag:s14] =	ssyncset.done $0x0;
	s21 =	sshrl.u32 s21, $0x2  }
0x43: {  	s31 =	sshrl.u32 s30, $0x2;
	[sflag:s14] =	ssyncadd.s32 $0xFFFFD800;
	s21 =	sadd.s32 $0x2EE0, s21  }
0x44: {  	[tilespmem:s21], [sflag:$0x1] =	stream.linear.gather [hbm4b:s18+s3], $0x2800, $0x38;
	[tilespmem:$0x1BEE0] =	vst v63  }
0x45: {  	s18 =	sadd.s32 $0x2EE0, s31  }
0x46: {  	[spmem:s2] =	stream.indirect.scatter.add.f32 [tilespmem:s18], [sflag:$0x2], $0x80, s19, s15, $0xb8;
	[tilespmem:$0x1BEE0] =	vst v63  }
0x47: {  	_ =	swait.ge [sflag:s12], $0x2800  }
0x48: {  	[sflag:s12] =	ssyncset.done $0x0  }
0x49: {  	[sflag:s12] =	ssyncadd.s32 $0xFFFFD800  }
0x4a: {  	_ =	swait.ge [sflag:s14], $0x2800  }
0x4b: {  	[sflag:s14] =	ssyncset.done $0x0  }
0x4c: {  	[sflag:s14] =	ssyncadd.s32 $0xFFFFD800  }
0x4d: {  	[spmem:s2] =	stream.indirect.scatter.add.f32 [tilespmem:s13], [sflag:$0x2], $0x80, s16, s15, $0xb8;
	[tilespmem:$0x1BEE0] =	vst v63  }
0x4e: {  	_ =	swait.ge [sflag:s12], $0x2800  }
0x4f: {  	s17 =	sadd.s32 $0x1, s17;
	[sflag:s12] =	ssyncset.done $0x0  }
0x50: {  	p0 =	sne.s32 s17, s9;
	[sflag:s12] =	ssyncadd.s32 $0xFFFFD800  }
.Ltmp2:
0x51: {  	[bflag:$0x0] =	sbarrier.arrive $0xFFFF;
	(pc) =	sbr.rel @p0 .LBB2_1-.Ltmp2, $4  }
0x52: {  	[hbm:s8], [sflag:s5] =	dma.local [spmem:s11], $0x2800  }
0x53: {  	_ =	swait.ge [sflag:s12], $0x2800  }
0x54: {  	[sflag:s12] =	ssyncset.done $0x0  }
0x55: {  	[sflag:s12] =	ssyncadd.s32 $0xFFFFD800  }
0x56: {  	_ =	sfence.sel $0x180000  }
0x57: {  	[bflag:$0x0] =	sbarrier.arrive $0xFFFF  }
0x58: {  	p0 =	sne.s32 s0, $0x0;
	_ =	strace $0x90000050  }
0x59: {  	s0 =	sadd.s32 @!p0 $0x100000, s1;
	[bflag:$0x2] =	sbarrier.arrive $0xFFFF  }
0x5a: {  	[sflag:s0] =	ssyncadd.tile.s32 @!p0 $0x1;
	_ =	shalt  }
.Lfunc_end2:
_tile_overlayer_lowered:
.L_overlay_start_2:
0x5b: {  	(tag) =	ssettag $0x2  }
0x5c: {  	s0 =	rddreg [dreg:$0x0];
	s2 =	stileid.u32  }
0x5d: {  	s1 =	rddreg [dreg:$0x1];
	p0 =	sne.s32 s2, $0x0  }
0x5e: {  	s3 =	rddreg [dreg:$0x2];
	[bflag:$0x3] =	sbarrier.arrive $0xFFFF;
	s2 =	simm.s32 @!p0 $0x1C02  }
0x5f: {  	[timem:s3], [sflag:s2] =	dma.local @!p0 [hbm:s0], s1  }
0x60: {  	s0 =	simm.s32 @!p0 $0x2  }
0x61: {  	_ =	swait.ge @!p0 [sflag:s0], s1  }
0x62: {  	s1 =	ssub.s32 @!p0 $0x0, s1;
	[sflag:s0] =	ssyncset.done @!p0 $0x0  }
0x63: {  	[sflag:s0] =	ssyncadd.s32 @!p0 s1  }
0x64: {  	[bflag:$0x3] =	sbarrier.arrive $0xFFFF  }
0x65: {  	_ =	shalt  }

// kernel: kernel.19.cloned.1.call-start
scs
__scs_entry_jumppad:
0x0: {  	(pc) =	sbr.rel $0x88, $3  }
0x1: {  	(tag) =	ssettag $0x0;
	lr =	simm.s32 $0x1  }
0x2: {  	[smem:$0x3F89] =	sst lr;
	_ =	strace $0xD0000000  }
0x3: {  	_ = 	snop  }
0x4: {  	_ = 	snop  }
0x5: {  	_ = 	snop  }
0x6: {  	_ = 	snop  }
0x7: {  	_ = 	snop  }
__scs_overlays_trampoline_lowered:
0x8: {  	[smem:$0x3F98] =	sst s0  }
0x9: {  	[smem:$0x3F99] =	sst s1  }
0xa: {  	[smem:$0x3F9A] =	sst s2  }
0xb: {  	[smem:$0x3F9B] =	sst s3  }
0xc: {  	[smem:$0x3F9C] =	sst s4  }
0xd: {  	[smem:$0x3F9D] =	sst s5  }
0xe: {  	[smem:$0x3F9E] =	sst s6  }
0xf: {  	[smem:$0x3F9F] =	sst s7  }
0x10: {  	[smem:$0x3FA0] =	sst s8  }
0x11: {  	[smem:$0x3FA1] =	sst s9;
	s0 =	simm.s32 @!p0 $0x0  }
0x12: {  	s1 =	sld [smem:$0x3F87];
	s0 =	simm.s32 @p0 $0x1  }
0x13: {  	[smem:$0x3FA2] =	sst s0;
	s0 =	simm.s32 @!p1 $0x0  }
0x14: {  	s2 =	sld [smem:$0x3F86];
	s0 =	simm.s32 @p1 $0x1  }
0x15: {  	[smem:$0x3FA3] =	sst s0;
	s0 =	simm.s32 @!p2 $0x0  }
0x16: {  	s3 =	sld [smem:$0x3FDB];
	s0 =	simm.s32 @p2 $0x1  }
0x17: {  	s4 =	simm.s32 $0x1BF5;
	[smem:$0x3FA5] =	sst s0  }
0x18: {  	s0 =	sld [smem:$0x3F88];
	_ =	swait.ge [sflag:s4], $0x0  }
0x19: {  	s7 =	sld [smem:$0x3F89]  }
0x1a: {  	s8 =	sadd.s32 $0xFFFFE003, lr  }
0x1b: {  	s9 =	sadd.s32 $0xFFFFFEF7, lr;
	s5 =	simm.s32 $0xFFFFFFFF;
	p2 =	slt.u32 s8, $0xFFFFF086  }
0x1c: {  	p1 =	slt.u32 s9, $0xF7A;
	s5 =	simm.s32 @!p2 $0x0  }
0x1d: {  	s5 =	simm.s32 @p1 $0x1;
	p0 =	seq.s32 s7, s2  }
0x1e: {  	s7 =	smul.u32 @!p0 $0xF7A, s2;
	p2 =	seq.s32 @!p0 s5, $0x0  }
0x1f: {  	s9 =	smul.u32 $0xF7A, s1;
	s8 =	simm.s32 @!p0 $0x1BF5;
	p2 =	por !p2, p0  }
0x20: {  	[sflag:s8] =	ssyncset.s32 @!p0 $0xFFFFF086;
	s6 =	sadd.s32 @!p0 s3, s7;
	s7 =	simm.s32 @!p0 $0x108  }
0x21: {  	s3 =	sadd.s32 s3, s9;
	s6 =	sadd.s32 @!p0 $0x88, s6;
	s7 =	simm.s32 @p2 $0x1082  }
0x22: {  	[simem:s7], [sflag:s8] =	dma.local @!p0 [hbm:s6], $0xF7A  }
0x23: {  	s9 =	sor.u32 $0xD0000000, s2;
	s6 =	simm.s32 $0x108;
	_ =	swait.ge @!p0 [sflag:s8], $0x0  }
0x24: {  	s3 =	sadd.s32 $0x88, s3;
	s6 =	simm.s32 @!p1 $0x1082;
	[sflag:s4] =	ssyncset.s32 $0xFFFFF086  }
0x25: {  	[simem:s6], [sflag:s4] =	dma.local [hbm:s3], $0xF7A  }
0x26: {  	[smem:$0x3F89] =	sst s1;
	(tag) =	ssettag s2;
	_ =	strace s9  }
0x27: {  	s1 =	sld [smem:$0x3F99]  }
0x28: {  	s2 =	sld [smem:$0x3F9A]  }
0x29: {  	s4 =	sld [smem:$0x3F9C]  }
0x2a: {  	p0 =	seq.s32 s5, $0x0;
	s5 =	sld [smem:$0x3F9D]  }
0x2b: {  	s6 =	sld [smem:$0x3F9E]  }
0x2c: {  	s7 =	sld [smem:$0x3F9F]  }
0x2d: {  	s3 =	simm.s32 $0x108;
	s8 =	sld [smem:$0x3FA0]  }
0x2e: {  	s3 =	simm.s32 @!p0 $0x1082;
	s9 =	sld [smem:$0x3FA1]  }
0x2f: {  	lr =	sadd.s32 s0, s3;
	s0 =	sld [smem:$0x3F98]  }
0x30: {  	s3 =	sld [smem:$0x3F9B]  }
0x31: {  	[smem:$0x3FA4] =	sst s10  }
0x32: {  	s10 =	sld [smem:$0x3FA2];
	_ =	sdelay $0x3  }
0x33: {  	p0 =	seq.s32 s10, $0x1;
	s10 =	sld [smem:$0x3FA4];
	_ =	sdelay $0x3  }
0x34: {  	[smem:$0x3FA4] =	sst s10  }
0x35: {  	s10 =	sld [smem:$0x3FA3];
	_ =	sdelay $0x3  }
0x36: {  	p1 =	seq.s32 s10, $0x1;
	s10 =	sld [smem:$0x3FA4];
	_ =	sdelay $0x3  }
0x37: {  	[smem:$0x3FA4] =	sst s10  }
0x38: {  	s10 =	sld [smem:$0x3FA5]  }
0x39: {  	_ = 	snop;
	(pc) =	sbr.ind lr, $3  }
0x3a: {  	_ = 	snop  }
0x3b: {  	_ = 	snop  }
0x3c: {  	p2 =	seq.s32 s10, $0x1;
	s10 =	sld [smem:$0x3FA4]  }
0x3d: {  	_ =	shalt  }
0x3e: {  	_ =	shalt  }
0x3f: {  	_ =	shalt  }
0x40: {  	_ =	shalt  }
0x41: {  	_ =	shalt  }
0x42: {  	_ =	shalt  }
0x43: {  	_ =	shalt  }
0x44: {  	_ =	shalt  }
0x45: {  	_ =	shalt  }
0x46: {  	_ =	shalt  }
0x47: {  	_ =	shalt  }
0x48: {  	_ =	shalt  }
0x49: {  	_ =	shalt  }
0x4a: {  	_ =	shalt  }
0x4b: {  	_ =	shalt  }
0x4c: {  	_ =	shalt  }
0x4d: {  	_ =	shalt  }
0x4e: {  	_ =	shalt  }
0x4f: {  	_ =	shalt  }
0x50: {  	_ =	shalt  }
0x51: {  	_ =	shalt  }
0x52: {  	_ =	shalt  }
0x53: {  	_ =	shalt  }
0x54: {  	_ =	shalt  }
0x55: {  	_ =	shalt  }
0x56: {  	_ =	shalt  }
0x57: {  	_ =	shalt  }
0x58: {  	_ =	shalt  }
0x59: {  	_ =	shalt  }
0x5a: {  	_ =	shalt  }
0x5b: {  	_ =	shalt  }
0x5c: {  	_ =	shalt  }
0x5d: {  	_ =	shalt  }
0x5e: {  	_ =	shalt  }
0x5f: {  	_ =	shalt  }
0x60: {  	_ =	shalt  }
0x61: {  	_ =	shalt  }
0x62: {  	_ =	shalt  }
0x63: {  	_ =	shalt  }
0x64: {  	_ =	shalt  }
0x65: {  	_ =	shalt  }
0x66: {  	_ =	shalt  }
0x67: {  	_ =	shalt  }
0x68: {  	_ =	shalt  }
0x69: {  	_ =	shalt  }
0x6a: {  	_ =	shalt  }
0x6b: {  	_ =	shalt  }
0x6c: {  	_ =	shalt  }
0x6d: {  	_ =	shalt  }
0x6e: {  	_ =	shalt  }
0x6f: {  	_ =	shalt  }
0x70: {  	_ =	shalt  }
0x71: {  	_ =	shalt  }
0x72: {  	_ =	shalt  }
0x73: {  	_ =	shalt  }
0x74: {  	_ =	shalt  }
0x75: {  	_ =	shalt  }
0x76: {  	_ =	shalt  }
0x77: {  	_ =	shalt  }
0x78: {  	_ =	shalt  }
0x79: {  	_ =	shalt  }
0x7a: {  	_ =	shalt  }
0x7b: {  	_ =	shalt  }
0x7c: {  	_ =	shalt  }
0x7d: {  	_ =	shalt  }
0x7e: {  	_ =	shalt  }
0x7f: {  	_ =	shalt  }
0x80: {  	_ =	shalt  }
0x81: {  	_ =	shalt  }
0x82: {  	_ =	shalt  }
0x83: {  	_ =	shalt  }
0x84: {  	_ =	shalt  }
0x85: {  	_ =	shalt  }
0x86: {  	_ =	shalt  }
0x87: {  	_ =	shalt  }
.Lfunc_end0:
.L_simem_size_0:
called_computation.3_lowered:
.L_overlay_start_0:
0x88: {  	s2 =	sld [smem:$0x3FD9]  }
0x89: {  	s3 =	sld [smem:$0x3FFE];
	_ =	sdelay $0x1  }
0x8a: {  	s1 =	srdreg.scid  }
0x8b: {  	s0 =	sand.u32 $0x1, s1  }
0x8c: {  	s17 =	sshll.u32 s0, $0xA;
	s2 =	sadd.s32 s3, s2  }
0x8d: {  	s2 =	sadd.s32 s2, s17  }
0x8e: {  	[smem:$0x3FB0] =	sst s2  }
0x8f: {  	_ = 	snop  }
0x90: {  	(tm) =	ssettm $0x1  }
0x91: {  	s18 =	sld [smem:$0x3FFB];
	_ =	sdelay $0x3  }
0x92: {  	_ =	strace s18  }
0x93: {  	s2 =	sld [smem:$0x3FFC];
	_ =	sdelay $0x3  }
0x94: {  	_ =	strace s2  }
0x95: {  	s2 =	sld [smem:$0x3FFD];
	_ =	sdelay $0x3  }
0x96: {  	_ =	strace s2  }
0x97: {  	_ =	strace $0x8FFFFFFF  }
0x98: {  	s19 =	sld [smem:$0x3FDB];
	_ =	sdelay $0x1  }
0x99: {  	s20 =	simm.s32 $_scs_section_size  }
0x9a: {  	s4 =	simm.s32 $_size__tile_overlayer_lowered;
	s5 =	simm.s32 $_tile_overlayer_lowered  }
0x9b: {  	s6 =	simm.s32 $0x1BFF;
	s21 =	sshll.u32 s5, $0x1;
	s3 =	sadd.s32 s20, s19  }
0x9c: {  	s22 =	simm.s32 $0x0;
	s4 =	sshll.u32 s4, $0x1;
	s5 =	sadd.s32 s21, s3  }
0x9d: {  	[timem:s22], [sflag:s6] =	dma.local [hbm:s5], s4  }
0x9e: {  	_ =	swait.ge [sflag:s6], s4  }
0x9f: {  	s4 =	ssub.s32 $0x0, s4;
	[sflag:s6] =	ssyncset.done $0x0  }
0xa0: {  	[sflag:s6] =	ssyncadd.s32 s4;
	_ =	sdelay $0x1  }
0xa1: {  	s23 =	simm.s32 $0x1B8B  }
0xa2: {  	_ =	swait.ge [sflag:s23], $0x1  }
0xa3: {  	[sflag:s23] =	ssyncset.done $0x0  }
0xa4: {  	[sflag:s23] =	ssyncadd.s32 $0xFFFFFFFF  }
0xa5: {  	s4 =	sld [smem:$0x0]  }
0xa6: {  	s5 =	sand.u32 $0xFFFFFFFE, s1  }
0xa7: {  	p0 =	sne.s32 s1, s5  }
0xa8: {  	s5 =	sshll.u32 @p0 s5, $0xE  }
0xa9: {  	s5 =	sadd.s32 @p0 $0x11B8D, s5;
	s6 =	sshll.u32 @p0 s4, $0x11  }
0xaa: {  	s5 =	sor.u32 @p0 s6, s5  }
0xab: {  	[sflag:s5] =	ssyncadd.remote.s32 @p0 $0x1;
	_ =	sdelay $0x1  }
0xac: {  	s5 =	simm.s32 @p0 $0x1B8D  }
0xad: {  	_ =	swait.eq @p0 [sflag:s5], $0x1  }
0xae: {  	[sflag:s5] =	ssyncadd.s32 @p0 $0xFFFFFFFF  }
0xaf: {  	s6 =	sshll.u32 @!p0 s1, $0xE  }
0xb0: {  	s6 =	sor.u32 @!p0 $0x4000, s6;
	s5 =	simm.s32 @!p0 $0x1B8D  }
0xb1: {  	s4 =	sshll.u32 @!p0 s4, $0x11;
	s6 =	sadd.s32 @!p0 $0x11B8D, s6;
	_ =	swait.eq @!p0 [sflag:s5], $0x1  }
0xb2: {  	s4 =	sor.u32 @!p0 s4, s6;
	[sflag:s5] =	ssyncadd.s32 @!p0 $0xFFFFFFFF  }
0xb3: {  	s25 =	simm.s32 $0x1B8E;
	s24 =	sld [smem:$0x3FFE];
	[sflag:s4] =	ssyncadd.remote.s32 @!p0 $0x1  }
0xb4: {  	s26 =	simm.s32 $execute0_lowered;
	[smem:$0x3FD2] =	sst s25  }
0xb5: {  	s5 =	sshll.u32 s26, $0x1;
	_ =	strace $0x8000004C;
	[dreg:$0x1] =	wrdreg $0xFFFFFFFF  }
0xb6: {  	s28 =	simm.s32 $_size_execute0_lowered;
	s3 =	sadd.s32 s3, s5;
	[dreg:$0x0] =	wrdreg $0x0  }
0xb7: {  	s5 =	sshll.u32 s28, $0x1;
	[dreg:$0x2] =	wrdreg s3  }
0xb8: {  	[dreg:$0x3] =	wrdreg s5  }
0xb9: {  	[dreg:$0x4] =	wrdreg $0xC0  }
0xba: {  	_ =	task [dreg:s22], $0x5FFFF  }
0xbb: {  	[dreg:$0x1] =	wrdreg $0xFFFFFFFF  }
0xbc: {  	[dreg:$0x0] =	wrdreg $0x60  }
0xbd: {  	[dreg:$0x2] =	wrdreg s24  }
0xbe: {  	[dreg:$0x3] =	wrdreg $0x6F400  }
0xbf: {  	[dreg:$0x4] =	wrdreg $0xB  }
0xc0: {  	_ =	task.clear_ibuf [dreg:s22], $0x5FFFF;
	_ =	strace $0x9000004C  }
0xc1: {  	s29 =	simm.s32 $0xB;
	_ =	strace $0x8000004E  }
0xc2: {  	_ =	swait.ge [sflag:s29], $0x1  }
0xc3: {  	[sflag:s29] =	ssyncadd.s32 $0xFFFFFFFF  }
0xc4: {  	_ =	strace $0x9000004E  }
0xc5: {  	_ =	sfence  }
0xc6: {  	s30 =	sld [smem:$0x0];
	_ =	sdelay $0x2  }
0xc7: {  	s31 =	sshll.u32 s1, $0xD;
	s1 =	sshrl.u32 s1, $0x2  }
0xc8: {  	s4 =	sand.u32 $0x4000, s31;
	s1 =	sadd.s32 s1, s30  }
0xc9: {  	s0 =	sor.u32 s4, s0;
	s1 =	sshll.u32 s1, $0x11  }
0xca: {  	s0 =	sor.u32 s1, s0  }
0xcb: {  	s0 =	sadd.s32 $0x8F2B, s0  }
0xcc: {  	[sflag:s0] =	ssyncadd.remote.s32 $0x1  }
0xcd: {  	_ =	sfence.sel $0xFFFF  }
0xce: {  	[dreg:$0x0] =	wrdreg $0xFFFFFFFF;
	(pc) =	sbr.abs _section_cstart, $3  }
0xcf: {  	[dreg:$0x1] =	wrdreg $0xFFFFFFFF  }
0xd0: {  	_ =	task.clear_ibuf [dreg:s22], $0x2FFFF;
	_ =	strace $0x9FFFFFFF  }
0xd1: {  	(tm) =	ssettm $0x7FFFFFFF  }
tec
execute0_lowered:
.L_overlay_start_1:
0x0: {  	(tag) =	ssettag $0x1  }
0x1: {  	s1 =	srdreg.scid  }
0x2: {  	s0 =	stileid.u32;
	s4 =	rddreg [dreg:$0x0]  }
0x3: {  	s2 =	rddreg [dreg:$0x1];
	s3 =	simm.s32 $0x0;
	s16 =	simm.s32 $0x1EF0  }
0x4: {  	s17 =	simm.s32 $0x4740;
	s18 =	simm.s32 $0x0;
	s5 =	sand.u32 $0x1, s1  }
0x5: {  	s26 =	sshll.u32 s0, $0x1;
	s1 =	rddreg [dreg:$0x2];
	s8 =	smul.u32 $0x14000, s0  }
0x6: {  	[smem:$0x7FF] =	sst s3;
	s10 =	sadd.s32 $0x443800, s4;
	s14 =	smul.u32 $0x1F40, s0  }
0x7: {  	s29 =	sshll.u32 s0, $0x6;
	s6 =	sor.u32 s5, s26;
	s9 =	smul.u32 $0x140000, s5  }
0x8: {  	_ =	strace $0x8000004D;
	s12 =	ssub.s32 $0x2, s5;
	s28 =	smul.u32 $0xFA0, s5  }
0x9: {  	s5 =	sor.u32 $0x1C02, s29;
	s7 =	smul.u32 $0xFA0, s6;
	s11 =	sshrl.u32 s8, $0x3  }
0xa: {  	s13 =	sshrl.u32 s12, $0x1;
	s15 =	sadd.s32 s8, s2;
	s30 =	smul.u32 $0xFA00, s6  }
0xb: {  	s11 =	sadd.s32 s11, s4;
	s9 =	sadd.s32 s8, s9;
	s12 =	ssub.s32 s12, s13  }
0xc: {  	s31 =	sadd.s32 s28, s14;
	s13 =	simm.s32 $0x1F40;
	s7 =	sshrl.u32 s7, $0x3  }
0xd: {  	s14 =	simm.s32 $0x1;
	s9 =	sshrl.u32 s9, $0x3;
	s7 =	sadd.s32 s7, s4  }
0xe: {  	s9 =	sadd.s32 s9, s4;
	s4 =	sadd.s32 $0x155E00, s11;
	s11 =	sshll.u32 s31, $0x4  }
0xf: {  	s6 =	sadd.s32 $0x1CE800, s7;
	s7 =	sadd.s32 s10, s30;
	s8 =	sadd.s32 $0x17A00, s9  }
0x10: {  	s9 =	smax.u32 s12, $0x1;
	s10 =	sadd.s32 s10, s11;
	s11 =	sshrl.u32 s15, $0x3  }
0x11: {  	s12 =	simm.s32 $0x2;
	s15 =	simm.s32 $0x50;
	s10 =	sadd.s32 $0x500, s10  }
.LBB2_1:
0x12: {  	[spmem:s11], [sflag:s5] =	dma.local [hbm:s4], $0x2800  }
0x13: {  	_ =	swait.ge [sflag:s12], $0x2800  }
0x14: {  	[sflag:s12] =	ssyncset.done $0x0  }
0x15: {  	[sflag:s12] =	ssyncadd.s32 $0xFFFFD800  }
0x16: {  	[tilespmem:s3], [sflag:$0x2] =	stream.linear.gather [hbm4b:s6+s3], $0xFA0, $0x38;
	[tilespmem:$0x1AF40] =	vst v63  }
0x17: {  	_ =	swait.ge [sflag:s12], $0xFA0  }
0x18: {  	[sflag:s12] =	ssyncset.done $0x0  }
0x19: {  	s19 =	simm.s32 $0x0;
	[sflag:s12] =	ssyncadd.s32 $0xFFFFF060  }
0x1a: {  	v0 =	vld [tilespmem:s19+$0x40]  }
0x1b: {  	v1 =	vld [tilespmem:s19+$0x0]  }
0x1c: {  	v2 =	vld [tilespmem:s19+$0x10]  }
0x1d: {  	v3 =	vld [tilespmem:s19+$0x20]  }
0x1e: {  	s20 =	simm.s32 $0x140;
	v4 =	vld [tilespmem:s19+$0x30]  }
.LBB2_2:
0x1f: {  	s21 =	sshra.s32 s20, $0x2;
	p0 =	sne.s32 s20, $0x3D40;
	s20 =	sadd.s32 $0x140, s20;
	[tilespmem:s19+$0xFE0] =	vst v0  }
.Ltmp0:
0x20: {  	v0 =	vld [tilespmem:s21+$0x40];
	[tilespmem:s19+$0xFA0] =	vst v1;
	(pc) =	sbr.rel @p0 .LBB2_2-.Ltmp0, $4  }
0x21: {  	v1 =	vld [tilespmem:s21+$0x0];
	[tilespmem:s19+$0xFB0] =	vst v2  }
0x22: {  	v2 =	vld [tilespmem:s21+$0x10];
	[tilespmem:s19+$0xFC0] =	vst v3  }
0x23: {  	v3 =	vld [tilespmem:s21+$0x20];
	[tilespmem:s19+$0xFD0] =	vst v4;
	s19 =	smov.u32 s21  }
0x24: {  	v4 =	vld [tilespmem:s19+$0x30]  }
0x25: {  	[tilespmem:s19+$0xFE0] =	vst v0  }
0x26: {  	[tilespmem:s19+$0xFA0] =	vst v1  }
0x27: {  	[tilespmem:s19+$0xFB0] =	vst v2  }
0x28: {  	s29 =	simm.s32 $0x0;
	[tilespmem:s19+$0xFC0] =	vst v3  }
0x29: {  	[tilespmem:s19+$0xFD0] =	vst v4;
	s19 =	sand.u32 $0x1, s29  }
0x2a: {  	[bflag:$0x0] =	sbarrier.arrive $0xFFFF;
	s20 =	sxor.u32 $0x1, s19  }
0x2b: {  	[tilespmem:s13], [sflag:$0x1] =	stream.linear.gather [hbm4b:s7+s29], $0x2800, $0x38;
	[tilespmem:$0x1AF40] =	vst v63  }
0x2c: {  	s20 =	smul.u32 $0xA000, s20  }
0x2d: {  	s30 =	simm.s32 $0xFA0;
	s19 =	smul.u32 $0xA000, s19;
	_ =	swait.ge [sflag:s14], $0x2800  }
0x2e: {  	s31 =	simm.s32 $0x1;
	[sflag:s14] =	ssyncset.done $0x0;
	s20 =	sshrl.u32 s20, $0x2  }
0x2f: {  	s19 =	sshrl.u32 s19, $0x2;
	[sflag:s14] =	ssyncadd.s32 $0xFFFFD800;
	s20 =	sadd.s32 $0x1F40, s20  }
0x30: {  	[tilespmem:s20], [sflag:$0x1] =	stream.linear.gather [hbm4b:s10+s3], $0x2800, $0x38;
	[tilespmem:$0x1AF40] =	vst v63  }
0x31: {  	s22 =	simm.s32 $0x2;
	s21 =	sand.u32 $0x1, s31;
	s19 =	sadd.s32 $0x1F40, s19  }
0x32: {  	[spmem:s2] =	stream.indirect.scatter.add.f32 [tilespmem:s19], [sflag:$0x2], $0x80, s30, s15, $0xb8;
	[tilespmem:$0x1AF40] =	vst v63  }
0x33: {  	s20 =	simm.s32 $0xFF0;
	s19 =	sadd.s32 $0x500, s10;
	_ =	swait.ge [sflag:s12], $0x2800  }
.LBB2_4:
0x34: {  	s23 =	sxor.u32 $0x1, s21  }
0x35: {  	[sflag:s12] =	ssyncset.done $0x0;
	s24 =	smov.u32 s22;
	s25 =	sadd.s32 $0x1, s22  }
0x36: {  	p0 =	sne.s32 s22, $0x30;
	s22 =	smul.u32 $0xA000, s23;
	[sflag:s12] =	ssyncadd.s32 $0xFFFFD800  }
0x37: {  	_ =	swait.ge [sflag:s14], $0x2800  }
0x38: {  	s21 =	smul.u32 $0xA000, s21;
	[sflag:s14] =	ssyncset.done $0x0;
	s22 =	sshrl.u32 s22, $0x2  }
0x39: {  	[sflag:s14] =	ssyncadd.s32 $0xFFFFD800;
	s22 =	sadd.s32 $0x1F40, s22  }
0x3a: {  	[tilespmem:s22], [sflag:$0x1] =	stream.linear.gather [hbm4b:s19+s3], $0x2800, $0x38;
	[tilespmem:$0x1AF40] =	vst v63  }
.Ltmp1:
0x3b: {  	_ = 	snop;
	(pc) =	sbr.rel @p0 .LBB2_4-.Ltmp1, $4  }
0x3c: {  	s21 =	sshrl.u32 s21, $0x2  }
0x3d: {  	s21 =	sadd.s32 $0x1F40, s21;
	s19 =	sadd.s32 $0x500, s19;
	s22 =	smov.u32 s25  }
0x3e: {  	[spmem:s2] =	stream.indirect.scatter.add.f32 [tilespmem:s21], [sflag:$0x2], $0x80, s20, s15, $0xb8;
	[tilespmem:$0x1AF40] =	vst v63  }
0x3f: {  	s21 =	sand.u32 $0x1, s24;
	s20 =	sadd.s32 $0x50, s20;
	_ =	swait.ge [sflag:s12], $0x2800  }
0x40: {  	s22 =	sxor.u32 $0x1, s21;
	[sflag:s12] =	ssyncset.done $0x0  }
0x41: {  	s22 =	smul.u32 $0xA000, s22;
	[sflag:s12] =	ssyncadd.s32 $0xFFFFD800  }
0x42: {  	s30 =	smul.u32 $0xA000, s21;
	_ =	swait.ge [sflag:s14], $0x2800  }
0x43: {  	[sflag:s14] =	ssyncset.done $0x0;
	s22 =	sshrl.u32 s22, $0x2  }
0x44: {  	s31 =	sshrl.u32 s30, $0x2;
	[sflag:s14] =	ssyncadd.s32 $0xFFFFD800;
	s22 =	sadd.s32 $0x1F40, s22  }
0x45: {  	[tilespmem:s22], [sflag:$0x1] =	stream.linear.gather [hbm4b:s19+s3], $0x2800, $0x38;
	[tilespmem:$0x1AF40] =	vst v63  }
0x46: {  	s19 =	sadd.s32 $0x1F40, s31  }
0x47: {  	[spmem:s2] =	stream.indirect.scatter.add.f32 [tilespmem:s19], [sflag:$0x2], $0x80, s20, s15, $0xb8;
	[tilespmem:$0x1AF40] =	vst v63  }
0x48: {  	_ =	swait.ge [sflag:s12], $0x2800  }
0x49: {  	[sflag:s12] =	ssyncset.done $0x0  }
0x4a: {  	[sflag:s12] =	ssyncadd.s32 $0xFFFFD800  }
0x4b: {  	_ =	swait.ge [sflag:s14], $0x2800  }
0x4c: {  	[sflag:s14] =	ssyncset.done $0x0  }
0x4d: {  	[sflag:s14] =	ssyncadd.s32 $0xFFFFD800  }
0x4e: {  	[spmem:s2] =	stream.indirect.scatter.add.f32 [tilespmem:s17], [sflag:$0x2], $0x80, s16, s15, $0xb8;
	[tilespmem:$0x1AF40] =	vst v63  }
0x4f: {  	_ =	swait.ge [sflag:s12], $0x2800  }
0x50: {  	s18 =	sadd.s32 $0x1, s18;
	[sflag:s12] =	ssyncset.done $0x0  }
0x51: {  	p0 =	sne.s32 s18, s9;
	[sflag:s12] =	ssyncadd.s32 $0xFFFFD800  }
.Ltmp2:
0x52: {  	[bflag:$0x0] =	sbarrier.arrive $0xFFFF;
	(pc) =	sbr.rel @p0 .LBB2_1-.Ltmp2, $4  }
0x53: {  	[hbm:s8], [sflag:s5] =	dma.local [spmem:s11], $0x2800  }
0x54: {  	_ =	swait.ge [sflag:s12], $0x2800  }
0x55: {  	[sflag:s12] =	ssyncset.done $0x0  }
0x56: {  	[sflag:s12] =	ssyncadd.s32 $0xFFFFD800  }
0x57: {  	_ =	sfence.sel $0x180000  }
0x58: {  	[bflag:$0x0] =	sbarrier.arrive $0xFFFF  }
0x59: {  	p0 =	sne.s32 s0, $0x0;
	_ =	strace $0x9000004D  }
0x5a: {  	s0 =	sadd.s32 @!p0 $0x100000, s1;
	[bflag:$0x2] =	sbarrier.arrive $0xFFFF  }
0x5b: {  	[sflag:s0] =	ssyncadd.tile.s32 @!p0 $0x1;
	_ =	shalt  }
.Lfunc_end2:
_tile_overlayer_lowered:
.L_overlay_start_2:
0x5c: {  	(tag) =	ssettag $0x2  }
0x5d: {  	s0 =	rddreg [dreg:$0x0];
	s2 =	stileid.u32  }
0x5e: {  	s1 =	rddreg [dreg:$0x1];
	p0 =	sne.s32 s2, $0x0  }
0x5f: {  	s3 =	rddreg [dreg:$0x2];
	[bflag:$0x3] =	sbarrier.arrive $0xFFFF;
	s2 =	simm.s32 @!p0 $0x1C02  }
0x60: {  	[timem:s3], [sflag:s2] =	dma.local @!p0 [hbm:s0], s1  }
0x61: {  	s0 =	simm.s32 @!p0 $0x2  }
0x62: {  	_ =	swait.ge @!p0 [sflag:s0], s1  }
0x63: {  	s1 =	ssub.s32 @!p0 $0x0, s1;
	[sflag:s0] =	ssyncset.done @!p0 $0x0  }
0x64: {  	[sflag:s0] =	ssyncadd.s32 @!p0 s1  }
0x65: {  	[bflag:$0x3] =	sbarrier.arrive $0xFFFF  }
0x66: {  	_ =	shalt  }

</sc_bundles>
